<compile_context>
chip_gen: v7x
topology: tpu7x:2x2x1
jax: 0.10.2.dev20260603
libtpu: 0.0.44.dev20260713+nightly
codegen_flags: <defaults>
</compile_context>

<pallas_src>
import functools

import jax
import jax.numpy as jnp
from jax import lax
from jax.experimental import pallas as pl
from jax.experimental.pallas import tpu as pltpu
from jax.experimental.pallas import tpu_sc as plsc

NC, NS, L = 2, 16, 16
NW = NC * NS
ROWS, COLS = 64, 8192
ROWS_PER_W = ROWS // NW
CHUNKS = COLS // L
ROWS_PER_C = ROWS // NC

_mesh = plsc.VectorSubcoreMesh(core_axis_name="c", subcore_axis_name="s")


@functools.partial(
    pl.kernel,
    mesh=_mesh,
    out_type=jax.ShapeDtypeStruct((ROWS,), jnp.int32),
    scratch_types=[
        pltpu.VMEM((COLS,), jnp.float32),
        pltpu.VMEM((COLS,), jnp.float32),
        pltpu.VMEM((L,), jnp.int32),
        pltpu.VMEM((NS * L,), jnp.int32),
        pltpu.VMEM((ROWS_PER_C,), jnp.int32),
        pltpu.VMEM_SHARED((NS * L,), jnp.int32),
        pltpu.SemaphoreType.DMA,
        pltpu.SemaphoreType.DMA,
        pltpu.SemaphoreType.DMA,
        pltpu.SemaphoreType.DMA,
        pltpu.SemaphoreType.DMA,
    ],
)
def _argmax_sc(in_hbm, out_hbm, buf0, buf1, stage, gath, cbuf, shared,
               sem0a, sem0b, sem0c, sem0d, sem1):
    c = lax.axis_index("c")
    s = lax.axis_index("s")
    r0 = (c * NS + s) * ROWS_PER_W
    q = COLS // 4
    cp0 = [
        pltpu.async_copy(
            in_hbm.at[r0, pl.ds(i * q, q)], buf0.at[pl.ds(i * q, q)], sem)
        for i, sem in enumerate((sem0a, sem0b, sem0c, sem0d))
    ]
    cp1 = pltpu.async_copy(in_hbm.at[r0 + 1], buf1, sem1)
    lanes = lax.iota(jnp.int32, 16)
    big = jnp.int32(2**31 - 1)

    def shuffle(x, k):
        return x.at[lanes ^ k].get(mode="promise_in_bounds")

    neg_inf = jnp.full((L,), -jnp.inf, jnp.float32)

    def argmax_row(buf, copies=None):
        unroll = 16
        steps = CHUNKS // unroll

        def body(t, carry):
            maxvs, maxts = (list(x) for x in carry)
            tvec = jnp.full((L,), 0, jnp.int32) + t
            base = t * unroll
            for u in range(unroll):
                chunk = buf[pl.ds((base + u) * L, L)]
                old = maxvs[u]
                pred = chunk > old
                maxvs[u] = jnp.maximum(old, chunk)
                maxts[u] = jnp.where(pred, tvec, maxts[u])
            return tuple(maxvs), tuple(maxts)

        carry = ((neg_inf,) * unroll, (jnp.full((L,), 0, jnp.int32),) * unroll)
        if copies is None:
            carry = plsc.parallel_loop(0, steps, 1, carry=carry)(body)
        else:
            per = steps // len(copies)
            for i, cp in enumerate(copies):
                cp.wait()
                carry = plsc.parallel_loop(
                    i * per, (i + 1) * per, 1, carry=carry)(body)
        maxvs, maxts = carry
        m = maxvs[0]
        for u in range(1, unroll):
            m = jnp.maximum(m, maxvs[u])
        for k in (1, 2, 4, 8):
            m = jnp.maximum(m, shuffle(m, k))
        cand = None
        for u in range(unroll):
            idx = (maxts[u] << 8) + (lanes + u * L)
            c_u = jnp.where(maxvs[u] == m, idx, big)
            cand = c_u if cand is None else jnp.minimum(cand, c_u)
        for k in (1, 2, 4, 8):
            cand = jnp.minimum(cand, shuffle(cand, k))
        return cand

    a0 = argmax_row(buf0, cp0)
    cp1.wait()
    a1 = argmax_row(buf1)
    p0 = (2 * s) % L
    stage[...] = jnp.where(lanes == p0, a0, jnp.where(lanes == p0 + 1, a1, 0))
    pltpu.sync_copy(stage, shared.at[pl.ds(s * L, L)])
    plsc.subcore_barrier()

    @pl.when(s == 0)
    def _():
        pltpu.sync_copy(shared, gath)
        for h in range(2):
            acc = gath[pl.ds(8 * h * L, L)]
            for t in range(1, 8):
                acc = acc + gath[pl.ds((8 * h + t) * L, L)]
            cbuf[pl.ds(h * L, L)] = acc
        pltpu.sync_copy(cbuf, out_hbm.at[pl.ds(c * ROWS_PER_C, ROWS_PER_C)])


def kernel(inputs):
    return _argmax_sc(inputs).astype(jnp.int64)

# --- scband reference (transcript-rebuilt; emitter-appended) ---
"""Pipeline reference for scband-argmax-layer-36867999269444 (READ-ONLY COPY).

The authoritative reference and input builder live on the scoring server;
editing this copy changes nothing except your own understanding.
"""

import jax, jax.numpy as jnp
import numpy as np

def setup_inputs(seed: int = 0) -> dict:
    key = jax.random.key(seed)
    inputs = jax.random.normal(key, (64, 8192), dtype=jnp.float32)
    return {"inputs": inputs}

def reference(inputs):
    # Faithful translation of tf.math.argmax(inputs, axis=-1)
    return jnp.argmax(inputs, axis=-1).astype(jnp.int64)

if __name__ == "__main__":
    import jax
    _d = setup_inputs()
    print(jax.jit(kernel)(*tuple(_d.values())))

</pallas_src>

<mosaic_0001>
#map = affine_map<(d0, d1) -> (0, 0)>
#map1 = affine_map<(d0, d1) -> (0)>
module attributes {stable_mosaic.version = 14 : i64} {
  func.func @_argmax_sc(%arg0: i32, %arg1: i32, %arg2: memref<64x8192xf32, #tpu.memory_space<hbm>>, %arg3: memref<64xi32, #tpu.memory_space<hbm>>, %arg4: memref<8192xf32, #tpu.memory_space<vmem>>, %arg5: memref<8192xf32, #tpu.memory_space<vmem>>, %arg6: memref<16xi32, #tpu.memory_space<vmem>>, %arg7: memref<256xi32, #tpu.memory_space<vmem>>, %arg8: memref<32xi32, #tpu.memory_space<vmem>>, %arg9: memref<256xi32, #tpu.memory_space<vmem_shared>>, %arg10: memref<!tpu.dma_semaphore, #tpu.memory_space<semaphore_mem>>, %arg11: memref<!tpu.dma_semaphore, #tpu.memory_space<semaphore_mem>>, %arg12: memref<!tpu.dma_semaphore, #tpu.memory_space<semaphore_mem>>, %arg13: memref<!tpu.dma_semaphore, #tpu.memory_space<semaphore_mem>>, %arg14: memref<!tpu.dma_semaphore, #tpu.memory_space<semaphore_mem>>) attributes {dimension_semantics = [#tpu.dimension_semantics<core_parallel>, #tpu.dimension_semantics<subcore_parallel>], iteration_bounds = array<i64: 2, 16>, scalar_prefetch = 0 : i64, scratch_operands = 11 : i64, tpu.core_type = #tpu.core_type<sc_vector_subcore>, window_params = [{transform_indices = #map}, {transform_indices = #map1}]} {
    %mul3A = arith.constant 16 : i32
    %mul3A_0 = arith.muli %arg0, %mul3A : i32
    %add3A = arith.addi %mul3A_0, %arg1 : i32
    %mul3A_1 = arith.constant 2 : i32
    %mul3A_2 = arith.muli %add3A, %mul3A_1 : i32
    %dma_start3A = arith.constant 0 : i32
    %dma_start3A_3 = tpu.memref_slice %arg4[%dma_start3A] : memref<8192xf32, #tpu.memory_space<vmem>> -> memref<2048xf32, #tpu.memory_space<vmem>>
    %dma_start3A_4 = arith.constant 0 : i32
    %dma_start3A_5 = tpu.memref_slice %arg2[%mul3A_2, %dma_start3A_4] : memref<64x8192xf32, #tpu.memory_space<hbm>> -> memref<1x2048xf32, #tpu.memory_space<hbm>>
    %dma_start3A_6 = tpu.memref_squeeze %dma_start3A_5 : memref<1x2048xf32, #tpu.memory_space<hbm>> -> memref<2048xf32, #tpu.memory_space<hbm>>
    %dma_start3A_7 = arith.constant 0 : i32
    %dma_start3A_8 = tpu.memref_slice %arg4[%dma_start3A_7] : memref<8192xf32, #tpu.memory_space<vmem>> -> memref<2048xf32, #tpu.memory_space<vmem>>
    %dma_start3A_9 = arith.constant 0 : i32
    %dma_start3A_10 = tpu.memref_slice %arg2[%mul3A_2, %dma_start3A_9] : memref<64x8192xf32, #tpu.memory_space<hbm>> -> memref<1x2048xf32, #tpu.memory_space<hbm>>
    %dma_start3A_11 = tpu.memref_squeeze %dma_start3A_10 : memref<1x2048xf32, #tpu.memory_space<hbm>> -> memref<2048xf32, #tpu.memory_space<hbm>>
    tpu.enqueue_dma source(%dma_start3A_11 : memref<2048xf32, #tpu.memory_space<hbm>>) target(%dma_start3A_8 : memref<2048xf32, #tpu.memory_space<vmem>>) target_semaphore(%arg10 : memref<!tpu.dma_semaphore, #tpu.memory_space<semaphore_mem>>)
    %dma_start3A_12 = arith.constant 2048 : i32
    %dma_start3A_13 = tpu.memref_slice %arg4[%dma_start3A_12] : memref<8192xf32, #tpu.memory_space<vmem>> -> memref<2048xf32, #tpu.memory_space<vmem>>
    %dma_start3A_14 = arith.constant 2048 : i32
    %dma_start3A_15 = tpu.memref_slice %arg2[%mul3A_2, %dma_start3A_14] : memref<64x8192xf32, #tpu.memory_space<hbm>> -> memref<1x2048xf32, #tpu.memory_space<hbm>>
    %dma_start3A_16 = tpu.memref_squeeze %dma_start3A_15 : memref<1x2048xf32, #tpu.memory_space<hbm>> -> memref<2048xf32, #tpu.memory_space<hbm>>
    %dma_start3A_17 = arith.constant 2048 : i32
    %dma_start3A_18 = tpu.memref_slice %arg4[%dma_start3A_17] : memref<8192xf32, #tpu.memory_space<vmem>> -> memref<2048xf32, #tpu.memory_space<vmem>>
    %dma_start3A_19 = arith.constant 2048 : i32
    %dma_start3A_20 = tpu.memref_slice %arg2[%mul3A_2, %dma_start3A_19] : memref<64x8192xf32, #tpu.memory_space<hbm>> -> memref<1x2048xf32, #tpu.memory_space<hbm>>
    %dma_start3A_21 = tpu.memref_squeeze %dma_start3A_20 : memref<1x2048xf32, #tpu.memory_space<hbm>> -> memref<2048xf32, #tpu.memory_space<hbm>>
    tpu.enqueue_dma source(%dma_start3A_21 : memref<2048xf32, #tpu.memory_space<hbm>>) target(%dma_start3A_18 : memref<2048xf32, #tpu.memory_space<vmem>>) target_semaphore(%arg11 : memref<!tpu.dma_semaphore, #tpu.memory_space<semaphore_mem>>)
    %dma_start3A_22 = arith.constant 4096 : i32
    %dma_start3A_23 = tpu.memref_slice %arg4[%dma_start3A_22] : memref<8192xf32, #tpu.memory_space<vmem>> -> memref<2048xf32, #tpu.memory_space<vmem>>
    %dma_start3A_24 = arith.constant 4096 : i32
    %dma_start3A_25 = tpu.memref_slice %arg2[%mul3A_2, %dma_start3A_24] : memref<64x8192xf32, #tpu.memory_space<hbm>> -> memref<1x2048xf32, #tpu.memory_space<hbm>>
    %dma_start3A_26 = tpu.memref_squeeze %dma_start3A_25 : memref<1x2048xf32, #tpu.memory_space<hbm>> -> memref<2048xf32, #tpu.memory_space<hbm>>
    %dma_start3A_27 = arith.constant 4096 : i32
    %dma_start3A_28 = tpu.memref_slice %arg4[%dma_start3A_27] : memref<8192xf32, #tpu.memory_space<vmem>> -> memref<2048xf32, #tpu.memory_space<vmem>>
    %dma_start3A_29 = arith.constant 4096 : i32
    %dma_start3A_30 = tpu.memref_slice %arg2[%mul3A_2, %dma_start3A_29] : memref<64x8192xf32, #tpu.memory_space<hbm>> -> memref<1x2048xf32, #tpu.memory_space<hbm>>
    %dma_start3A_31 = tpu.memref_squeeze %dma_start3A_30 : memref<1x2048xf32, #tpu.memory_space<hbm>> -> memref<2048xf32, #tpu.memory_space<hbm>>
    tpu.enqueue_dma source(%dma_start3A_31 : memref<2048xf32, #tpu.memory_space<hbm>>) target(%dma_start3A_28 : memref<2048xf32, #tpu.memory_space<vmem>>) target_semaphore(%arg12 : memref<!tpu.dma_semaphore, #tpu.memory_space<semaphore_mem>>)
    %dma_start3A_32 = arith.constant 6144 : i32
    %dma_start3A_33 = tpu.memref_slice %arg4[%dma_start3A_32] : memref<8192xf32, #tpu.memory_space<vmem>> -> memref<2048xf32, #tpu.memory_space<vmem>>
    %dma_start3A_34 = arith.constant 6144 : i32
    %dma_start3A_35 = tpu.memref_slice %arg2[%mul3A_2, %dma_start3A_34] : memref<64x8192xf32, #tpu.memory_space<hbm>> -> memref<1x2048xf32, #tpu.memory_space<hbm>>
    %dma_start3A_36 = tpu.memref_squeeze %dma_start3A_35 : memref<1x2048xf32, #tpu.memory_space<hbm>> -> memref<2048xf32, #tpu.memory_space<hbm>>
    %dma_start3A_37 = arith.constant 6144 : i32
    %dma_start3A_38 = tpu.memref_slice %arg4[%dma_start3A_37] : memref<8192xf32, #tpu.memory_space<vmem>> -> memref<2048xf32, #tpu.memory_space<vmem>>
    %dma_start3A_39 = arith.constant 6144 : i32
    %dma_start3A_40 = tpu.memref_slice %arg2[%mul3A_2, %dma_start3A_39] : memref<64x8192xf32, #tpu.memory_space<hbm>> -> memref<1x2048xf32, #tpu.memory_space<hbm>>
    %dma_start3A_41 = tpu.memref_squeeze %dma_start3A_40 : memref<1x2048xf32, #tpu.memory_space<hbm>> -> memref<2048xf32, #tpu.memory_space<hbm>>
    tpu.enqueue_dma source(%dma_start3A_41 : memref<2048xf32, #tpu.memory_space<hbm>>) target(%dma_start3A_38 : memref<2048xf32, #tpu.memory_space<vmem>>) target_semaphore(%arg13 : memref<!tpu.dma_semaphore, #tpu.memory_space<semaphore_mem>>)
    %add3A_42 = arith.constant 1 : i32
    %add3A_43 = arith.addi %mul3A_2, %add3A_42 : i32
    %dma_start3A_44 = arith.constant 0 : i32
    %dma_start3A_45 = tpu.memref_slice %arg2[%add3A_43, %dma_start3A_44] : memref<64x8192xf32, #tpu.memory_space<hbm>> -> memref<1x8192xf32, #tpu.memory_space<hbm>>
    %dma_start3A_46 = tpu.memref_squeeze %dma_start3A_45 : memref<1x8192xf32, #tpu.memory_space<hbm>> -> memref<8192xf32, #tpu.memory_space<hbm>>
    %dma_start3A_47 = arith.constant 0 : i32
    %dma_start3A_48 = tpu.memref_slice %arg2[%add3A_43, %dma_start3A_47] : memref<64x8192xf32, #tpu.memory_space<hbm>> -> memref<1x8192xf32, #tpu.memory_space<hbm>>
    %dma_start3A_49 = tpu.memref_squeeze %dma_start3A_48 : memref<1x8192xf32, #tpu.memory_space<hbm>> -> memref<8192xf32, #tpu.memory_space<hbm>>
    tpu.enqueue_dma source(%dma_start3A_49 : memref<8192xf32, #tpu.memory_space<hbm>>) target(%arg5 : memref<8192xf32, #tpu.memory_space<vmem>>) target_semaphore(%arg14 : memref<!tpu.dma_semaphore, #tpu.memory_space<semaphore_mem>>)
    %iota3A = tpu.iota {dimensions = array<i32: 0>} : vector<16xi32>
    %broadcast_in_dim3A = arith.constant 0xFF800000 : f32
    %broadcast_in_dim3A_50 = vector.broadcast %broadcast_in_dim3A : f32 to vector<16xf32>
    %broadcast_in_dim3A_51 = arith.constant 0 : i32
    %broadcast_in_dim3A_52 = vector.broadcast %broadcast_in_dim3A_51 : i32 to vector<16xi32>
    %dma_wait3A = arith.constant 0 : i32
    %dma_wait3A_53 = tpu.memref_slice %arg4[%dma_wait3A] : memref<8192xf32, #tpu.memory_space<vmem>> -> memref<2048xf32, #tpu.memory_space<vmem>>
    %dma_wait3A_54 = arith.constant 0 : i32
    %dma_wait3A_55 = tpu.memref_slice %arg2[%mul3A_2, %dma_wait3A_54] : memref<64x8192xf32, #tpu.memory_space<hbm>> -> memref<1x2048xf32, #tpu.memory_space<hbm>>
    %dma_wait3A_56 = tpu.memref_squeeze %dma_wait3A_55 : memref<1x2048xf32, #tpu.memory_space<hbm>> -> memref<2048xf32, #tpu.memory_space<hbm>>
    %dma_wait3A_57 = arith.constant 0 : i32
    %dma_wait3A_58 = tpu.memref_slice %arg4[%dma_wait3A_57] : memref<8192xf32, #tpu.memory_space<vmem>> -> memref<2048xf32, #tpu.memory_space<vmem>>
    %dma_wait3A_59 = arith.constant 0 : i32
    %dma_wait3A_60 = tpu.memref_slice %arg2[%mul3A_2, %dma_wait3A_59] : memref<64x8192xf32, #tpu.memory_space<hbm>> -> memref<1x2048xf32, #tpu.memory_space<hbm>>
    %dma_wait3A_61 = tpu.memref_squeeze %dma_wait3A_60 : memref<1x2048xf32, #tpu.memory_space<hbm>> -> memref<2048xf32, #tpu.memory_space<hbm>>
    tpu.wait_dma2 semaphore(%arg10 : memref<!tpu.dma_semaphore, #tpu.memory_space<semaphore_mem>>) src(%dma_wait3A_61 : memref<2048xf32, #tpu.memory_space<hbm>>) dst(%dma_wait3A_58 : memref<2048xf32, #tpu.memory_space<vmem>>)
    %parallel_loop3A = arith.constant 0 : i32
    %parallel_loop3A_62 = arith.constant 8 : i32
    %parallel_loop3A_63 = arith.constant 1 : i32
    %parallel_loop3A_64:32 = scf.for %parallel_loop3A_779 = %parallel_loop3A to %parallel_loop3A_62 step %parallel_loop3A_63 iter_args(%parallel_loop3A_780 = %broadcast_in_dim3A_50, %parallel_loop3A_781 = %broadcast_in_dim3A_50, %parallel_loop3A_782 = %broadcast_in_dim3A_50, %parallel_loop3A_783 = %broadcast_in_dim3A_50, %parallel_loop3A_784 = %broadcast_in_dim3A_50, %parallel_loop3A_785 = %broadcast_in_dim3A_50, %parallel_loop3A_786 = %broadcast_in_dim3A_50, %parallel_loop3A_787 = %broadcast_in_dim3A_50, %parallel_loop3A_788 = %broadcast_in_dim3A_50, %parallel_loop3A_789 = %broadcast_in_dim3A_50, %parallel_loop3A_790 = %broadcast_in_dim3A_50, %parallel_loop3A_791 = %broadcast_in_dim3A_50, %parallel_loop3A_792 = %broadcast_in_dim3A_50, %parallel_loop3A_793 = %broadcast_in_dim3A_50, %parallel_loop3A_794 = %broadcast_in_dim3A_50, %parallel_loop3A_795 = %broadcast_in_dim3A_50, %parallel_loop3A_796 = %broadcast_in_dim3A_52, %parallel_loop3A_797 = %broadcast_in_dim3A_52, %parallel_loop3A_798 = %broadcast_in_dim3A_52, %parallel_loop3A_799 = %broadcast_in_dim3A_52, %parallel_loop3A_800 = %broadcast_in_dim3A_52, %parallel_loop3A_801 = %broadcast_in_dim3A_52, %parallel_loop3A_802 = %broadcast_in_dim3A_52, %parallel_loop3A_803 = %broadcast_in_dim3A_52, %parallel_loop3A_804 = %broadcast_in_dim3A_52, %parallel_loop3A_805 = %broadcast_in_dim3A_52, %parallel_loop3A_806 = %broadcast_in_dim3A_52, %parallel_loop3A_807 = %broadcast_in_dim3A_52, %parallel_loop3A_808 = %broadcast_in_dim3A_52, %parallel_loop3A_809 = %broadcast_in_dim3A_52, %parallel_loop3A_810 = %broadcast_in_dim3A_52, %parallel_loop3A_811 = %broadcast_in_dim3A_52) -> (vector<16xf32>, vector<16xf32>, vector<16xf32>, vector<16xf32>, vector<16xf32>, vector<16xf32>, vector<16xf32>, vector<16xf32>, vector<16xf32>, vector<16xf32>, vector<16xf32>, vector<16xf32>, vector<16xf32>, vector<16xf32>, vector<16xf32>, vector<16xf32>, vector<16xi32>, vector<16xi32>, vector<16xi32>, vector<16xi32>, vector<16xi32>, vector<16xi32>, vector<16xi32>, vector<16xi32>, vector<16xi32>, vector<16xi32>, vector<16xi32>, vector<16xi32>, vector<16xi32>, vector<16xi32>, vector<16xi32>, vector<16xi32>)  : i32 {
      %parallel_loop3A_812 = arith.constant 0 : i32
      %parallel_loop3A_813 = vector.broadcast %parallel_loop3A_812 : i32 to vector<16xi32>
      %parallel_loop3A_814 = vector.broadcast %parallel_loop3A_779 : i32 to vector<16xi32>
      %parallel_loop3A_815 = arith.addi %parallel_loop3A_813, %parallel_loop3A_814 : vector<16xi32>
      %parallel_loop3A_816 = arith.constant 16 : i32
      %parallel_loop3A_817 = arith.muli %parallel_loop3A_779, %parallel_loop3A_816 : i32
      %parallel_loop3A_818 = arith.constant 0 : i32
      %parallel_loop3A_819 = arith.addi %parallel_loop3A_817, %parallel_loop3A_818 : i32
      %parallel_loop3A_820 = arith.constant 16 : i32
      %parallel_loop3A_821 = arith.muli %parallel_loop3A_819, %parallel_loop3A_820 : i32
      %parallel_loop3A_822 = arith.index_cast %parallel_loop3A_821 : i32 to index
      %parallel_loop3A_823 = tpu.vector_load %arg4[%parallel_loop3A_822] {strides = array<i32>} : memref<8192xf32, #tpu.memory_space<vmem>>, vector<16xf32>,
      %parallel_loop3A_824 = vector.shape_cast %parallel_loop3A_823 : vector<16xf32> to vector<16xf32>
      %parallel_loop3A_825 = arith.cmpf ogt, %parallel_loop3A_824, %parallel_loop3A_780 : vector<16xf32>
      %parallel_loop3A_826 = arith.maximumf %parallel_loop3A_780, %parallel_loop3A_824 : vector<16xf32>
      %parallel_loop3A_827 = arith.select %parallel_loop3A_825, %parallel_loop3A_815, %parallel_loop3A_796 : vector<16xi1>, vector<16xi32>
      %parallel_loop3A_828 = arith.constant 1 : i32
      %parallel_loop3A_829 = arith.addi %parallel_loop3A_817, %parallel_loop3A_828 : i32
      %parallel_loop3A_830 = arith.constant 16 : i32
      %parallel_loop3A_831 = arith.muli %parallel_loop3A_829, %parallel_loop3A_830 : i32
      %parallel_loop3A_832 = arith.index_cast %parallel_loop3A_831 : i32 to index
      %parallel_loop3A_833 = tpu.vector_load %arg4[%parallel_loop3A_832] {strides = array<i32>} : memref<8192xf32, #tpu.memory_space<vmem>>, vector<16xf32>,
      %parallel_loop3A_834 = vector.shape_cast %parallel_loop3A_833 : vector<16xf32> to vector<16xf32>
      %parallel_loop3A_835 = arith.cmpf ogt, %parallel_loop3A_834, %parallel_loop3A_781 : vector<16xf32>
      %parallel_loop3A_836 = arith.maximumf %parallel_loop3A_781, %parallel_loop3A_834 : vector<16xf32>
      %parallel_loop3A_837 = arith.select %parallel_loop3A_835, %parallel_loop3A_815, %parallel_loop3A_797 : vector<16xi1>, vector<16xi32>
      %parallel_loop3A_838 = arith.constant 2 : i32
      %parallel_loop3A_839 = arith.addi %parallel_loop3A_817, %parallel_loop3A_838 : i32
      %parallel_loop3A_840 = arith.constant 16 : i32
      %parallel_loop3A_841 = arith.muli %parallel_loop3A_839, %parallel_loop3A_840 : i32
      %parallel_loop3A_842 = arith.index_cast %parallel_loop3A_841 : i32 to index
      %parallel_loop3A_843 = tpu.vector_load %arg4[%parallel_loop3A_842] {strides = array<i32>} : memref<8192xf32, #tpu.memory_space<vmem>>, vector<16xf32>,
      %parallel_loop3A_844 = vector.shape_cast %parallel_loop3A_843 : vector<16xf32> to vector<16xf32>
      %parallel_loop3A_845 = arith.cmpf ogt, %parallel_loop3A_844, %parallel_loop3A_782 : vector<16xf32>
      %parallel_loop3A_846 = arith.maximumf %parallel_loop3A_782, %parallel_loop3A_844 : vector<16xf32>
      %parallel_loop3A_847 = arith.select %parallel_loop3A_845, %parallel_loop3A_815, %parallel_loop3A_798 : vector<16xi1>, vector<16xi32>
      %parallel_loop3A_848 = arith.constant 3 : i32
      %parallel_loop3A_849 = arith.addi %parallel_loop3A_817, %parallel_loop3A_848 : i32
      %parallel_loop3A_850 = arith.constant 16 : i32
      %parallel_loop3A_851 = arith.muli %parallel_loop3A_849, %parallel_loop3A_850 : i32
      %parallel_loop3A_852 = arith.index_cast %parallel_loop3A_851 : i32 to index
      %parallel_loop3A_853 = tpu.vector_load %arg4[%parallel_loop3A_852] {strides = array<i32>} : memref<8192xf32, #tpu.memory_space<vmem>>, vector<16xf32>,
      %parallel_loop3A_854 = vector.shape_cast %parallel_loop3A_853 : vector<16xf32> to vector<16xf32>
      %parallel_loop3A_855 = arith.cmpf ogt, %parallel_loop3A_854, %parallel_loop3A_783 : vector<16xf32>
      %parallel_loop3A_856 = arith.maximumf %parallel_loop3A_783, %parallel_loop3A_854 : vector<16xf32>
      %parallel_loop3A_857 = arith.select %parallel_loop3A_855, %parallel_loop3A_815, %parallel_loop3A_799 : vector<16xi1>, vector<16xi32>
      %parallel_loop3A_858 = arith.constant 4 : i32
      %parallel_loop3A_859 = arith.addi %parallel_loop3A_817, %parallel_loop3A_858 : i32
      %parallel_loop3A_860 = arith.constant 16 : i32
      %parallel_loop3A_861 = arith.muli %parallel_loop3A_859, %parallel_loop3A_860 : i32
      %parallel_loop3A_862 = arith.index_cast %parallel_loop3A_861 : i32 to index
      %parallel_loop3A_863 = tpu.vector_load %arg4[%parallel_loop3A_862] {strides = array<i32>} : memref<8192xf32, #tpu.memory_space<vmem>>, vector<16xf32>,
      %parallel_loop3A_864 = vector.shape_cast %parallel_loop3A_863 : vector<16xf32> to vector<16xf32>
      %parallel_loop3A_865 = arith.cmpf ogt, %parallel_loop3A_864, %parallel_loop3A_784 : vector<16xf32>
      %parallel_loop3A_866 = arith.maximumf %parallel_loop3A_784, %parallel_loop3A_864 : vector<16xf32>
      %parallel_loop3A_867 = arith.select %parallel_loop3A_865, %parallel_loop3A_815, %parallel_loop3A_800 : vector<16xi1>, vector<16xi32>
      %parallel_loop3A_868 = arith.constant 5 : i32
      %parallel_loop3A_869 = arith.addi %parallel_loop3A_817, %parallel_loop3A_868 : i32
      %parallel_loop3A_870 = arith.constant 16 : i32
      %parallel_loop3A_871 = arith.muli %parallel_loop3A_869, %parallel_loop3A_870 : i32
      %parallel_loop3A_872 = arith.index_cast %parallel_loop3A_871 : i32 to index
      %parallel_loop3A_873 = tpu.vector_load %arg4[%parallel_loop3A_872] {strides = array<i32>} : memref<8192xf32, #tpu.memory_space<vmem>>, vector<16xf32>,
      %parallel_loop3A_874 = vector.shape_cast %parallel_loop3A_873 : vector<16xf32> to vector<16xf32>
      %parallel_loop3A_875 = arith.cmpf ogt, %parallel_loop3A_874, %parallel_loop3A_785 : vector<16xf32>
      %parallel_loop3A_876 = arith.maximumf %parallel_loop3A_785, %parallel_loop3A_874 : vector<16xf32>
      %parallel_loop3A_877 = arith.select %parallel_loop3A_875, %parallel_loop3A_815, %parallel_loop3A_801 : vector<16xi1>, vector<16xi32>
      %parallel_loop3A_878 = arith.constant 6 : i32
      %parallel_loop3A_879 = arith.addi %parallel_loop3A_817, %parallel_loop3A_878 : i32
      %parallel_loop3A_880 = arith.constant 16 : i32
      %parallel_loop3A_881 = arith.muli %parallel_loop3A_879, %parallel_loop3A_880 : i32
      %parallel_loop3A_882 = arith.index_cast %parallel_loop3A_881 : i32 to index
      %parallel_loop3A_883 = tpu.vector_load %arg4[%parallel_loop3A_882] {strides = array<i32>} : memref<8192xf32, #tpu.memory_space<vmem>>, vector<16xf32>,
      %parallel_loop3A_884 = vector.shape_cast %parallel_loop3A_883 : vector<16xf32> to vector<16xf32>
      %parallel_loop3A_885 = arith.cmpf ogt, %parallel_loop3A_884, %parallel_loop3A_786 : vector<16xf32>
      %parallel_loop3A_886 = arith.maximumf %parallel_loop3A_786, %parallel_loop3A_884 : vector<16xf32>
      %parallel_loop3A_887 = arith.select %parallel_loop3A_885, %parallel_loop3A_815, %parallel_loop3A_802 : vector<16xi1>, vector<16xi32>
      %parallel_loop3A_888 = arith.constant 7 : i32
      %parallel_loop3A_889 = arith.addi %parallel_loop3A_817, %parallel_loop3A_888 : i32
      %parallel_loop3A_890 = arith.constant 16 : i32
      %parallel_loop3A_891 = arith.muli %parallel_loop3A_889, %parallel_loop3A_890 : i32
      %parallel_loop3A_892 = arith.index_cast %parallel_loop3A_891 : i32 to index
      %parallel_loop3A_893 = tpu.vector_load %arg4[%parallel_loop3A_892] {strides = array<i32>} : memref<8192xf32, #tpu.memory_space<vmem>>, vector<16xf32>,
      %parallel_loop3A_894 = vector.shape_cast %parallel_loop3A_893 : vector<16xf32> to vector<16xf32>
      %parallel_loop3A_895 = arith.cmpf ogt, %parallel_loop3A_894, %parallel_loop3A_787 : vector<16xf32>
      %parallel_loop3A_896 = arith.maximumf %parallel_loop3A_787, %parallel_loop3A_894 : vector<16xf32>
      %parallel_loop3A_897 = arith.select %parallel_loop3A_895, %parallel_loop3A_815, %parallel_loop3A_803 : vector<16xi1>, vector<16xi32>
      %parallel_loop3A_898 = arith.constant 8 : i32
      %parallel_loop3A_899 = arith.addi %parallel_loop3A_817, %parallel_loop3A_898 : i32
      %parallel_loop3A_900 = arith.constant 16 : i32
      %parallel_loop3A_901 = arith.muli %parallel_loop3A_899, %parallel_loop3A_900 : i32
      %parallel_loop3A_902 = arith.index_cast %parallel_loop3A_901 : i32 to index
      %parallel_loop3A_903 = tpu.vector_load %arg4[%parallel_loop3A_902] {strides = array<i32>} : memref<8192xf32, #tpu.memory_space<vmem>>, vector<16xf32>,
      %parallel_loop3A_904 = vector.shape_cast %parallel_loop3A_903 : vector<16xf32> to vector<16xf32>
      %parallel_loop3A_905 = arith.cmpf ogt, %parallel_loop3A_904, %parallel_loop3A_788 : vector<16xf32>
      %parallel_loop3A_906 = arith.maximumf %parallel_loop3A_788, %parallel_loop3A_904 : vector<16xf32>
      %parallel_loop3A_907 = arith.select %parallel_loop3A_905, %parallel_loop3A_815, %parallel_loop3A_804 : vector<16xi1>, vector<16xi32>
      %parallel_loop3A_908 = arith.constant 9 : i32
      %parallel_loop3A_909 = arith.addi %parallel_loop3A_817, %parallel_loop3A_908 : i32
      %parallel_loop3A_910 = arith.constant 16 : i32
      %parallel_loop3A_911 = arith.muli %parallel_loop3A_909, %parallel_loop3A_910 : i32
      %parallel_loop3A_912 = arith.index_cast %parallel_loop3A_911 : i32 to index
      %parallel_loop3A_913 = tpu.vector_load %arg4[%parallel_loop3A_912] {strides = array<i32>} : memref<8192xf32, #tpu.memory_space<vmem>>, vector<16xf32>,
      %parallel_loop3A_914 = vector.shape_cast %parallel_loop3A_913 : vector<16xf32> to vector<16xf32>
      %parallel_loop3A_915 = arith.cmpf ogt, %parallel_loop3A_914, %parallel_loop3A_789 : vector<16xf32>
      %parallel_loop3A_916 = arith.maximumf %parallel_loop3A_789, %parallel_loop3A_914 : vector<16xf32>
      %parallel_loop3A_917 = arith.select %parallel_loop3A_915, %parallel_loop3A_815, %parallel_loop3A_805 : vector<16xi1>, vector<16xi32>
      %parallel_loop3A_918 = arith.constant 10 : i32
      %parallel_loop3A_919 = arith.addi %parallel_loop3A_817, %parallel_loop3A_918 : i32
      %parallel_loop3A_920 = arith.constant 16 : i32
      %parallel_loop3A_921 = arith.muli %parallel_loop3A_919, %parallel_loop3A_920 : i32
      %parallel_loop3A_922 = arith.index_cast %parallel_loop3A_921 : i32 to index
      %parallel_loop3A_923 = tpu.vector_load %arg4[%parallel_loop3A_922] {strides = array<i32>} : memref<8192xf32, #tpu.memory_space<vmem>>, vector<16xf32>,
      %parallel_loop3A_924 = vector.shape_cast %parallel_loop3A_923 : vector<16xf32> to vector<16xf32>
      %parallel_loop3A_925 = arith.cmpf ogt, %parallel_loop3A_924, %parallel_loop3A_790 : vector<16xf32>
      %parallel_loop3A_926 = arith.maximumf %parallel_loop3A_790, %parallel_loop3A_924 : vector<16xf32>
      %parallel_loop3A_927 = arith.select %parallel_loop3A_925, %parallel_loop3A_815, %parallel_loop3A_806 : vector<16xi1>, vector<16xi32>
      %parallel_loop3A_928 = arith.constant 11 : i32
      %parallel_loop3A_929 = arith.addi %parallel_loop3A_817, %parallel_loop3A_928 : i32
      %parallel_loop3A_930 = arith.constant 16 : i32
      %parallel_loop3A_931 = arith.muli %parallel_loop3A_929, %parallel_loop3A_930 : i32
      %parallel_loop3A_932 = arith.index_cast %parallel_loop3A_931 : i32 to index
      %parallel_loop3A_933 = tpu.vector_load %arg4[%parallel_loop3A_932] {strides = array<i32>} : memref<8192xf32, #tpu.memory_space<vmem>>, vector<16xf32>,
      %parallel_loop3A_934 = vector.shape_cast %parallel_loop3A_933 : vector<16xf32> to vector<16xf32>
      %parallel_loop3A_935 = arith.cmpf ogt, %parallel_loop3A_934, %parallel_loop3A_791 : vector<16xf32>
      %parallel_loop3A_936 = arith.maximumf %parallel_loop3A_791, %parallel_loop3A_934 : vector<16xf32>
      %parallel_loop3A_937 = arith.select %parallel_loop3A_935, %parallel_loop3A_815, %parallel_loop3A_807 : vector<16xi1>, vector<16xi32>
      %parallel_loop3A_938 = arith.constant 12 : i32
      %parallel_loop3A_939 = arith.addi %parallel_loop3A_817, %parallel_loop3A_938 : i32
      %parallel_loop3A_940 = arith.constant 16 : i32
      %parallel_loop3A_941 = arith.muli %parallel_loop3A_939, %parallel_loop3A_940 : i32
      %parallel_loop3A_942 = arith.index_cast %parallel_loop3A_941 : i32 to index
      %parallel_loop3A_943 = tpu.vector_load %arg4[%parallel_loop3A_942] {strides = array<i32>} : memref<8192xf32, #tpu.memory_space<vmem>>, vector<16xf32>,
      %parallel_loop3A_944 = vector.shape_cast %parallel_loop3A_943 : vector<16xf32> to vector<16xf32>
      %parallel_loop3A_945 = arith.cmpf ogt, %parallel_loop3A_944, %parallel_loop3A_792 : vector<16xf32>
      %parallel_loop3A_946 = arith.maximumf %parallel_loop3A_792, %parallel_loop3A_944 : vector<16xf32>
      %parallel_loop3A_947 = arith.select %parallel_loop3A_945, %parallel_loop3A_815, %parallel_loop3A_808 : vector<16xi1>, vector<16xi32>
      %parallel_loop3A_948 = arith.constant 13 : i32
      %parallel_loop3A_949 = arith.addi %parallel_loop3A_817, %parallel_loop3A_948 : i32
      %parallel_loop3A_950 = arith.constant 16 : i32
      %parallel_loop3A_951 = arith.muli %parallel_loop3A_949, %parallel_loop3A_950 : i32
      %parallel_loop3A_952 = arith.index_cast %parallel_loop3A_951 : i32 to index
      %parallel_loop3A_953 = tpu.vector_load %arg4[%parallel_loop3A_952] {strides = array<i32>} : memref<8192xf32, #tpu.memory_space<vmem>>, vector<16xf32>,
      %parallel_loop3A_954 = vector.shape_cast %parallel_loop3A_953 : vector<16xf32> to vector<16xf32>
      %parallel_loop3A_955 = arith.cmpf ogt, %parallel_loop3A_954, %parallel_loop3A_793 : vector<16xf32>
      %parallel_loop3A_956 = arith.maximumf %parallel_loop3A_793, %parallel_loop3A_954 : vector<16xf32>
      %parallel_loop3A_957 = arith.select %parallel_loop3A_955, %parallel_loop3A_815, %parallel_loop3A_809 : vector<16xi1>, vector<16xi32>
      %parallel_loop3A_958 = arith.constant 14 : i32
      %parallel_loop3A_959 = arith.addi %parallel_loop3A_817, %parallel_loop3A_958 : i32
      %parallel_loop3A_960 = arith.constant 16 : i32
      %parallel_loop3A_961 = arith.muli %parallel_loop3A_959, %parallel_loop3A_960 : i32
      %parallel_loop3A_962 = arith.index_cast %parallel_loop3A_961 : i32 to index
      %parallel_loop3A_963 = tpu.vector_load %arg4[%parallel_loop3A_962] {strides = array<i32>} : memref<8192xf32, #tpu.memory_space<vmem>>, vector<16xf32>,
      %parallel_loop3A_964 = vector.shape_cast %parallel_loop3A_963 : vector<16xf32> to vector<16xf32>
      %parallel_loop3A_965 = arith.cmpf ogt, %parallel_loop3A_964, %parallel_loop3A_794 : vector<16xf32>
      %parallel_loop3A_966 = arith.maximumf %parallel_loop3A_794, %parallel_loop3A_964 : vector<16xf32>
      %parallel_loop3A_967 = arith.select %parallel_loop3A_965, %parallel_loop3A_815, %parallel_loop3A_810 : vector<16xi1>, vector<16xi32>
      %parallel_loop3A_968 = arith.constant 15 : i32
      %parallel_loop3A_969 = arith.addi %parallel_loop3A_817, %parallel_loop3A_968 : i32
      %parallel_loop3A_970 = arith.constant 16 : i32
      %parallel_loop3A_971 = arith.muli %parallel_loop3A_969, %parallel_loop3A_970 : i32
      %parallel_loop3A_972 = arith.index_cast %parallel_loop3A_971 : i32 to index
      %parallel_loop3A_973 = tpu.vector_load %arg4[%parallel_loop3A_972] {strides = array<i32>} : memref<8192xf32, #tpu.memory_space<vmem>>, vector<16xf32>,
      %parallel_loop3A_974 = vector.shape_cast %parallel_loop3A_973 : vector<16xf32> to vector<16xf32>
      %parallel_loop3A_975 = arith.cmpf ogt, %parallel_loop3A_974, %parallel_loop3A_795 : vector<16xf32>
      %parallel_loop3A_976 = arith.maximumf %parallel_loop3A_795, %parallel_loop3A_974 : vector<16xf32>
      %parallel_loop3A_977 = arith.select %parallel_loop3A_975, %parallel_loop3A_815, %parallel_loop3A_811 : vector<16xi1>, vector<16xi32>
      scf.yield %parallel_loop3A_826, %parallel_loop3A_836, %parallel_loop3A_846, %parallel_loop3A_856, %parallel_loop3A_866, %parallel_loop3A_876, %parallel_loop3A_886, %parallel_loop3A_896, %parallel_loop3A_906, %parallel_loop3A_916, %parallel_loop3A_926, %parallel_loop3A_936, %parallel_loop3A_946, %parallel_loop3A_956, %parallel_loop3A_966, %parallel_loop3A_976, %parallel_loop3A_827, %parallel_loop3A_837, %parallel_loop3A_847, %parallel_loop3A_857, %parallel_loop3A_867, %parallel_loop3A_877, %parallel_loop3A_887, %parallel_loop3A_897, %parallel_loop3A_907, %parallel_loop3A_917, %parallel_loop3A_927, %parallel_loop3A_937, %parallel_loop3A_947, %parallel_loop3A_957, %parallel_loop3A_967, %parallel_loop3A_977 : vector<16xf32>, vector<16xf32>, vector<16xf32>, vector<16xf32>, vector<16xf32>, vector<16xf32>, vector<16xf32>, vector<16xf32>, vector<16xf32>, vector<16xf32>, vector<16xf32>, vector<16xf32>, vector<16xf32>, vector<16xf32>, vector<16xf32>, vector<16xf32>, vector<16xi32>, vector<16xi32>, vector<16xi32>, vector<16xi32>, vector<16xi32>, vector<16xi32>, vector<16xi32>, vector<16xi32>, vector<16xi32>, vector<16xi32>, vector<16xi32>, vector<16xi32>, vector<16xi32>, vector<16xi32>, vector<16xi32>, vector<16xi32>
    } {sc.loop_unroll_factor = 1 : i64, sc.parallel_access}
    %dma_wait3A_65 = arith.constant 2048 : i32
    %dma_wait3A_66 = tpu.memref_slice %arg4[%dma_wait3A_65] : memref<8192xf32, #tpu.memory_space<vmem>> -> memref<2048xf32, #tpu.memory_space<vmem>>
    %dma_wait3A_67 = arith.constant 2048 : i32
    %dma_wait3A_68 = tpu.memref_slice %arg2[%mul3A_2, %dma_wait3A_67] : memref<64x8192xf32, #tpu.memory_space<hbm>> -> memref<1x2048xf32, #tpu.memory_space<hbm>>
    %dma_wait3A_69 = tpu.memref_squeeze %dma_wait3A_68 : memref<1x2048xf32, #tpu.memory_space<hbm>> -> memref<2048xf32, #tpu.memory_space<hbm>>
    %dma_wait3A_70 = arith.constant 2048 : i32
    %dma_wait3A_71 = tpu.memref_slice %arg4[%dma_wait3A_70] : memref<8192xf32, #tpu.memory_space<vmem>> -> memref<2048xf32, #tpu.memory_space<vmem>>
    %dma_wait3A_72 = arith.constant 2048 : i32
    %dma_wait3A_73 = tpu.memref_slice %arg2[%mul3A_2, %dma_wait3A_72] : memref<64x8192xf32, #tpu.memory_space<hbm>> -> memref<1x2048xf32, #tpu.memory_space<hbm>>
    %dma_wait3A_74 = tpu.memref_squeeze %dma_wait3A_73 : memref<1x2048xf32, #tpu.memory_space<hbm>> -> memref<2048xf32, #tpu.memory_space<hbm>>
    tpu.wait_dma2 semaphore(%arg11 : memref<!tpu.dma_semaphore, #tpu.memory_space<semaphore_mem>>) src(%dma_wait3A_74 : memref<2048xf32, #tpu.memory_space<hbm>>) dst(%dma_wait3A_71 : memref<2048xf32, #tpu.memory_space<vmem>>)
    %parallel_loop3A_75 = arith.constant 8 : i32
    %parallel_loop3A_76 = arith.constant 16 : i32
    %parallel_loop3A_77 = arith.constant 1 : i32
    %parallel_loop3A_78:32 = scf.for %parallel_loop3A_779 = %parallel_loop3A_75 to %parallel_loop3A_76 step %parallel_loop3A_77 iter_args(%parallel_loop3A_780 = %parallel_loop3A_64#0, %parallel_loop3A_781 = %parallel_loop3A_64#1, %parallel_loop3A_782 = %parallel_loop3A_64#2, %parallel_loop3A_783 = %parallel_loop3A_64#3, %parallel_loop3A_784 = %parallel_loop3A_64#4, %parallel_loop3A_785 = %parallel_loop3A_64#5, %parallel_loop3A_786 = %parallel_loop3A_64#6, %parallel_loop3A_787 = %parallel_loop3A_64#7, %parallel_loop3A_788 = %parallel_loop3A_64#8, %parallel_loop3A_789 = %parallel_loop3A_64#9, %parallel_loop3A_790 = %parallel_loop3A_64#10, %parallel_loop3A_791 = %parallel_loop3A_64#11, %parallel_loop3A_792 = %parallel_loop3A_64#12, %parallel_loop3A_793 = %parallel_loop3A_64#13, %parallel_loop3A_794 = %parallel_loop3A_64#14, %parallel_loop3A_795 = %parallel_loop3A_64#15, %parallel_loop3A_796 = %parallel_loop3A_64#16, %parallel_loop3A_797 = %parallel_loop3A_64#17, %parallel_loop3A_798 = %parallel_loop3A_64#18, %parallel_loop3A_799 = %parallel_loop3A_64#19, %parallel_loop3A_800 = %parallel_loop3A_64#20, %parallel_loop3A_801 = %parallel_loop3A_64#21, %parallel_loop3A_802 = %parallel_loop3A_64#22, %parallel_loop3A_803 = %parallel_loop3A_64#23, %parallel_loop3A_804 = %parallel_loop3A_64#24, %parallel_loop3A_805 = %parallel_loop3A_64#25, %parallel_loop3A_806 = %parallel_loop3A_64#26, %parallel_loop3A_807 = %parallel_loop3A_64#27, %parallel_loop3A_808 = %parallel_loop3A_64#28, %parallel_loop3A_809 = %parallel_loop3A_64#29, %parallel_loop3A_810 = %parallel_loop3A_64#30, %parallel_loop3A_811 = %parallel_loop3A_64#31) -> (vector<16xf32>, vector<16xf32>, vector<16xf32>, vector<16xf32>, vector<16xf32>, vector<16xf32>, vector<16xf32>, vector<16xf32>, vector<16xf32>, vector<16xf32>, vector<16xf32>, vector<16xf32>, vector<16xf32>, vector<16xf32>, vector<16xf32>, vector<16xf32>, vector<16xi32>, vector<16xi32>, vector<16xi32>, vector<16xi32>, vector<16xi32>, vector<16xi32>, vector<16xi32>, vector<16xi32>, vector<16xi32>, vector<16xi32>, vector<16xi32>, vector<16xi32>, vector<16xi32>, vector<16xi32>, vector<16xi32>, vector<16xi32>)  : i32 {
      %parallel_loop3A_812 = arith.constant 0 : i32
      %parallel_loop3A_813 = vector.broadcast %parallel_loop3A_812 : i32 to vector<16xi32>
      %parallel_loop3A_814 = vector.broadcast %parallel_loop3A_779 : i32 to vector<16xi32>
      %parallel_loop3A_815 = arith.addi %parallel_loop3A_813, %parallel_loop3A_814 : vector<16xi32>
      %parallel_loop3A_816 = arith.constant 16 : i32
      %parallel_loop3A_817 = arith.muli %parallel_loop3A_779, %parallel_loop3A_816 : i32
      %parallel_loop3A_818 = arith.constant 0 : i32
      %parallel_loop3A_819 = arith.addi %parallel_loop3A_817, %parallel_loop3A_818 : i32
      %parallel_loop3A_820 = arith.constant 16 : i32
      %parallel_loop3A_821 = arith.muli %parallel_loop3A_819, %parallel_loop3A_820 : i32
      %parallel_loop3A_822 = arith.index_cast %parallel_loop3A_821 : i32 to index
      %parallel_loop3A_823 = tpu.vector_load %arg4[%parallel_loop3A_822] {strides = array<i32>} : memref<8192xf32, #tpu.memory_space<vmem>>, vector<16xf32>,
      %parallel_loop3A_824 = vector.shape_cast %parallel_loop3A_823 : vector<16xf32> to vector<16xf32>
      %parallel_loop3A_825 = arith.cmpf ogt, %parallel_loop3A_824, %parallel_loop3A_780 : vector<16xf32>
      %parallel_loop3A_826 = arith.maximumf %parallel_loop3A_780, %parallel_loop3A_824 : vector<16xf32>
      %parallel_loop3A_827 = arith.select %parallel_loop3A_825, %parallel_loop3A_815, %parallel_loop3A_796 : vector<16xi1>, vector<16xi32>
      %parallel_loop3A_828 = arith.constant 1 : i32
      %parallel_loop3A_829 = arith.addi %parallel_loop3A_817, %parallel_loop3A_828 : i32
      %parallel_loop3A_830 = arith.constant 16 : i32
      %parallel_loop3A_831 = arith.muli %parallel_loop3A_829, %parallel_loop3A_830 : i32
      %parallel_loop3A_832 = arith.index_cast %parallel_loop3A_831 : i32 to index
      %parallel_loop3A_833 = tpu.vector_load %arg4[%parallel_loop3A_832] {strides = array<i32>} : memref<8192xf32, #tpu.memory_space<vmem>>, vector<16xf32>,
      %parallel_loop3A_834 = vector.shape_cast %parallel_loop3A_833 : vector<16xf32> to vector<16xf32>
      %parallel_loop3A_835 = arith.cmpf ogt, %parallel_loop3A_834, %parallel_loop3A_781 : vector<16xf32>
      %parallel_loop3A_836 = arith.maximumf %parallel_loop3A_781, %parallel_loop3A_834 : vector<16xf32>
      %parallel_loop3A_837 = arith.select %parallel_loop3A_835, %parallel_loop3A_815, %parallel_loop3A_797 : vector<16xi1>, vector<16xi32>
      %parallel_loop3A_838 = arith.constant 2 : i32
      %parallel_loop3A_839 = arith.addi %parallel_loop3A_817, %parallel_loop3A_838 : i32
      %parallel_loop3A_840 = arith.constant 16 : i32
      %parallel_loop3A_841 = arith.muli %parallel_loop3A_839, %parallel_loop3A_840 : i32
      %parallel_loop3A_842 = arith.index_cast %parallel_loop3A_841 : i32 to index
      %parallel_loop3A_843 = tpu.vector_load %arg4[%parallel_loop3A_842] {strides = array<i32>} : memref<8192xf32, #tpu.memory_space<vmem>>, vector<16xf32>,
      %parallel_loop3A_844 = vector.shape_cast %parallel_loop3A_843 : vector<16xf32> to vector<16xf32>
      %parallel_loop3A_845 = arith.cmpf ogt, %parallel_loop3A_844, %parallel_loop3A_782 : vector<16xf32>
      %parallel_loop3A_846 = arith.maximumf %parallel_loop3A_782, %parallel_loop3A_844 : vector<16xf32>
      %parallel_loop3A_847 = arith.select %parallel_loop3A_845, %parallel_loop3A_815, %parallel_loop3A_798 : vector<16xi1>, vector<16xi32>
      %parallel_loop3A_848 = arith.constant 3 : i32
      %parallel_loop3A_849 = arith.addi %parallel_loop3A_817, %parallel_loop3A_848 : i32
      %parallel_loop3A_850 = arith.constant 16 : i32
      %parallel_loop3A_851 = arith.muli %parallel_loop3A_849, %parallel_loop3A_850 : i32
      %parallel_loop3A_852 = arith.index_cast %parallel_loop3A_851 : i32 to index
      %parallel_loop3A_853 = tpu.vector_load %arg4[%parallel_loop3A_852] {strides = array<i32>} : memref<8192xf32, #tpu.memory_space<vmem>>, vector<16xf32>,
      %parallel_loop3A_854 = vector.shape_cast %parallel_loop3A_853 : vector<16xf32> to vector<16xf32>
      %parallel_loop3A_855 = arith.cmpf ogt, %parallel_loop3A_854, %parallel_loop3A_783 : vector<16xf32>
      %parallel_loop3A_856 = arith.maximumf %parallel_loop3A_783, %parallel_loop3A_854 : vector<16xf32>
      %parallel_loop3A_857 = arith.select %parallel_loop3A_855, %parallel_loop3A_815, %parallel_loop3A_799 : vector<16xi1>, vector<16xi32>
      %parallel_loop3A_858 = arith.constant 4 : i32
      %parallel_loop3A_859 = arith.addi %parallel_loop3A_817, %parallel_loop3A_858 : i32
      %parallel_loop3A_860 = arith.constant 16 : i32
      %parallel_loop3A_861 = arith.muli %parallel_loop3A_859, %parallel_loop3A_860 : i32
      %parallel_loop3A_862 = arith.index_cast %parallel_loop3A_861 : i32 to index
      %parallel_loop3A_863 = tpu.vector_load %arg4[%parallel_loop3A_862] {strides = array<i32>} : memref<8192xf32, #tpu.memory_space<vmem>>, vector<16xf32>,
      %parallel_loop3A_864 = vector.shape_cast %parallel_loop3A_863 : vector<16xf32> to vector<16xf32>
      %parallel_loop3A_865 = arith.cmpf ogt, %parallel_loop3A_864, %parallel_loop3A_784 : vector<16xf32>
      %parallel_loop3A_866 = arith.maximumf %parallel_loop3A_784, %parallel_loop3A_864 : vector<16xf32>
      %parallel_loop3A_867 = arith.select %parallel_loop3A_865, %parallel_loop3A_815, %parallel_loop3A_800 : vector<16xi1>, vector<16xi32>
      %parallel_loop3A_868 = arith.constant 5 : i32
      %parallel_loop3A_869 = arith.addi %parallel_loop3A_817, %parallel_loop3A_868 : i32
      %parallel_loop3A_870 = arith.constant 16 : i32
      %parallel_loop3A_871 = arith.muli %parallel_loop3A_869, %parallel_loop3A_870 : i32
      %parallel_loop3A_872 = arith.index_cast %parallel_loop3A_871 : i32 to index
      %parallel_loop3A_873 = tpu.vector_load %arg4[%parallel_loop3A_872] {strides = array<i32>} : memref<8192xf32, #tpu.memory_space<vmem>>, vector<16xf32>,
      %parallel_loop3A_874 = vector.shape_cast %parallel_loop3A_873 : vector<16xf32> to vector<16xf32>
      %parallel_loop3A_875 = arith.cmpf ogt, %parallel_loop3A_874, %parallel_loop3A_785 : vector<16xf32>
      %parallel_loop3A_876 = arith.maximumf %parallel_loop3A_785, %parallel_loop3A_874 : vector<16xf32>
      %parallel_loop3A_877 = arith.select %parallel_loop3A_875, %parallel_loop3A_815, %parallel_loop3A_801 : vector<16xi1>, vector<16xi32>
      %parallel_loop3A_878 = arith.constant 6 : i32
      %parallel_loop3A_879 = arith.addi %parallel_loop3A_817, %parallel_loop3A_878 : i32
      %parallel_loop3A_880 = arith.constant 16 : i32
      %parallel_loop3A_881 = arith.muli %parallel_loop3A_879, %parallel_loop3A_880 : i32
      %parallel_loop3A_882 = arith.index_cast %parallel_loop3A_881 : i32 to index
      %parallel_loop3A_883 = tpu.vector_load %arg4[%parallel_loop3A_882] {strides = array<i32>} : memref<8192xf32, #tpu.memory_space<vmem>>, vector<16xf32>,
      %parallel_loop3A_884 = vector.shape_cast %parallel_loop3A_883 : vector<16xf32> to vector<16xf32>
      %parallel_loop3A_885 = arith.cmpf ogt, %parallel_loop3A_884, %parallel_loop3A_786 : vector<16xf32>
      %parallel_loop3A_886 = arith.maximumf %parallel_loop3A_786, %parallel_loop3A_884 : vector<16xf32>
      %parallel_loop3A_887 = arith.select %parallel_loop3A_885, %parallel_loop3A_815, %parallel_loop3A_802 : vector<16xi1>, vector<16xi32>
      %parallel_loop3A_888 = arith.constant 7 : i32
      %parallel_loop3A_889 = arith.addi %parallel_loop3A_817, %parallel_loop3A_888 : i32
      %parallel_loop3A_890 = arith.constant 16 : i32
      %parallel_loop3A_891 = arith.muli %parallel_loop3A_889, %parallel_loop3A_890 : i32
      %parallel_loop3A_892 = arith.index_cast %parallel_loop3A_891 : i32 to index
      %parallel_loop3A_893 = tpu.vector_load %arg4[%parallel_loop3A_892] {strides = array<i32>} : memref<8192xf32, #tpu.memory_space<vmem>>, vector<16xf32>,
      %parallel_loop3A_894 = vector.shape_cast %parallel_loop3A_893 : vector<16xf32> to vector<16xf32>
      %parallel_loop3A_895 = arith.cmpf ogt, %parallel_loop3A_894, %parallel_loop3A_787 : vector<16xf32>
      %parallel_loop3A_896 = arith.maximumf %parallel_loop3A_787, %parallel_loop3A_894 : vector<16xf32>
      %parallel_loop3A_897 = arith.select %parallel_loop3A_895, %parallel_loop3A_815, %parallel_loop3A_803 : vector<16xi1>, vector<16xi32>
      %parallel_loop3A_898 = arith.constant 8 : i32
      %parallel_loop3A_899 = arith.addi %parallel_loop3A_817, %parallel_loop3A_898 : i32
      %parallel_loop3A_900 = arith.constant 16 : i32
      %parallel_loop3A_901 = arith.muli %parallel_loop3A_899, %parallel_loop3A_900 : i32
      %parallel_loop3A_902 = arith.index_cast %parallel_loop3A_901 : i32 to index
      %parallel_loop3A_903 = tpu.vector_load %arg4[%parallel_loop3A_902] {strides = array<i32>} : memref<8192xf32, #tpu.memory_space<vmem>>, vector<16xf32>,
      %parallel_loop3A_904 = vector.shape_cast %parallel_loop3A_903 : vector<16xf32> to vector<16xf32>
      %parallel_loop3A_905 = arith.cmpf ogt, %parallel_loop3A_904, %parallel_loop3A_788 : vector<16xf32>
      %parallel_loop3A_906 = arith.maximumf %parallel_loop3A_788, %parallel_loop3A_904 : vector<16xf32>
      %parallel_loop3A_907 = arith.select %parallel_loop3A_905, %parallel_loop3A_815, %parallel_loop3A_804 : vector<16xi1>, vector<16xi32>
      %parallel_loop3A_908 = arith.constant 9 : i32
      %parallel_loop3A_909 = arith.addi %parallel_loop3A_817, %parallel_loop3A_908 : i32
      %parallel_loop3A_910 = arith.constant 16 : i32
      %parallel_loop3A_911 = arith.muli %parallel_loop3A_909, %parallel_loop3A_910 : i32
      %parallel_loop3A_912 = arith.index_cast %parallel_loop3A_911 : i32 to index
      %parallel_loop3A_913 = tpu.vector_load %arg4[%parallel_loop3A_912] {strides = array<i32>} : memref<8192xf32, #tpu.memory_space<vmem>>, vector<16xf32>,
      %parallel_loop3A_914 = vector.shape_cast %parallel_loop3A_913 : vector<16xf32> to vector<16xf32>
      %parallel_loop3A_915 = arith.cmpf ogt, %parallel_loop3A_914, %parallel_loop3A_789 : vector<16xf32>
      %parallel_loop3A_916 = arith.maximumf %parallel_loop3A_789, %parallel_loop3A_914 : vector<16xf32>
      %parallel_loop3A_917 = arith.select %parallel_loop3A_915, %parallel_loop3A_815, %parallel_loop3A_805 : vector<16xi1>, vector<16xi32>
      %parallel_loop3A_918 = arith.constant 10 : i32
      %parallel_loop3A_919 = arith.addi %parallel_loop3A_817, %parallel_loop3A_918 : i32
      %parallel_loop3A_920 = arith.constant 16 : i32
      %parallel_loop3A_921 = arith.muli %parallel_loop3A_919, %parallel_loop3A_920 : i32
      %parallel_loop3A_922 = arith.index_cast %parallel_loop3A_921 : i32 to index
      %parallel_loop3A_923 = tpu.vector_load %arg4[%parallel_loop3A_922] {strides = array<i32>} : memref<8192xf32, #tpu.memory_space<vmem>>, vector<16xf32>,
      %parallel_loop3A_924 = vector.shape_cast %parallel_loop3A_923 : vector<16xf32> to vector<16xf32>
      %parallel_loop3A_925 = arith.cmpf ogt, %parallel_loop3A_924, %parallel_loop3A_790 : vector<16xf32>
      %parallel_loop3A_926 = arith.maximumf %parallel_loop3A_790, %parallel_loop3A_924 : vector<16xf32>
      %parallel_loop3A_927 = arith.select %parallel_loop3A_925, %parallel_loop3A_815, %parallel_loop3A_806 : vector<16xi1>, vector<16xi32>
      %parallel_loop3A_928 = arith.constant 11 : i32
      %parallel_loop3A_929 = arith.addi %parallel_loop3A_817, %parallel_loop3A_928 : i32
      %parallel_loop3A_930 = arith.constant 16 : i32
      %parallel_loop3A_931 = arith.muli %parallel_loop3A_929, %parallel_loop3A_930 : i32
      %parallel_loop3A_932 = arith.index_cast %parallel_loop3A_931 : i32 to index
      %parallel_loop3A_933 = tpu.vector_load %arg4[%parallel_loop3A_932] {strides = array<i32>} : memref<8192xf32, #tpu.memory_space<vmem>>, vector<16xf32>,
      %parallel_loop3A_934 = vector.shape_cast %parallel_loop3A_933 : vector<16xf32> to vector<16xf32>
      %parallel_loop3A_935 = arith.cmpf ogt, %parallel_loop3A_934, %parallel_loop3A_791 : vector<16xf32>
      %parallel_loop3A_936 = arith.maximumf %parallel_loop3A_791, %parallel_loop3A_934 : vector<16xf32>
      %parallel_loop3A_937 = arith.select %parallel_loop3A_935, %parallel_loop3A_815, %parallel_loop3A_807 : vector<16xi1>, vector<16xi32>
      %parallel_loop3A_938 = arith.constant 12 : i32
      %parallel_loop3A_939 = arith.addi %parallel_loop3A_817, %parallel_loop3A_938 : i32
      %parallel_loop3A_940 = arith.constant 16 : i32
      %parallel_loop3A_941 = arith.muli %parallel_loop3A_939, %parallel_loop3A_940 : i32
      %parallel_loop3A_942 = arith.index_cast %parallel_loop3A_941 : i32 to index
      %parallel_loop3A_943 = tpu.vector_load %arg4[%parallel_loop3A_942] {strides = array<i32>} : memref<8192xf32, #tpu.memory_space<vmem>>, vector<16xf32>,
      %parallel_loop3A_944 = vector.shape_cast %parallel_loop3A_943 : vector<16xf32> to vector<16xf32>
      %parallel_loop3A_945 = arith.cmpf ogt, %parallel_loop3A_944, %parallel_loop3A_792 : vector<16xf32>
      %parallel_loop3A_946 = arith.maximumf %parallel_loop3A_792, %parallel_loop3A_944 : vector<16xf32>
      %parallel_loop3A_947 = arith.select %parallel_loop3A_945, %parallel_loop3A_815, %parallel_loop3A_808 : vector<16xi1>, vector<16xi32>
      %parallel_loop3A_948 = arith.constant 13 : i32
      %parallel_loop3A_949 = arith.addi %parallel_loop3A_817, %parallel_loop3A_948 : i32
      %parallel_loop3A_950 = arith.constant 16 : i32
      %parallel_loop3A_951 = arith.muli %parallel_loop3A_949, %parallel_loop3A_950 : i32
      %parallel_loop3A_952 = arith.index_cast %parallel_loop3A_951 : i32 to index
      %parallel_loop3A_953 = tpu.vector_load %arg4[%parallel_loop3A_952] {strides = array<i32>} : memref<8192xf32, #tpu.memory_space<vmem>>, vector<16xf32>,
      %parallel_loop3A_954 = vector.shape_cast %parallel_loop3A_953 : vector<16xf32> to vector<16xf32>
      %parallel_loop3A_955 = arith.cmpf ogt, %parallel_loop3A_954, %parallel_loop3A_793 : vector<16xf32>
      %parallel_loop3A_956 = arith.maximumf %parallel_loop3A_793, %parallel_loop3A_954 : vector<16xf32>
      %parallel_loop3A_957 = arith.select %parallel_loop3A_955, %parallel_loop3A_815, %parallel_loop3A_809 : vector<16xi1>, vector<16xi32>
      %parallel_loop3A_958 = arith.constant 14 : i32
      %parallel_loop3A_959 = arith.addi %parallel_loop3A_817, %parallel_loop3A_958 : i32
      %parallel_loop3A_960 = arith.constant 16 : i32
      %parallel_loop3A_961 = arith.muli %parallel_loop3A_959, %parallel_loop3A_960 : i32
      %parallel_loop3A_962 = arith.index_cast %parallel_loop3A_961 : i32 to index
      %parallel_loop3A_963 = tpu.vector_load %arg4[%parallel_loop3A_962] {strides = array<i32>} : memref<8192xf32, #tpu.memory_space<vmem>>, vector<16xf32>,
      %parallel_loop3A_964 = vector.shape_cast %parallel_loop3A_963 : vector<16xf32> to vector<16xf32>
      %parallel_loop3A_965 = arith.cmpf ogt, %parallel_loop3A_964, %parallel_loop3A_794 : vector<16xf32>
      %parallel_loop3A_966 = arith.maximumf %parallel_loop3A_794, %parallel_loop3A_964 : vector<16xf32>
      %parallel_loop3A_967 = arith.select %parallel_loop3A_965, %parallel_loop3A_815, %parallel_loop3A_810 : vector<16xi1>, vector<16xi32>
      %parallel_loop3A_968 = arith.constant 15 : i32
      %parallel_loop3A_969 = arith.addi %parallel_loop3A_817, %parallel_loop3A_968 : i32
      %parallel_loop3A_970 = arith.constant 16 : i32
      %parallel_loop3A_971 = arith.muli %parallel_loop3A_969, %parallel_loop3A_970 : i32
      %parallel_loop3A_972 = arith.index_cast %parallel_loop3A_971 : i32 to index
      %parallel_loop3A_973 = tpu.vector_load %arg4[%parallel_loop3A_972] {strides = array<i32>} : memref<8192xf32, #tpu.memory_space<vmem>>, vector<16xf32>,
      %parallel_loop3A_974 = vector.shape_cast %parallel_loop3A_973 : vector<16xf32> to vector<16xf32>
      %parallel_loop3A_975 = arith.cmpf ogt, %parallel_loop3A_974, %parallel_loop3A_795 : vector<16xf32>
      %parallel_loop3A_976 = arith.maximumf %parallel_loop3A_795, %parallel_loop3A_974 : vector<16xf32>
      %parallel_loop3A_977 = arith.select %parallel_loop3A_975, %parallel_loop3A_815, %parallel_loop3A_811 : vector<16xi1>, vector<16xi32>
      scf.yield %parallel_loop3A_826, %parallel_loop3A_836, %parallel_loop3A_846, %parallel_loop3A_856, %parallel_loop3A_866, %parallel_loop3A_876, %parallel_loop3A_886, %parallel_loop3A_896, %parallel_loop3A_906, %parallel_loop3A_916, %parallel_loop3A_926, %parallel_loop3A_936, %parallel_loop3A_946, %parallel_loop3A_956, %parallel_loop3A_966, %parallel_loop3A_976, %parallel_loop3A_827, %parallel_loop3A_837, %parallel_loop3A_847, %parallel_loop3A_857, %parallel_loop3A_867, %parallel_loop3A_877, %parallel_loop3A_887, %parallel_loop3A_897, %parallel_loop3A_907, %parallel_loop3A_917, %parallel_loop3A_927, %parallel_loop3A_937, %parallel_loop3A_947, %parallel_loop3A_957, %parallel_loop3A_967, %parallel_loop3A_977 : vector<16xf32>, vector<16xf32>, vector<16xf32>, vector<16xf32>, vector<16xf32>, vector<16xf32>, vector<16xf32>, vector<16xf32>, vector<16xf32>, vector<16xf32>, vector<16xf32>, vector<16xf32>, vector<16xf32>, vector<16xf32>, vector<16xf32>, vector<16xf32>, vector<16xi32>, vector<16xi32>, vector<16xi32>, vector<16xi32>, vector<16xi32>, vector<16xi32>, vector<16xi32>, vector<16xi32>, vector<16xi32>, vector<16xi32>, vector<16xi32>, vector<16xi32>, vector<16xi32>, vector<16xi32>, vector<16xi32>, vector<16xi32>
    } {sc.loop_unroll_factor = 1 : i64, sc.parallel_access}
    %dma_wait3A_79 = arith.constant 4096 : i32
    %dma_wait3A_80 = tpu.memref_slice %arg4[%dma_wait3A_79] : memref<8192xf32, #tpu.memory_space<vmem>> -> memref<2048xf32, #tpu.memory_space<vmem>>
    %dma_wait3A_81 = arith.constant 4096 : i32
    %dma_wait3A_82 = tpu.memref_slice %arg2[%mul3A_2, %dma_wait3A_81] : memref<64x8192xf32, #tpu.memory_space<hbm>> -> memref<1x2048xf32, #tpu.memory_space<hbm>>
    %dma_wait3A_83 = tpu.memref_squeeze %dma_wait3A_82 : memref<1x2048xf32, #tpu.memory_space<hbm>> -> memref<2048xf32, #tpu.memory_space<hbm>>
    %dma_wait3A_84 = arith.constant 4096 : i32
    %dma_wait3A_85 = tpu.memref_slice %arg4[%dma_wait3A_84] : memref<8192xf32, #tpu.memory_space<vmem>> -> memref<2048xf32, #tpu.memory_space<vmem>>
    %dma_wait3A_86 = arith.constant 4096 : i32
    %dma_wait3A_87 = tpu.memref_slice %arg2[%mul3A_2, %dma_wait3A_86] : memref<64x8192xf32, #tpu.memory_space<hbm>> -> memref<1x2048xf32, #tpu.memory_space<hbm>>
    %dma_wait3A_88 = tpu.memref_squeeze %dma_wait3A_87 : memref<1x2048xf32, #tpu.memory_space<hbm>> -> memref<2048xf32, #tpu.memory_space<hbm>>
    tpu.wait_dma2 semaphore(%arg12 : memref<!tpu.dma_semaphore, #tpu.memory_space<semaphore_mem>>) src(%dma_wait3A_88 : memref<2048xf32, #tpu.memory_space<hbm>>) dst(%dma_wait3A_85 : memref<2048xf32, #tpu.memory_space<vmem>>)
    %parallel_loop3A_89 = arith.constant 16 : i32
    %parallel_loop3A_90 = arith.constant 24 : i32
    %parallel_loop3A_91 = arith.constant 1 : i32
    %parallel_loop3A_92:32 = scf.for %parallel_loop3A_779 = %parallel_loop3A_89 to %parallel_loop3A_90 step %parallel_loop3A_91 iter_args(%parallel_loop3A_780 = %parallel_loop3A_78#0, %parallel_loop3A_781 = %parallel_loop3A_78#1, %parallel_loop3A_782 = %parallel_loop3A_78#2, %parallel_loop3A_783 = %parallel_loop3A_78#3, %parallel_loop3A_784 = %parallel_loop3A_78#4, %parallel_loop3A_785 = %parallel_loop3A_78#5, %parallel_loop3A_786 = %parallel_loop3A_78#6, %parallel_loop3A_787 = %parallel_loop3A_78#7, %parallel_loop3A_788 = %parallel_loop3A_78#8, %parallel_loop3A_789 = %parallel_loop3A_78#9, %parallel_loop3A_790 = %parallel_loop3A_78#10, %parallel_loop3A_791 = %parallel_loop3A_78#11, %parallel_loop3A_792 = %parallel_loop3A_78#12, %parallel_loop3A_793 = %parallel_loop3A_78#13, %parallel_loop3A_794 = %parallel_loop3A_78#14, %parallel_loop3A_795 = %parallel_loop3A_78#15, %parallel_loop3A_796 = %parallel_loop3A_78#16, %parallel_loop3A_797 = %parallel_loop3A_78#17, %parallel_loop3A_798 = %parallel_loop3A_78#18, %parallel_loop3A_799 = %parallel_loop3A_78#19, %parallel_loop3A_800 = %parallel_loop3A_78#20, %parallel_loop3A_801 = %parallel_loop3A_78#21, %parallel_loop3A_802 = %parallel_loop3A_78#22, %parallel_loop3A_803 = %parallel_loop3A_78#23, %parallel_loop3A_804 = %parallel_loop3A_78#24, %parallel_loop3A_805 = %parallel_loop3A_78#25, %parallel_loop3A_806 = %parallel_loop3A_78#26, %parallel_loop3A_807 = %parallel_loop3A_78#27, %parallel_loop3A_808 = %parallel_loop3A_78#28, %parallel_loop3A_809 = %parallel_loop3A_78#29, %parallel_loop3A_810 = %parallel_loop3A_78#30, %parallel_loop3A_811 = %parallel_loop3A_78#31) -> (vector<16xf32>, vector<16xf32>, vector<16xf32>, vector<16xf32>, vector<16xf32>, vector<16xf32>, vector<16xf32>, vector<16xf32>, vector<16xf32>, vector<16xf32>, vector<16xf32>, vector<16xf32>, vector<16xf32>, vector<16xf32>, vector<16xf32>, vector<16xf32>, vector<16xi32>, vector<16xi32>, vector<16xi32>, vector<16xi32>, vector<16xi32>, vector<16xi32>, vector<16xi32>, vector<16xi32>, vector<16xi32>, vector<16xi32>, vector<16xi32>, vector<16xi32>, vector<16xi32>, vector<16xi32>, vector<16xi32>, vector<16xi32>)  : i32 {
      %parallel_loop3A_812 = arith.constant 0 : i32
      %parallel_loop3A_813 = vector.broadcast %parallel_loop3A_812 : i32 to vector<16xi32>
      %parallel_loop3A_814 = vector.broadcast %parallel_loop3A_779 : i32 to vector<16xi32>
      %parallel_loop3A_815 = arith.addi %parallel_loop3A_813, %parallel_loop3A_814 : vector<16xi32>
      %parallel_loop3A_816 = arith.constant 16 : i32
      %parallel_loop3A_817 = arith.muli %parallel_loop3A_779, %parallel_loop3A_816 : i32
      %parallel_loop3A_818 = arith.constant 0 : i32
      %parallel_loop3A_819 = arith.addi %parallel_loop3A_817, %parallel_loop3A_818 : i32
      %parallel_loop3A_820 = arith.constant 16 : i32
      %parallel_loop3A_821 = arith.muli %parallel_loop3A_819, %parallel_loop3A_820 : i32
      %parallel_loop3A_822 = arith.index_cast %parallel_loop3A_821 : i32 to index
      %parallel_loop3A_823 = tpu.vector_load %arg4[%parallel_loop3A_822] {strides = array<i32>} : memref<8192xf32, #tpu.memory_space<vmem>>, vector<16xf32>,
      %parallel_loop3A_824 = vector.shape_cast %parallel_loop3A_823 : vector<16xf32> to vector<16xf32>
      %parallel_loop3A_825 = arith.cmpf ogt, %parallel_loop3A_824, %parallel_loop3A_780 : vector<16xf32>
      %parallel_loop3A_826 = arith.maximumf %parallel_loop3A_780, %parallel_loop3A_824 : vector<16xf32>
      %parallel_loop3A_827 = arith.select %parallel_loop3A_825, %parallel_loop3A_815, %parallel_loop3A_796 : vector<16xi1>, vector<16xi32>
      %parallel_loop3A_828 = arith.constant 1 : i32
      %parallel_loop3A_829 = arith.addi %parallel_loop3A_817, %parallel_loop3A_828 : i32
      %parallel_loop3A_830 = arith.constant 16 : i32
      %parallel_loop3A_831 = arith.muli %parallel_loop3A_829, %parallel_loop3A_830 : i32
      %parallel_loop3A_832 = arith.index_cast %parallel_loop3A_831 : i32 to index
      %parallel_loop3A_833 = tpu.vector_load %arg4[%parallel_loop3A_832] {strides = array<i32>} : memref<8192xf32, #tpu.memory_space<vmem>>, vector<16xf32>,
      %parallel_loop3A_834 = vector.shape_cast %parallel_loop3A_833 : vector<16xf32> to vector<16xf32>
      %parallel_loop3A_835 = arith.cmpf ogt, %parallel_loop3A_834, %parallel_loop3A_781 : vector<16xf32>
      %parallel_loop3A_836 = arith.maximumf %parallel_loop3A_781, %parallel_loop3A_834 : vector<16xf32>
      %parallel_loop3A_837 = arith.select %parallel_loop3A_835, %parallel_loop3A_815, %parallel_loop3A_797 : vector<16xi1>, vector<16xi32>
      %parallel_loop3A_838 = arith.constant 2 : i32
      %parallel_loop3A_839 = arith.addi %parallel_loop3A_817, %parallel_loop3A_838 : i32
      %parallel_loop3A_840 = arith.constant 16 : i32
      %parallel_loop3A_841 = arith.muli %parallel_loop3A_839, %parallel_loop3A_840 : i32
      %parallel_loop3A_842 = arith.index_cast %parallel_loop3A_841 : i32 to index
      %parallel_loop3A_843 = tpu.vector_load %arg4[%parallel_loop3A_842] {strides = array<i32>} : memref<8192xf32, #tpu.memory_space<vmem>>, vector<16xf32>,
      %parallel_loop3A_844 = vector.shape_cast %parallel_loop3A_843 : vector<16xf32> to vector<16xf32>
      %parallel_loop3A_845 = arith.cmpf ogt, %parallel_loop3A_844, %parallel_loop3A_782 : vector<16xf32>
      %parallel_loop3A_846 = arith.maximumf %parallel_loop3A_782, %parallel_loop3A_844 : vector<16xf32>
      %parallel_loop3A_847 = arith.select %parallel_loop3A_845, %parallel_loop3A_815, %parallel_loop3A_798 : vector<16xi1>, vector<16xi32>
      %parallel_loop3A_848 = arith.constant 3 : i32
      %parallel_loop3A_849 = arith.addi %parallel_loop3A_817, %parallel_loop3A_848 : i32
      %parallel_loop3A_850 = arith.constant 16 : i32
      %parallel_loop3A_851 = arith.muli %parallel_loop3A_849, %parallel_loop3A_850 : i32
      %parallel_loop3A_852 = arith.index_cast %parallel_loop3A_851 : i32 to index
      %parallel_loop3A_853 = tpu.vector_load %arg4[%parallel_loop3A_852] {strides = array<i32>} : memref<8192xf32, #tpu.memory_space<vmem>>, vector<16xf32>,
      %parallel_loop3A_854 = vector.shape_cast %parallel_loop3A_853 : vector<16xf32> to vector<16xf32>
      %parallel_loop3A_855 = arith.cmpf ogt, %parallel_loop3A_854, %parallel_loop3A_783 : vector<16xf32>
      %parallel_loop3A_856 = arith.maximumf %parallel_loop3A_783, %parallel_loop3A_854 : vector<16xf32>
      %parallel_loop3A_857 = arith.select %parallel_loop3A_855, %parallel_loop3A_815, %parallel_loop3A_799 : vector<16xi1>, vector<16xi32>
      %parallel_loop3A_858 = arith.constant 4 : i32
      %parallel_loop3A_859 = arith.addi %parallel_loop3A_817, %parallel_loop3A_858 : i32
      %parallel_loop3A_860 = arith.constant 16 : i32
      %parallel_loop3A_861 = arith.muli %parallel_loop3A_859, %parallel_loop3A_860 : i32
      %parallel_loop3A_862 = arith.index_cast %parallel_loop3A_861 : i32 to index
      %parallel_loop3A_863 = tpu.vector_load %arg4[%parallel_loop3A_862] {strides = array<i32>} : memref<8192xf32, #tpu.memory_space<vmem>>, vector<16xf32>,
      %parallel_loop3A_864 = vector.shape_cast %parallel_loop3A_863 : vector<16xf32> to vector<16xf32>
      %parallel_loop3A_865 = arith.cmpf ogt, %parallel_loop3A_864, %parallel_loop3A_784 : vector<16xf32>
      %parallel_loop3A_866 = arith.maximumf %parallel_loop3A_784, %parallel_loop3A_864 : vector<16xf32>
      %parallel_loop3A_867 = arith.select %parallel_loop3A_865, %parallel_loop3A_815, %parallel_loop3A_800 : vector<16xi1>, vector<16xi32>
      %parallel_loop3A_868 = arith.constant 5 : i32
      %parallel_loop3A_869 = arith.addi %parallel_loop3A_817, %parallel_loop3A_868 : i32
      %parallel_loop3A_870 = arith.constant 16 : i32
      %parallel_loop3A_871 = arith.muli %parallel_loop3A_869, %parallel_loop3A_870 : i32
      %parallel_loop3A_872 = arith.index_cast %parallel_loop3A_871 : i32 to index
      %parallel_loop3A_873 = tpu.vector_load %arg4[%parallel_loop3A_872] {strides = array<i32>} : memref<8192xf32, #tpu.memory_space<vmem>>, vector<16xf32>,
      %parallel_loop3A_874 = vector.shape_cast %parallel_loop3A_873 : vector<16xf32> to vector<16xf32>
      %parallel_loop3A_875 = arith.cmpf ogt, %parallel_loop3A_874, %parallel_loop3A_785 : vector<16xf32>
      %parallel_loop3A_876 = arith.maximumf %parallel_loop3A_785, %parallel_loop3A_874 : vector<16xf32>
      %parallel_loop3A_877 = arith.select %parallel_loop3A_875, %parallel_loop3A_815, %parallel_loop3A_801 : vector<16xi1>, vector<16xi32>
      %parallel_loop3A_878 = arith.constant 6 : i32
      %parallel_loop3A_879 = arith.addi %parallel_loop3A_817, %parallel_loop3A_878 : i32
      %parallel_loop3A_880 = arith.constant 16 : i32
      %parallel_loop3A_881 = arith.muli %parallel_loop3A_879, %parallel_loop3A_880 : i32
      %parallel_loop3A_882 = arith.index_cast %parallel_loop3A_881 : i32 to index
      %parallel_loop3A_883 = tpu.vector_load %arg4[%parallel_loop3A_882] {strides = array<i32>} : memref<8192xf32, #tpu.memory_space<vmem>>, vector<16xf32>,
      %parallel_loop3A_884 = vector.shape_cast %parallel_loop3A_883 : vector<16xf32> to vector<16xf32>
      %parallel_loop3A_885 = arith.cmpf ogt, %parallel_loop3A_884, %parallel_loop3A_786 : vector<16xf32>
      %parallel_loop3A_886 = arith.maximumf %parallel_loop3A_786, %parallel_loop3A_884 : vector<16xf32>
      %parallel_loop3A_887 = arith.select %parallel_loop3A_885, %parallel_loop3A_815, %parallel_loop3A_802 : vector<16xi1>, vector<16xi32>
      %parallel_loop3A_888 = arith.constant 7 : i32
      %parallel_loop3A_889 = arith.addi %parallel_loop3A_817, %parallel_loop3A_888 : i32
      %parallel_loop3A_890 = arith.constant 16 : i32
      %parallel_loop3A_891 = arith.muli %parallel_loop3A_889, %parallel_loop3A_890 : i32
      %parallel_loop3A_892 = arith.index_cast %parallel_loop3A_891 : i32 to index
      %parallel_loop3A_893 = tpu.vector_load %arg4[%parallel_loop3A_892] {strides = array<i32>} : memref<8192xf32, #tpu.memory_space<vmem>>, vector<16xf32>,
      %parallel_loop3A_894 = vector.shape_cast %parallel_loop3A_893 : vector<16xf32> to vector<16xf32>
      %parallel_loop3A_895 = arith.cmpf ogt, %parallel_loop3A_894, %parallel_loop3A_787 : vector<16xf32>
      %parallel_loop3A_896 = arith.maximumf %parallel_loop3A_787, %parallel_loop3A_894 : vector<16xf32>
      %parallel_loop3A_897 = arith.select %parallel_loop3A_895, %parallel_loop3A_815, %parallel_loop3A_803 : vector<16xi1>, vector<16xi32>
      %parallel_loop3A_898 = arith.constant 8 : i32
      %parallel_loop3A_899 = arith.addi %parallel_loop3A_817, %parallel_loop3A_898 : i32
      %parallel_loop3A_900 = arith.constant 16 : i32
      %parallel_loop3A_901 = arith.muli %parallel_loop3A_899, %parallel_loop3A_900 : i32
      %parallel_loop3A_902 = arith.index_cast %parallel_loop3A_901 : i32 to index
      %parallel_loop3A_903 = tpu.vector_load %arg4[%parallel_loop3A_902] {strides = array<i32>} : memref<8192xf32, #tpu.memory_space<vmem>>, vector<16xf32>,
      %parallel_loop3A_904 = vector.shape_cast %parallel_loop3A_903 : vector<16xf32> to vector<16xf32>
      %parallel_loop3A_905 = arith.cmpf ogt, %parallel_loop3A_904, %parallel_loop3A_788 : vector<16xf32>
      %parallel_loop3A_906 = arith.maximumf %parallel_loop3A_788, %parallel_loop3A_904 : vector<16xf32>
      %parallel_loop3A_907 = arith.select %parallel_loop3A_905, %parallel_loop3A_815, %parallel_loop3A_804 : vector<16xi1>, vector<16xi32>
      %parallel_loop3A_908 = arith.constant 9 : i32
      %parallel_loop3A_909 = arith.addi %parallel_loop3A_817, %parallel_loop3A_908 : i32
      %parallel_loop3A_910 = arith.constant 16 : i32
      %parallel_loop3A_911 = arith.muli %parallel_loop3A_909, %parallel_loop3A_910 : i32
      %parallel_loop3A_912 = arith.index_cast %parallel_loop3A_911 : i32 to index
      %parallel_loop3A_913 = tpu.vector_load %arg4[%parallel_loop3A_912] {strides = array<i32>} : memref<8192xf32, #tpu.memory_space<vmem>>, vector<16xf32>,
      %parallel_loop3A_914 = vector.shape_cast %parallel_loop3A_913 : vector<16xf32> to vector<16xf32>
      %parallel_loop3A_915 = arith.cmpf ogt, %parallel_loop3A_914, %parallel_loop3A_789 : vector<16xf32>
      %parallel_loop3A_916 = arith.maximumf %parallel_loop3A_789, %parallel_loop3A_914 : vector<16xf32>
      %parallel_loop3A_917 = arith.select %parallel_loop3A_915, %parallel_loop3A_815, %parallel_loop3A_805 : vector<16xi1>, vector<16xi32>
      %parallel_loop3A_918 = arith.constant 10 : i32
      %parallel_loop3A_919 = arith.addi %parallel_loop3A_817, %parallel_loop3A_918 : i32
      %parallel_loop3A_920 = arith.constant 16 : i32
      %parallel_loop3A_921 = arith.muli %parallel_loop3A_919, %parallel_loop3A_920 : i32
      %parallel_loop3A_922 = arith.index_cast %parallel_loop3A_921 : i32 to index
      %parallel_loop3A_923 = tpu.vector_load %arg4[%parallel_loop3A_922] {strides = array<i32>} : memref<8192xf32, #tpu.memory_space<vmem>>, vector<16xf32>,
      %parallel_loop3A_924 = vector.shape_cast %parallel_loop3A_923 : vector<16xf32> to vector<16xf32>
      %parallel_loop3A_925 = arith.cmpf ogt, %parallel_loop3A_924, %parallel_loop3A_790 : vector<16xf32>
      %parallel_loop3A_926 = arith.maximumf %parallel_loop3A_790, %parallel_loop3A_924 : vector<16xf32>
      %parallel_loop3A_927 = arith.select %parallel_loop3A_925, %parallel_loop3A_815, %parallel_loop3A_806 : vector<16xi1>, vector<16xi32>
      %parallel_loop3A_928 = arith.constant 11 : i32
      %parallel_loop3A_929 = arith.addi %parallel_loop3A_817, %parallel_loop3A_928 : i32
      %parallel_loop3A_930 = arith.constant 16 : i32
      %parallel_loop3A_931 = arith.muli %parallel_loop3A_929, %parallel_loop3A_930 : i32
      %parallel_loop3A_932 = arith.index_cast %parallel_loop3A_931 : i32 to index
      %parallel_loop3A_933 = tpu.vector_load %arg4[%parallel_loop3A_932] {strides = array<i32>} : memref<8192xf32, #tpu.memory_space<vmem>>, vector<16xf32>,
      %parallel_loop3A_934 = vector.shape_cast %parallel_loop3A_933 : vector<16xf32> to vector<16xf32>
      %parallel_loop3A_935 = arith.cmpf ogt, %parallel_loop3A_934, %parallel_loop3A_791 : vector<16xf32>
      %parallel_loop3A_936 = arith.maximumf %parallel_loop3A_791, %parallel_loop3A_934 : vector<16xf32>
      %parallel_loop3A_937 = arith.select %parallel_loop3A_935, %parallel_loop3A_815, %parallel_loop3A_807 : vector<16xi1>, vector<16xi32>
      %parallel_loop3A_938 = arith.constant 12 : i32
      %parallel_loop3A_939 = arith.addi %parallel_loop3A_817, %parallel_loop3A_938 : i32
      %parallel_loop3A_940 = arith.constant 16 : i32
      %parallel_loop3A_941 = arith.muli %parallel_loop3A_939, %parallel_loop3A_940 : i32
      %parallel_loop3A_942 = arith.index_cast %parallel_loop3A_941 : i32 to index
      %parallel_loop3A_943 = tpu.vector_load %arg4[%parallel_loop3A_942] {strides = array<i32>} : memref<8192xf32, #tpu.memory_space<vmem>>, vector<16xf32>,
      %parallel_loop3A_944 = vector.shape_cast %parallel_loop3A_943 : vector<16xf32> to vector<16xf32>
      %parallel_loop3A_945 = arith.cmpf ogt, %parallel_loop3A_944, %parallel_loop3A_792 : vector<16xf32>
      %parallel_loop3A_946 = arith.maximumf %parallel_loop3A_792, %parallel_loop3A_944 : vector<16xf32>
      %parallel_loop3A_947 = arith.select %parallel_loop3A_945, %parallel_loop3A_815, %parallel_loop3A_808 : vector<16xi1>, vector<16xi32>
      %parallel_loop3A_948 = arith.constant 13 : i32
      %parallel_loop3A_949 = arith.addi %parallel_loop3A_817, %parallel_loop3A_948 : i32
      %parallel_loop3A_950 = arith.constant 16 : i32
      %parallel_loop3A_951 = arith.muli %parallel_loop3A_949, %parallel_loop3A_950 : i32
      %parallel_loop3A_952 = arith.index_cast %parallel_loop3A_951 : i32 to index
      %parallel_loop3A_953 = tpu.vector_load %arg4[%parallel_loop3A_952] {strides = array<i32>} : memref<8192xf32, #tpu.memory_space<vmem>>, vector<16xf32>,
      %parallel_loop3A_954 = vector.shape_cast %parallel_loop3A_953 : vector<16xf32> to vector<16xf32>
      %parallel_loop3A_955 = arith.cmpf ogt, %parallel_loop3A_954, %parallel_loop3A_793 : vector<16xf32>
      %parallel_loop3A_956 = arith.maximumf %parallel_loop3A_793, %parallel_loop3A_954 : vector<16xf32>
      %parallel_loop3A_957 = arith.select %parallel_loop3A_955, %parallel_loop3A_815, %parallel_loop3A_809 : vector<16xi1>, vector<16xi32>
      %parallel_loop3A_958 = arith.constant 14 : i32
      %parallel_loop3A_959 = arith.addi %parallel_loop3A_817, %parallel_loop3A_958 : i32
      %parallel_loop3A_960 = arith.constant 16 : i32
      %parallel_loop3A_961 = arith.muli %parallel_loop3A_959, %parallel_loop3A_960 : i32
      %parallel_loop3A_962 = arith.index_cast %parallel_loop3A_961 : i32 to index
      %parallel_loop3A_963 = tpu.vector_load %arg4[%parallel_loop3A_962] {strides = array<i32>} : memref<8192xf32, #tpu.memory_space<vmem>>, vector<16xf32>,
      %parallel_loop3A_964 = vector.shape_cast %parallel_loop3A_963 : vector<16xf32> to vector<16xf32>
      %parallel_loop3A_965 = arith.cmpf ogt, %parallel_loop3A_964, %parallel_loop3A_794 : vector<16xf32>
      %parallel_loop3A_966 = arith.maximumf %parallel_loop3A_794, %parallel_loop3A_964 : vector<16xf32>
      %parallel_loop3A_967 = arith.select %parallel_loop3A_965, %parallel_loop3A_815, %parallel_loop3A_810 : vector<16xi1>, vector<16xi32>
      %parallel_loop3A_968 = arith.constant 15 : i32
      %parallel_loop3A_969 = arith.addi %parallel_loop3A_817, %parallel_loop3A_968 : i32
      %parallel_loop3A_970 = arith.constant 16 : i32
      %parallel_loop3A_971 = arith.muli %parallel_loop3A_969, %parallel_loop3A_970 : i32
      %parallel_loop3A_972 = arith.index_cast %parallel_loop3A_971 : i32 to index
      %parallel_loop3A_973 = tpu.vector_load %arg4[%parallel_loop3A_972] {strides = array<i32>} : memref<8192xf32, #tpu.memory_space<vmem>>, vector<16xf32>,
      %parallel_loop3A_974 = vector.shape_cast %parallel_loop3A_973 : vector<16xf32> to vector<16xf32>
      %parallel_loop3A_975 = arith.cmpf ogt, %parallel_loop3A_974, %parallel_loop3A_795 : vector<16xf32>
      %parallel_loop3A_976 = arith.maximumf %parallel_loop3A_795, %parallel_loop3A_974 : vector<16xf32>
      %parallel_loop3A_977 = arith.select %parallel_loop3A_975, %parallel_loop3A_815, %parallel_loop3A_811 : vector<16xi1>, vector<16xi32>
      scf.yield %parallel_loop3A_826, %parallel_loop3A_836, %parallel_loop3A_846, %parallel_loop3A_856, %parallel_loop3A_866, %parallel_loop3A_876, %parallel_loop3A_886, %parallel_loop3A_896, %parallel_loop3A_906, %parallel_loop3A_916, %parallel_loop3A_926, %parallel_loop3A_936, %parallel_loop3A_946, %parallel_loop3A_956, %parallel_loop3A_966, %parallel_loop3A_976, %parallel_loop3A_827, %parallel_loop3A_837, %parallel_loop3A_847, %parallel_loop3A_857, %parallel_loop3A_867, %parallel_loop3A_877, %parallel_loop3A_887, %parallel_loop3A_897, %parallel_loop3A_907, %parallel_loop3A_917, %parallel_loop3A_927, %parallel_loop3A_937, %parallel_loop3A_947, %parallel_loop3A_957, %parallel_loop3A_967, %parallel_loop3A_977 : vector<16xf32>, vector<16xf32>, vector<16xf32>, vector<16xf32>, vector<16xf32>, vector<16xf32>, vector<16xf32>, vector<16xf32>, vector<16xf32>, vector<16xf32>, vector<16xf32>, vector<16xf32>, vector<16xf32>, vector<16xf32>, vector<16xf32>, vector<16xf32>, vector<16xi32>, vector<16xi32>, vector<16xi32>, vector<16xi32>, vector<16xi32>, vector<16xi32>, vector<16xi32>, vector<16xi32>, vector<16xi32>, vector<16xi32>, vector<16xi32>, vector<16xi32>, vector<16xi32>, vector<16xi32>, vector<16xi32>, vector<16xi32>
    } {sc.loop_unroll_factor = 1 : i64, sc.parallel_access}
    %dma_wait3A_93 = arith.constant 6144 : i32
    %dma_wait3A_94 = tpu.memref_slice %arg4[%dma_wait3A_93] : memref<8192xf32, #tpu.memory_space<vmem>> -> memref<2048xf32, #tpu.memory_space<vmem>>
    %dma_wait3A_95 = arith.constant 6144 : i32
    %dma_wait3A_96 = tpu.memref_slice %arg2[%mul3A_2, %dma_wait3A_95] : memref<64x8192xf32, #tpu.memory_space<hbm>> -> memref<1x2048xf32, #tpu.memory_space<hbm>>
    %dma_wait3A_97 = tpu.memref_squeeze %dma_wait3A_96 : memref<1x2048xf32, #tpu.memory_space<hbm>> -> memref<2048xf32, #tpu.memory_space<hbm>>
    %dma_wait3A_98 = arith.constant 6144 : i32
    %dma_wait3A_99 = tpu.memref_slice %arg4[%dma_wait3A_98] : memref<8192xf32, #tpu.memory_space<vmem>> -> memref<2048xf32, #tpu.memory_space<vmem>>
    %dma_wait3A_100 = arith.constant 6144 : i32
    %dma_wait3A_101 = tpu.memref_slice %arg2[%mul3A_2, %dma_wait3A_100] : memref<64x8192xf32, #tpu.memory_space<hbm>> -> memref<1x2048xf32, #tpu.memory_space<hbm>>
    %dma_wait3A_102 = tpu.memref_squeeze %dma_wait3A_101 : memref<1x2048xf32, #tpu.memory_space<hbm>> -> memref<2048xf32, #tpu.memory_space<hbm>>
    tpu.wait_dma2 semaphore(%arg13 : memref<!tpu.dma_semaphore, #tpu.memory_space<semaphore_mem>>) src(%dma_wait3A_102 : memref<2048xf32, #tpu.memory_space<hbm>>) dst(%dma_wait3A_99 : memref<2048xf32, #tpu.memory_space<vmem>>)
    %parallel_loop3A_103 = arith.constant 24 : i32
    %parallel_loop3A_104 = arith.constant 32 : i32
    %parallel_loop3A_105 = arith.constant 1 : i32
    %parallel_loop3A_106:32 = scf.for %parallel_loop3A_779 = %parallel_loop3A_103 to %parallel_loop3A_104 step %parallel_loop3A_105 iter_args(%parallel_loop3A_780 = %parallel_loop3A_92#0, %parallel_loop3A_781 = %parallel_loop3A_92#1, %parallel_loop3A_782 = %parallel_loop3A_92#2, %parallel_loop3A_783 = %parallel_loop3A_92#3, %parallel_loop3A_784 = %parallel_loop3A_92#4, %parallel_loop3A_785 = %parallel_loop3A_92#5, %parallel_loop3A_786 = %parallel_loop3A_92#6, %parallel_loop3A_787 = %parallel_loop3A_92#7, %parallel_loop3A_788 = %parallel_loop3A_92#8, %parallel_loop3A_789 = %parallel_loop3A_92#9, %parallel_loop3A_790 = %parallel_loop3A_92#10, %parallel_loop3A_791 = %parallel_loop3A_92#11, %parallel_loop3A_792 = %parallel_loop3A_92#12, %parallel_loop3A_793 = %parallel_loop3A_92#13, %parallel_loop3A_794 = %parallel_loop3A_92#14, %parallel_loop3A_795 = %parallel_loop3A_92#15, %parallel_loop3A_796 = %parallel_loop3A_92#16, %parallel_loop3A_797 = %parallel_loop3A_92#17, %parallel_loop3A_798 = %parallel_loop3A_92#18, %parallel_loop3A_799 = %parallel_loop3A_92#19, %parallel_loop3A_800 = %parallel_loop3A_92#20, %parallel_loop3A_801 = %parallel_loop3A_92#21, %parallel_loop3A_802 = %parallel_loop3A_92#22, %parallel_loop3A_803 = %parallel_loop3A_92#23, %parallel_loop3A_804 = %parallel_loop3A_92#24, %parallel_loop3A_805 = %parallel_loop3A_92#25, %parallel_loop3A_806 = %parallel_loop3A_92#26, %parallel_loop3A_807 = %parallel_loop3A_92#27, %parallel_loop3A_808 = %parallel_loop3A_92#28, %parallel_loop3A_809 = %parallel_loop3A_92#29, %parallel_loop3A_810 = %parallel_loop3A_92#30, %parallel_loop3A_811 = %parallel_loop3A_92#31) -> (vector<16xf32>, vector<16xf32>, vector<16xf32>, vector<16xf32>, vector<16xf32>, vector<16xf32>, vector<16xf32>, vector<16xf32>, vector<16xf32>, vector<16xf32>, vector<16xf32>, vector<16xf32>, vector<16xf32>, vector<16xf32>, vector<16xf32>, vector<16xf32>, vector<16xi32>, vector<16xi32>, vector<16xi32>, vector<16xi32>, vector<16xi32>, vector<16xi32>, vector<16xi32>, vector<16xi32>, vector<16xi32>, vector<16xi32>, vector<16xi32>, vector<16xi32>, vector<16xi32>, vector<16xi32>, vector<16xi32>, vector<16xi32>)  : i32 {
      %parallel_loop3A_812 = arith.constant 0 : i32
      %parallel_loop3A_813 = vector.broadcast %parallel_loop3A_812 : i32 to vector<16xi32>
      %parallel_loop3A_814 = vector.broadcast %parallel_loop3A_779 : i32 to vector<16xi32>
      %parallel_loop3A_815 = arith.addi %parallel_loop3A_813, %parallel_loop3A_814 : vector<16xi32>
      %parallel_loop3A_816 = arith.constant 16 : i32
      %parallel_loop3A_817 = arith.muli %parallel_loop3A_779, %parallel_loop3A_816 : i32
      %parallel_loop3A_818 = arith.constant 0 : i32
      %parallel_loop3A_819 = arith.addi %parallel_loop3A_817, %parallel_loop3A_818 : i32
      %parallel_loop3A_820 = arith.constant 16 : i32
      %parallel_loop3A_821 = arith.muli %parallel_loop3A_819, %parallel_loop3A_820 : i32
      %parallel_loop3A_822 = arith.index_cast %parallel_loop3A_821 : i32 to index
      %parallel_loop3A_823 = tpu.vector_load %arg4[%parallel_loop3A_822] {strides = array<i32>} : memref<8192xf32, #tpu.memory_space<vmem>>, vector<16xf32>,
      %parallel_loop3A_824 = vector.shape_cast %parallel_loop3A_823 : vector<16xf32> to vector<16xf32>
      %parallel_loop3A_825 = arith.cmpf ogt, %parallel_loop3A_824, %parallel_loop3A_780 : vector<16xf32>
      %parallel_loop3A_826 = arith.maximumf %parallel_loop3A_780, %parallel_loop3A_824 : vector<16xf32>
      %parallel_loop3A_827 = arith.select %parallel_loop3A_825, %parallel_loop3A_815, %parallel_loop3A_796 : vector<16xi1>, vector<16xi32>
      %parallel_loop3A_828 = arith.constant 1 : i32
      %parallel_loop3A_829 = arith.addi %parallel_loop3A_817, %parallel_loop3A_828 : i32
      %parallel_loop3A_830 = arith.constant 16 : i32
      %parallel_loop3A_831 = arith.muli %parallel_loop3A_829, %parallel_loop3A_830 : i32
      %parallel_loop3A_832 = arith.index_cast %parallel_loop3A_831 : i32 to index
      %parallel_loop3A_833 = tpu.vector_load %arg4[%parallel_loop3A_832] {strides = array<i32>} : memref<8192xf32, #tpu.memory_space<vmem>>, vector<16xf32>,
      %parallel_loop3A_834 = vector.shape_cast %parallel_loop3A_833 : vector<16xf32> to vector<16xf32>
      %parallel_loop3A_835 = arith.cmpf ogt, %parallel_loop3A_834, %parallel_loop3A_781 : vector<16xf32>
      %parallel_loop3A_836 = arith.maximumf %parallel_loop3A_781, %parallel_loop3A_834 : vector<16xf32>
      %parallel_loop3A_837 = arith.select %parallel_loop3A_835, %parallel_loop3A_815, %parallel_loop3A_797 : vector<16xi1>, vector<16xi32>
      %parallel_loop3A_838 = arith.constant 2 : i32
      %parallel_loop3A_839 = arith.addi %parallel_loop3A_817, %parallel_loop3A_838 : i32
      %parallel_loop3A_840 = arith.constant 16 : i32
      %parallel_loop3A_841 = arith.muli %parallel_loop3A_839, %parallel_loop3A_840 : i32
      %parallel_loop3A_842 = arith.index_cast %parallel_loop3A_841 : i32 to index
      %parallel_loop3A_843 = tpu.vector_load %arg4[%parallel_loop3A_842] {strides = array<i32>} : memref<8192xf32, #tpu.memory_space<vmem>>, vector<16xf32>,
      %parallel_loop3A_844 = vector.shape_cast %parallel_loop3A_843 : vector<16xf32> to vector<16xf32>
      %parallel_loop3A_845 = arith.cmpf ogt, %parallel_loop3A_844, %parallel_loop3A_782 : vector<16xf32>
      %parallel_loop3A_846 = arith.maximumf %parallel_loop3A_782, %parallel_loop3A_844 : vector<16xf32>
      %parallel_loop3A_847 = arith.select %parallel_loop3A_845, %parallel_loop3A_815, %parallel_loop3A_798 : vector<16xi1>, vector<16xi32>
      %parallel_loop3A_848 = arith.constant 3 : i32
      %parallel_loop3A_849 = arith.addi %parallel_loop3A_817, %parallel_loop3A_848 : i32
      %parallel_loop3A_850 = arith.constant 16 : i32
      %parallel_loop3A_851 = arith.muli %parallel_loop3A_849, %parallel_loop3A_850 : i32
      %parallel_loop3A_852 = arith.index_cast %parallel_loop3A_851 : i32 to index
      %parallel_loop3A_853 = tpu.vector_load %arg4[%parallel_loop3A_852] {strides = array<i32>} : memref<8192xf32, #tpu.memory_space<vmem>>, vector<16xf32>,
      %parallel_loop3A_854 = vector.shape_cast %parallel_loop3A_853 : vector<16xf32> to vector<16xf32>
      %parallel_loop3A_855 = arith.cmpf ogt, %parallel_loop3A_854, %parallel_loop3A_783 : vector<16xf32>
      %parallel_loop3A_856 = arith.maximumf %parallel_loop3A_783, %parallel_loop3A_854 : vector<16xf32>
      %parallel_loop3A_857 = arith.select %parallel_loop3A_855, %parallel_loop3A_815, %parallel_loop3A_799 : vector<16xi1>, vector<16xi32>
      %parallel_loop3A_858 = arith.constant 4 : i32
      %parallel_loop3A_859 = arith.addi %parallel_loop3A_817, %parallel_loop3A_858 : i32
      %parallel_loop3A_860 = arith.constant 16 : i32
      %parallel_loop3A_861 = arith.muli %parallel_loop3A_859, %parallel_loop3A_860 : i32
      %parallel_loop3A_862 = arith.index_cast %parallel_loop3A_861 : i32 to index
      %parallel_loop3A_863 = tpu.vector_load %arg4[%parallel_loop3A_862] {strides = array<i32>} : memref<8192xf32, #tpu.memory_space<vmem>>, vector<16xf32>,
      %parallel_loop3A_864 = vector.shape_cast %parallel_loop3A_863 : vector<16xf32> to vector<16xf32>
      %parallel_loop3A_865 = arith.cmpf ogt, %parallel_loop3A_864, %parallel_loop3A_784 : vector<16xf32>
      %parallel_loop3A_866 = arith.maximumf %parallel_loop3A_784, %parallel_loop3A_864 : vector<16xf32>
      %parallel_loop3A_867 = arith.select %parallel_loop3A_865, %parallel_loop3A_815, %parallel_loop3A_800 : vector<16xi1>, vector<16xi32>
      %parallel_loop3A_868 = arith.constant 5 : i32
      %parallel_loop3A_869 = arith.addi %parallel_loop3A_817, %parallel_loop3A_868 : i32
      %parallel_loop3A_870 = arith.constant 16 : i32
      %parallel_loop3A_871 = arith.muli %parallel_loop3A_869, %parallel_loop3A_870 : i32
      %parallel_loop3A_872 = arith.index_cast %parallel_loop3A_871 : i32 to index
      %parallel_loop3A_873 = tpu.vector_load %arg4[%parallel_loop3A_872] {strides = array<i32>} : memref<8192xf32, #tpu.memory_space<vmem>>, vector<16xf32>,
      %parallel_loop3A_874 = vector.shape_cast %parallel_loop3A_873 : vector<16xf32> to vector<16xf32>
      %parallel_loop3A_875 = arith.cmpf ogt, %parallel_loop3A_874, %parallel_loop3A_785 : vector<16xf32>
      %parallel_loop3A_876 = arith.maximumf %parallel_loop3A_785, %parallel_loop3A_874 : vector<16xf32>
      %parallel_loop3A_877 = arith.select %parallel_loop3A_875, %parallel_loop3A_815, %parallel_loop3A_801 : vector<16xi1>, vector<16xi32>
      %parallel_loop3A_878 = arith.constant 6 : i32
      %parallel_loop3A_879 = arith.addi %parallel_loop3A_817, %parallel_loop3A_878 : i32
      %parallel_loop3A_880 = arith.constant 16 : i32
      %parallel_loop3A_881 = arith.muli %parallel_loop3A_879, %parallel_loop3A_880 : i32
      %parallel_loop3A_882 = arith.index_cast %parallel_loop3A_881 : i32 to index
      %parallel_loop3A_883 = tpu.vector_load %arg4[%parallel_loop3A_882] {strides = array<i32>} : memref<8192xf32, #tpu.memory_space<vmem>>, vector<16xf32>,
      %parallel_loop3A_884 = vector.shape_cast %parallel_loop3A_883 : vector<16xf32> to vector<16xf32>
      %parallel_loop3A_885 = arith.cmpf ogt, %parallel_loop3A_884, %parallel_loop3A_786 : vector<16xf32>
      %parallel_loop3A_886 = arith.maximumf %parallel_loop3A_786, %parallel_loop3A_884 : vector<16xf32>
      %parallel_loop3A_887 = arith.select %parallel_loop3A_885, %parallel_loop3A_815, %parallel_loop3A_802 : vector<16xi1>, vector<16xi32>
      %parallel_loop3A_888 = arith.constant 7 : i32
      %parallel_loop3A_889 = arith.addi %parallel_loop3A_817, %parallel_loop3A_888 : i32
      %parallel_loop3A_890 = arith.constant 16 : i32
      %parallel_loop3A_891 = arith.muli %parallel_loop3A_889, %parallel_loop3A_890 : i32
      %parallel_loop3A_892 = arith.index_cast %parallel_loop3A_891 : i32 to index
      %parallel_loop3A_893 = tpu.vector_load %arg4[%parallel_loop3A_892] {strides = array<i32>} : memref<8192xf32, #tpu.memory_space<vmem>>, vector<16xf32>,
      %parallel_loop3A_894 = vector.shape_cast %parallel_loop3A_893 : vector<16xf32> to vector<16xf32>
      %parallel_loop3A_895 = arith.cmpf ogt, %parallel_loop3A_894, %parallel_loop3A_787 : vector<16xf32>
      %parallel_loop3A_896 = arith.maximumf %parallel_loop3A_787, %parallel_loop3A_894 : vector<16xf32>
      %parallel_loop3A_897 = arith.select %parallel_loop3A_895, %parallel_loop3A_815, %parallel_loop3A_803 : vector<16xi1>, vector<16xi32>
      %parallel_loop3A_898 = arith.constant 8 : i32
      %parallel_loop3A_899 = arith.addi %parallel_loop3A_817, %parallel_loop3A_898 : i32
      %parallel_loop3A_900 = arith.constant 16 : i32
      %parallel_loop3A_901 = arith.muli %parallel_loop3A_899, %parallel_loop3A_900 : i32
      %parallel_loop3A_902 = arith.index_cast %parallel_loop3A_901 : i32 to index
      %parallel_loop3A_903 = tpu.vector_load %arg4[%parallel_loop3A_902] {strides = array<i32>} : memref<8192xf32, #tpu.memory_space<vmem>>, vector<16xf32>,
      %parallel_loop3A_904 = vector.shape_cast %parallel_loop3A_903 : vector<16xf32> to vector<16xf32>
      %parallel_loop3A_905 = arith.cmpf ogt, %parallel_loop3A_904, %parallel_loop3A_788 : vector<16xf32>
      %parallel_loop3A_906 = arith.maximumf %parallel_loop3A_788, %parallel_loop3A_904 : vector<16xf32>
      %parallel_loop3A_907 = arith.select %parallel_loop3A_905, %parallel_loop3A_815, %parallel_loop3A_804 : vector<16xi1>, vector<16xi32>
      %parallel_loop3A_908 = arith.constant 9 : i32
      %parallel_loop3A_909 = arith.addi %parallel_loop3A_817, %parallel_loop3A_908 : i32
      %parallel_loop3A_910 = arith.constant 16 : i32
      %parallel_loop3A_911 = arith.muli %parallel_loop3A_909, %parallel_loop3A_910 : i32
      %parallel_loop3A_912 = arith.index_cast %parallel_loop3A_911 : i32 to index
      %parallel_loop3A_913 = tpu.vector_load %arg4[%parallel_loop3A_912] {strides = array<i32>} : memref<8192xf32, #tpu.memory_space<vmem>>, vector<16xf32>,
      %parallel_loop3A_914 = vector.shape_cast %parallel_loop3A_913 : vector<16xf32> to vector<16xf32>
      %parallel_loop3A_915 = arith.cmpf ogt, %parallel_loop3A_914, %parallel_loop3A_789 : vector<16xf32>
      %parallel_loop3A_916 = arith.maximumf %parallel_loop3A_789, %parallel_loop3A_914 : vector<16xf32>
      %parallel_loop3A_917 = arith.select %parallel_loop3A_915, %parallel_loop3A_815, %parallel_loop3A_805 : vector<16xi1>, vector<16xi32>
      %parallel_loop3A_918 = arith.constant 10 : i32
      %parallel_loop3A_919 = arith.addi %parallel_loop3A_817, %parallel_loop3A_918 : i32
      %parallel_loop3A_920 = arith.constant 16 : i32
      %parallel_loop3A_921 = arith.muli %parallel_loop3A_919, %parallel_loop3A_920 : i32
      %parallel_loop3A_922 = arith.index_cast %parallel_loop3A_921 : i32 to index
      %parallel_loop3A_923 = tpu.vector_load %arg4[%parallel_loop3A_922] {strides = array<i32>} : memref<8192xf32, #tpu.memory_space<vmem>>, vector<16xf32>,
      %parallel_loop3A_924 = vector.shape_cast %parallel_loop3A_923 : vector<16xf32> to vector<16xf32>
      %parallel_loop3A_925 = arith.cmpf ogt, %parallel_loop3A_924, %parallel_loop3A_790 : vector<16xf32>
      %parallel_loop3A_926 = arith.maximumf %parallel_loop3A_790, %parallel_loop3A_924 : vector<16xf32>
      %parallel_loop3A_927 = arith.select %parallel_loop3A_925, %parallel_loop3A_815, %parallel_loop3A_806 : vector<16xi1>, vector<16xi32>
      %parallel_loop3A_928 = arith.constant 11 : i32
      %parallel_loop3A_929 = arith.addi %parallel_loop3A_817, %parallel_loop3A_928 : i32
      %parallel_loop3A_930 = arith.constant 16 : i32
      %parallel_loop3A_931 = arith.muli %parallel_loop3A_929, %parallel_loop3A_930 : i32
      %parallel_loop3A_932 = arith.index_cast %parallel_loop3A_931 : i32 to index
      %parallel_loop3A_933 = tpu.vector_load %arg4[%parallel_loop3A_932] {strides = array<i32>} : memref<8192xf32, #tpu.memory_space<vmem>>, vector<16xf32>,
      %parallel_loop3A_934 = vector.shape_cast %parallel_loop3A_933 : vector<16xf32> to vector<16xf32>
      %parallel_loop3A_935 = arith.cmpf ogt, %parallel_loop3A_934, %parallel_loop3A_791 : vector<16xf32>
      %parallel_loop3A_936 = arith.maximumf %parallel_loop3A_791, %parallel_loop3A_934 : vector<16xf32>
      %parallel_loop3A_937 = arith.select %parallel_loop3A_935, %parallel_loop3A_815, %parallel_loop3A_807 : vector<16xi1>, vector<16xi32>
      %parallel_loop3A_938 = arith.constant 12 : i32
      %parallel_loop3A_939 = arith.addi %parallel_loop3A_817, %parallel_loop3A_938 : i32
      %parallel_loop3A_940 = arith.constant 16 : i32
      %parallel_loop3A_941 = arith.muli %parallel_loop3A_939, %parallel_loop3A_940 : i32
      %parallel_loop3A_942 = arith.index_cast %parallel_loop3A_941 : i32 to index
      %parallel_loop3A_943 = tpu.vector_load %arg4[%parallel_loop3A_942] {strides = array<i32>} : memref<8192xf32, #tpu.memory_space<vmem>>, vector<16xf32>,
      %parallel_loop3A_944 = vector.shape_cast %parallel_loop3A_943 : vector<16xf32> to vector<16xf32>
      %parallel_loop3A_945 = arith.cmpf ogt, %parallel_loop3A_944, %parallel_loop3A_792 : vector<16xf32>
      %parallel_loop3A_946 = arith.maximumf %parallel_loop3A_792, %parallel_loop3A_944 : vector<16xf32>
      %parallel_loop3A_947 = arith.select %parallel_loop3A_945, %parallel_loop3A_815, %parallel_loop3A_808 : vector<16xi1>, vector<16xi32>
      %parallel_loop3A_948 = arith.constant 13 : i32
      %parallel_loop3A_949 = arith.addi %parallel_loop3A_817, %parallel_loop3A_948 : i32
      %parallel_loop3A_950 = arith.constant 16 : i32
      %parallel_loop3A_951 = arith.muli %parallel_loop3A_949, %parallel_loop3A_950 : i32
      %parallel_loop3A_952 = arith.index_cast %parallel_loop3A_951 : i32 to index
      %parallel_loop3A_953 = tpu.vector_load %arg4[%parallel_loop3A_952] {strides = array<i32>} : memref<8192xf32, #tpu.memory_space<vmem>>, vector<16xf32>,
      %parallel_loop3A_954 = vector.shape_cast %parallel_loop3A_953 : vector<16xf32> to vector<16xf32>
      %parallel_loop3A_955 = arith.cmpf ogt, %parallel_loop3A_954, %parallel_loop3A_793 : vector<16xf32>
      %parallel_loop3A_956 = arith.maximumf %parallel_loop3A_793, %parallel_loop3A_954 : vector<16xf32>
      %parallel_loop3A_957 = arith.select %parallel_loop3A_955, %parallel_loop3A_815, %parallel_loop3A_809 : vector<16xi1>, vector<16xi32>
      %parallel_loop3A_958 = arith.constant 14 : i32
      %parallel_loop3A_959 = arith.addi %parallel_loop3A_817, %parallel_loop3A_958 : i32
      %parallel_loop3A_960 = arith.constant 16 : i32
      %parallel_loop3A_961 = arith.muli %parallel_loop3A_959, %parallel_loop3A_960 : i32
      %parallel_loop3A_962 = arith.index_cast %parallel_loop3A_961 : i32 to index
      %parallel_loop3A_963 = tpu.vector_load %arg4[%parallel_loop3A_962] {strides = array<i32>} : memref<8192xf32, #tpu.memory_space<vmem>>, vector<16xf32>,
      %parallel_loop3A_964 = vector.shape_cast %parallel_loop3A_963 : vector<16xf32> to vector<16xf32>
      %parallel_loop3A_965 = arith.cmpf ogt, %parallel_loop3A_964, %parallel_loop3A_794 : vector<16xf32>
      %parallel_loop3A_966 = arith.maximumf %parallel_loop3A_794, %parallel_loop3A_964 : vector<16xf32>
      %parallel_loop3A_967 = arith.select %parallel_loop3A_965, %parallel_loop3A_815, %parallel_loop3A_810 : vector<16xi1>, vector<16xi32>
      %parallel_loop3A_968 = arith.constant 15 : i32
      %parallel_loop3A_969 = arith.addi %parallel_loop3A_817, %parallel_loop3A_968 : i32
      %parallel_loop3A_970 = arith.constant 16 : i32
      %parallel_loop3A_971 = arith.muli %parallel_loop3A_969, %parallel_loop3A_970 : i32
      %parallel_loop3A_972 = arith.index_cast %parallel_loop3A_971 : i32 to index
      %parallel_loop3A_973 = tpu.vector_load %arg4[%parallel_loop3A_972] {strides = array<i32>} : memref<8192xf32, #tpu.memory_space<vmem>>, vector<16xf32>,
      %parallel_loop3A_974 = vector.shape_cast %parallel_loop3A_973 : vector<16xf32> to vector<16xf32>
      %parallel_loop3A_975 = arith.cmpf ogt, %parallel_loop3A_974, %parallel_loop3A_795 : vector<16xf32>
      %parallel_loop3A_976 = arith.maximumf %parallel_loop3A_795, %parallel_loop3A_974 : vector<16xf32>
      %parallel_loop3A_977 = arith.select %parallel_loop3A_975, %parallel_loop3A_815, %parallel_loop3A_811 : vector<16xi1>, vector<16xi32>
      scf.yield %parallel_loop3A_826, %parallel_loop3A_836, %parallel_loop3A_846, %parallel_loop3A_856, %parallel_loop3A_866, %parallel_loop3A_876, %parallel_loop3A_886, %parallel_loop3A_896, %parallel_loop3A_906, %parallel_loop3A_916, %parallel_loop3A_926, %parallel_loop3A_936, %parallel_loop3A_946, %parallel_loop3A_956, %parallel_loop3A_966, %parallel_loop3A_976, %parallel_loop3A_827, %parallel_loop3A_837, %parallel_loop3A_847, %parallel_loop3A_857, %parallel_loop3A_867, %parallel_loop3A_877, %parallel_loop3A_887, %parallel_loop3A_897, %parallel_loop3A_907, %parallel_loop3A_917, %parallel_loop3A_927, %parallel_loop3A_937, %parallel_loop3A_947, %parallel_loop3A_957, %parallel_loop3A_967, %parallel_loop3A_977 : vector<16xf32>, vector<16xf32>, vector<16xf32>, vector<16xf32>, vector<16xf32>, vector<16xf32>, vector<16xf32>, vector<16xf32>, vector<16xf32>, vector<16xf32>, vector<16xf32>, vector<16xf32>, vector<16xf32>, vector<16xf32>, vector<16xf32>, vector<16xf32>, vector<16xi32>, vector<16xi32>, vector<16xi32>, vector<16xi32>, vector<16xi32>, vector<16xi32>, vector<16xi32>, vector<16xi32>, vector<16xi32>, vector<16xi32>, vector<16xi32>, vector<16xi32>, vector<16xi32>, vector<16xi32>, vector<16xi32>, vector<16xi32>
    } {sc.loop_unroll_factor = 1 : i64, sc.parallel_access}
    %max3A = arith.maximumf %parallel_loop3A_106#0, %parallel_loop3A_106#1 : vector<16xf32>
    %max3A_107 = arith.maximumf %max3A, %parallel_loop3A_106#2 : vector<16xf32>
    %max3A_108 = arith.maximumf %max3A_107, %parallel_loop3A_106#3 : vector<16xf32>
    %max3A_109 = arith.maximumf %max3A_108, %parallel_loop3A_106#4 : vector<16xf32>
    %max3A_110 = arith.maximumf %max3A_109, %parallel_loop3A_106#5 : vector<16xf32>
    %max3A_111 = arith.maximumf %max3A_110, %parallel_loop3A_106#6 : vector<16xf32>
    %max3A_112 = arith.maximumf %max3A_111, %parallel_loop3A_106#7 : vector<16xf32>
    %max3A_113 = arith.maximumf %max3A_112, %parallel_loop3A_106#8 : vector<16xf32>
    %max3A_114 = arith.maximumf %max3A_113, %parallel_loop3A_106#9 : vector<16xf32>
    %max3A_115 = arith.maximumf %max3A_114, %parallel_loop3A_106#10 : vector<16xf32>
    %max3A_116 = arith.maximumf %max3A_115, %parallel_loop3A_106#11 : vector<16xf32>
    %max3A_117 = arith.maximumf %max3A_116, %parallel_loop3A_106#12 : vector<16xf32>
    %max3A_118 = arith.maximumf %max3A_117, %parallel_loop3A_106#13 : vector<16xf32>
    %max3A_119 = arith.maximumf %max3A_118, %parallel_loop3A_106#14 : vector<16xf32>
    %max3A_120 = arith.maximumf %max3A_119, %parallel_loop3A_106#15 : vector<16xf32>
    %xor3A = arith.constant 1 : i32
    %xor3A_121 = vector.broadcast %xor3A : i32 to vector<16xi32>
    %xor3A_122 = arith.xori %iota3A, %xor3A_121 : vector<16xi32>
    %lt3A = arith.constant 0 : i32
    %lt3A_123 = vector.broadcast %lt3A : i32 to vector<16xi32>
    %lt3A_124 = arith.cmpi slt, %xor3A_122, %lt3A_123 : vector<16xi32>
    %add3A_125 = arith.constant 16 : i32
    %add3A_126 = vector.broadcast %add3A_125 : i32 to vector<16xi32>
    %add3A_127 = arith.addi %xor3A_122, %add3A_126 : vector<16xi32>
    %select_n3A = arith.select %lt3A_124, %add3A_127, %xor3A_122 : vector<16xi1>, vector<16xi32>
    %broadcast_in_dim3A_128 = vector.shape_cast %select_n3A : vector<16xi32> to vector<16x1xi32>
    %gather3A = vector.shape_cast %broadcast_in_dim3A_128 : vector<16x1xi32> to vector<16xi32>
    %gather3A_129 = tpu.dynamic_gather %max3A_120[%gather3A] in [0] : vector<16xf32>, vector<16xi32> -> vector<16xf32>
    %max3A_130 = arith.maximumf %max3A_120, %gather3A_129 : vector<16xf32>
    %xor3A_131 = arith.constant 2 : i32
    %xor3A_132 = vector.broadcast %xor3A_131 : i32 to vector<16xi32>
    %xor3A_133 = arith.xori %iota3A, %xor3A_132 : vector<16xi32>
    %lt3A_134 = arith.constant 0 : i32
    %lt3A_135 = vector.broadcast %lt3A_134 : i32 to vector<16xi32>
    %lt3A_136 = arith.cmpi slt, %xor3A_133, %lt3A_135 : vector<16xi32>
    %add3A_137 = arith.constant 16 : i32
    %add3A_138 = vector.broadcast %add3A_137 : i32 to vector<16xi32>
    %add3A_139 = arith.addi %xor3A_133, %add3A_138 : vector<16xi32>
    %select_n3A_140 = arith.select %lt3A_136, %add3A_139, %xor3A_133 : vector<16xi1>, vector<16xi32>
    %broadcast_in_dim3A_141 = vector.shape_cast %select_n3A_140 : vector<16xi32> to vector<16x1xi32>
    %gather3A_142 = vector.shape_cast %broadcast_in_dim3A_141 : vector<16x1xi32> to vector<16xi32>
    %gather3A_143 = tpu.dynamic_gather %max3A_130[%gather3A_142] in [0] : vector<16xf32>, vector<16xi32> -> vector<16xf32>
    %max3A_144 = arith.maximumf %max3A_130, %gather3A_143 : vector<16xf32>
    %xor3A_145 = arith.constant 4 : i32
    %xor3A_146 = vector.broadcast %xor3A_145 : i32 to vector<16xi32>
    %xor3A_147 = arith.xori %iota3A, %xor3A_146 : vector<16xi32>
    %lt3A_148 = arith.constant 0 : i32
    %lt3A_149 = vector.broadcast %lt3A_148 : i32 to vector<16xi32>
    %lt3A_150 = arith.cmpi slt, %xor3A_147, %lt3A_149 : vector<16xi32>
    %add3A_151 = arith.constant 16 : i32
    %add3A_152 = vector.broadcast %add3A_151 : i32 to vector<16xi32>
    %add3A_153 = arith.addi %xor3A_147, %add3A_152 : vector<16xi32>
    %select_n3A_154 = arith.select %lt3A_150, %add3A_153, %xor3A_147 : vector<16xi1>, vector<16xi32>
    %broadcast_in_dim3A_155 = vector.shape_cast %select_n3A_154 : vector<16xi32> to vector<16x1xi32>
    %gather3A_156 = vector.shape_cast %broadcast_in_dim3A_155 : vector<16x1xi32> to vector<16xi32>
    %gather3A_157 = tpu.dynamic_gather %max3A_144[%gather3A_156] in [0] : vector<16xf32>, vector<16xi32> -> vector<16xf32>
    %max3A_158 = arith.maximumf %max3A_144, %gather3A_157 : vector<16xf32>
    %xor3A_159 = arith.constant 8 : i32
    %xor3A_160 = vector.broadcast %xor3A_159 : i32 to vector<16xi32>
    %xor3A_161 = arith.xori %iota3A, %xor3A_160 : vector<16xi32>
    %lt3A_162 = arith.constant 0 : i32
    %lt3A_163 = vector.broadcast %lt3A_162 : i32 to vector<16xi32>
    %lt3A_164 = arith.cmpi slt, %xor3A_161, %lt3A_163 : vector<16xi32>
    %add3A_165 = arith.constant 16 : i32
    %add3A_166 = vector.broadcast %add3A_165 : i32 to vector<16xi32>
    %add3A_167 = arith.addi %xor3A_161, %add3A_166 : vector<16xi32>
    %select_n3A_168 = arith.select %lt3A_164, %add3A_167, %xor3A_161 : vector<16xi1>, vector<16xi32>
    %broadcast_in_dim3A_169 = vector.shape_cast %select_n3A_168 : vector<16xi32> to vector<16x1xi32>
    %gather3A_170 = vector.shape_cast %broadcast_in_dim3A_169 : vector<16x1xi32> to vector<16xi32>
    %gather3A_171 = tpu.dynamic_gather %max3A_158[%gather3A_170] in [0] : vector<16xf32>, vector<16xi32> -> vector<16xf32>
    %max3A_172 = arith.maximumf %max3A_158, %gather3A_171 : vector<16xf32>
    %shift_left3A = arith.constant 8 : i32
    %shift_left3A_173 = vector.broadcast %shift_left3A : i32 to vector<16xi32>
    %shift_left3A_174 = arith.shli %parallel_loop3A_106#16, %shift_left3A_173 : vector<16xi32>
    %add3A_175 = arith.constant 0 : i32
    %add3A_176 = vector.broadcast %add3A_175 : i32 to vector<16xi32>
    %add3A_177 = arith.addi %iota3A, %add3A_176 : vector<16xi32>
    %add3A_178 = arith.addi %shift_left3A_174, %add3A_177 : vector<16xi32>
    %eq3A = arith.cmpf oeq, %parallel_loop3A_106#0, %max3A_172 : vector<16xf32>
    %jit3A = arith.constant 2147483647 : i32
    %broadcast_in_dim3A_179 = vector.broadcast %jit3A : i32 to vector<16xi32>
    %select_n3A_180 = arith.select %eq3A, %add3A_178, %broadcast_in_dim3A_179 : vector<16xi1>, vector<16xi32>
    %shift_left3A_181 = arith.constant 8 : i32
    %shift_left3A_182 = vector.broadcast %shift_left3A_181 : i32 to vector<16xi32>
    %shift_left3A_183 = arith.shli %parallel_loop3A_106#17, %shift_left3A_182 : vector<16xi32>
    %add3A_184 = arith.constant 16 : i32
    %add3A_185 = vector.broadcast %add3A_184 : i32 to vector<16xi32>
    %add3A_186 = arith.addi %iota3A, %add3A_185 : vector<16xi32>
    %add3A_187 = arith.addi %shift_left3A_183, %add3A_186 : vector<16xi32>
    %eq3A_188 = arith.cmpf oeq, %parallel_loop3A_106#1, %max3A_172 : vector<16xf32>
    %jit3A_189 = arith.constant 2147483647 : i32
    %broadcast_in_dim3A_190 = vector.broadcast %jit3A_189 : i32 to vector<16xi32>
    %select_n3A_191 = arith.select %eq3A_188, %add3A_187, %broadcast_in_dim3A_190 : vector<16xi1>, vector<16xi32>
    %min3A = arith.minsi %select_n3A_180, %select_n3A_191 : vector<16xi32>
    %shift_left3A_192 = arith.constant 8 : i32
    %shift_left3A_193 = vector.broadcast %shift_left3A_192 : i32 to vector<16xi32>
    %shift_left3A_194 = arith.shli %parallel_loop3A_106#18, %shift_left3A_193 : vector<16xi32>
    %add3A_195 = arith.constant 32 : i32
    %add3A_196 = vector.broadcast %add3A_195 : i32 to vector<16xi32>
    %add3A_197 = arith.addi %iota3A, %add3A_196 : vector<16xi32>
    %add3A_198 = arith.addi %shift_left3A_194, %add3A_197 : vector<16xi32>
    %eq3A_199 = arith.cmpf oeq, %parallel_loop3A_106#2, %max3A_172 : vector<16xf32>
    %jit3A_200 = arith.constant 2147483647 : i32
    %broadcast_in_dim3A_201 = vector.broadcast %jit3A_200 : i32 to vector<16xi32>
    %select_n3A_202 = arith.select %eq3A_199, %add3A_198, %broadcast_in_dim3A_201 : vector<16xi1>, vector<16xi32>
    %min3A_203 = arith.minsi %min3A, %select_n3A_202 : vector<16xi32>
    %shift_left3A_204 = arith.constant 8 : i32
    %shift_left3A_205 = vector.broadcast %shift_left3A_204 : i32 to vector<16xi32>
    %shift_left3A_206 = arith.shli %parallel_loop3A_106#19, %shift_left3A_205 : vector<16xi32>
    %add3A_207 = arith.constant 48 : i32
    %add3A_208 = vector.broadcast %add3A_207 : i32 to vector<16xi32>
    %add3A_209 = arith.addi %iota3A, %add3A_208 : vector<16xi32>
    %add3A_210 = arith.addi %shift_left3A_206, %add3A_209 : vector<16xi32>
    %eq3A_211 = arith.cmpf oeq, %parallel_loop3A_106#3, %max3A_172 : vector<16xf32>
    %jit3A_212 = arith.constant 2147483647 : i32
    %broadcast_in_dim3A_213 = vector.broadcast %jit3A_212 : i32 to vector<16xi32>
    %select_n3A_214 = arith.select %eq3A_211, %add3A_210, %broadcast_in_dim3A_213 : vector<16xi1>, vector<16xi32>
    %min3A_215 = arith.minsi %min3A_203, %select_n3A_214 : vector<16xi32>
    %shift_left3A_216 = arith.constant 8 : i32
    %shift_left3A_217 = vector.broadcast %shift_left3A_216 : i32 to vector<16xi32>
    %shift_left3A_218 = arith.shli %parallel_loop3A_106#20, %shift_left3A_217 : vector<16xi32>
    %add3A_219 = arith.constant 64 : i32
    %add3A_220 = vector.broadcast %add3A_219 : i32 to vector<16xi32>
    %add3A_221 = arith.addi %iota3A, %add3A_220 : vector<16xi32>
    %add3A_222 = arith.addi %shift_left3A_218, %add3A_221 : vector<16xi32>
    %eq3A_223 = arith.cmpf oeq, %parallel_loop3A_106#4, %max3A_172 : vector<16xf32>
    %jit3A_224 = arith.constant 2147483647 : i32
    %broadcast_in_dim3A_225 = vector.broadcast %jit3A_224 : i32 to vector<16xi32>
    %select_n3A_226 = arith.select %eq3A_223, %add3A_222, %broadcast_in_dim3A_225 : vector<16xi1>, vector<16xi32>
    %min3A_227 = arith.minsi %min3A_215, %select_n3A_226 : vector<16xi32>
    %shift_left3A_228 = arith.constant 8 : i32
    %shift_left3A_229 = vector.broadcast %shift_left3A_228 : i32 to vector<16xi32>
    %shift_left3A_230 = arith.shli %parallel_loop3A_106#21, %shift_left3A_229 : vector<16xi32>
    %add3A_231 = arith.constant 80 : i32
    %add3A_232 = vector.broadcast %add3A_231 : i32 to vector<16xi32>
    %add3A_233 = arith.addi %iota3A, %add3A_232 : vector<16xi32>
    %add3A_234 = arith.addi %shift_left3A_230, %add3A_233 : vector<16xi32>
    %eq3A_235 = arith.cmpf oeq, %parallel_loop3A_106#5, %max3A_172 : vector<16xf32>
    %jit3A_236 = arith.constant 2147483647 : i32
    %broadcast_in_dim3A_237 = vector.broadcast %jit3A_236 : i32 to vector<16xi32>
    %select_n3A_238 = arith.select %eq3A_235, %add3A_234, %broadcast_in_dim3A_237 : vector<16xi1>, vector<16xi32>
    %min3A_239 = arith.minsi %min3A_227, %select_n3A_238 : vector<16xi32>
    %shift_left3A_240 = arith.constant 8 : i32
    %shift_left3A_241 = vector.broadcast %shift_left3A_240 : i32 to vector<16xi32>
    %shift_left3A_242 = arith.shli %parallel_loop3A_106#22, %shift_left3A_241 : vector<16xi32>
    %add3A_243 = arith.constant 96 : i32
    %add3A_244 = vector.broadcast %add3A_243 : i32 to vector<16xi32>
    %add3A_245 = arith.addi %iota3A, %add3A_244 : vector<16xi32>
    %add3A_246 = arith.addi %shift_left3A_242, %add3A_245 : vector<16xi32>
    %eq3A_247 = arith.cmpf oeq, %parallel_loop3A_106#6, %max3A_172 : vector<16xf32>
    %jit3A_248 = arith.constant 2147483647 : i32
    %broadcast_in_dim3A_249 = vector.broadcast %jit3A_248 : i32 to vector<16xi32>
    %select_n3A_250 = arith.select %eq3A_247, %add3A_246, %broadcast_in_dim3A_249 : vector<16xi1>, vector<16xi32>
    %min3A_251 = arith.minsi %min3A_239, %select_n3A_250 : vector<16xi32>
    %shift_left3A_252 = arith.constant 8 : i32
    %shift_left3A_253 = vector.broadcast %shift_left3A_252 : i32 to vector<16xi32>
    %shift_left3A_254 = arith.shli %parallel_loop3A_106#23, %shift_left3A_253 : vector<16xi32>
    %add3A_255 = arith.constant 112 : i32
    %add3A_256 = vector.broadcast %add3A_255 : i32 to vector<16xi32>
    %add3A_257 = arith.addi %iota3A, %add3A_256 : vector<16xi32>
    %add3A_258 = arith.addi %shift_left3A_254, %add3A_257 : vector<16xi32>
    %eq3A_259 = arith.cmpf oeq, %parallel_loop3A_106#7, %max3A_172 : vector<16xf32>
    %jit3A_260 = arith.constant 2147483647 : i32
    %broadcast_in_dim3A_261 = vector.broadcast %jit3A_260 : i32 to vector<16xi32>
    %select_n3A_262 = arith.select %eq3A_259, %add3A_258, %broadcast_in_dim3A_261 : vector<16xi1>, vector<16xi32>
    %min3A_263 = arith.minsi %min3A_251, %select_n3A_262 : vector<16xi32>
    %shift_left3A_264 = arith.constant 8 : i32
    %shift_left3A_265 = vector.broadcast %shift_left3A_264 : i32 to vector<16xi32>
    %shift_left3A_266 = arith.shli %parallel_loop3A_106#24, %shift_left3A_265 : vector<16xi32>
    %add3A_267 = arith.constant 128 : i32
    %add3A_268 = vector.broadcast %add3A_267 : i32 to vector<16xi32>
    %add3A_269 = arith.addi %iota3A, %add3A_268 : vector<16xi32>
    %add3A_270 = arith.addi %shift_left3A_266, %add3A_269 : vector<16xi32>
    %eq3A_271 = arith.cmpf oeq, %parallel_loop3A_106#8, %max3A_172 : vector<16xf32>
    %jit3A_272 = arith.constant 2147483647 : i32
    %broadcast_in_dim3A_273 = vector.broadcast %jit3A_272 : i32 to vector<16xi32>
    %select_n3A_274 = arith.select %eq3A_271, %add3A_270, %broadcast_in_dim3A_273 : vector<16xi1>, vector<16xi32>
    %min3A_275 = arith.minsi %min3A_263, %select_n3A_274 : vector<16xi32>
    %shift_left3A_276 = arith.constant 8 : i32
    %shift_left3A_277 = vector.broadcast %shift_left3A_276 : i32 to vector<16xi32>
    %shift_left3A_278 = arith.shli %parallel_loop3A_106#25, %shift_left3A_277 : vector<16xi32>
    %add3A_279 = arith.constant 144 : i32
    %add3A_280 = vector.broadcast %add3A_279 : i32 to vector<16xi32>
    %add3A_281 = arith.addi %iota3A, %add3A_280 : vector<16xi32>
    %add3A_282 = arith.addi %shift_left3A_278, %add3A_281 : vector<16xi32>
    %eq3A_283 = arith.cmpf oeq, %parallel_loop3A_106#9, %max3A_172 : vector<16xf32>
    %jit3A_284 = arith.constant 2147483647 : i32
    %broadcast_in_dim3A_285 = vector.broadcast %jit3A_284 : i32 to vector<16xi32>
    %select_n3A_286 = arith.select %eq3A_283, %add3A_282, %broadcast_in_dim3A_285 : vector<16xi1>, vector<16xi32>
    %min3A_287 = arith.minsi %min3A_275, %select_n3A_286 : vector<16xi32>
    %shift_left3A_288 = arith.constant 8 : i32
    %shift_left3A_289 = vector.broadcast %shift_left3A_288 : i32 to vector<16xi32>
    %shift_left3A_290 = arith.shli %parallel_loop3A_106#26, %shift_left3A_289 : vector<16xi32>
    %add3A_291 = arith.constant 160 : i32
    %add3A_292 = vector.broadcast %add3A_291 : i32 to vector<16xi32>
    %add3A_293 = arith.addi %iota3A, %add3A_292 : vector<16xi32>
    %add3A_294 = arith.addi %shift_left3A_290, %add3A_293 : vector<16xi32>
    %eq3A_295 = arith.cmpf oeq, %parallel_loop3A_106#10, %max3A_172 : vector<16xf32>
    %jit3A_296 = arith.constant 2147483647 : i32
    %broadcast_in_dim3A_297 = vector.broadcast %jit3A_296 : i32 to vector<16xi32>
    %select_n3A_298 = arith.select %eq3A_295, %add3A_294, %broadcast_in_dim3A_297 : vector<16xi1>, vector<16xi32>
    %min3A_299 = arith.minsi %min3A_287, %select_n3A_298 : vector<16xi32>
    %shift_left3A_300 = arith.constant 8 : i32
    %shift_left3A_301 = vector.broadcast %shift_left3A_300 : i32 to vector<16xi32>
    %shift_left3A_302 = arith.shli %parallel_loop3A_106#27, %shift_left3A_301 : vector<16xi32>
    %add3A_303 = arith.constant 176 : i32
    %add3A_304 = vector.broadcast %add3A_303 : i32 to vector<16xi32>
    %add3A_305 = arith.addi %iota3A, %add3A_304 : vector<16xi32>
    %add3A_306 = arith.addi %shift_left3A_302, %add3A_305 : vector<16xi32>
    %eq3A_307 = arith.cmpf oeq, %parallel_loop3A_106#11, %max3A_172 : vector<16xf32>
    %jit3A_308 = arith.constant 2147483647 : i32
    %broadcast_in_dim3A_309 = vector.broadcast %jit3A_308 : i32 to vector<16xi32>
    %select_n3A_310 = arith.select %eq3A_307, %add3A_306, %broadcast_in_dim3A_309 : vector<16xi1>, vector<16xi32>
    %min3A_311 = arith.minsi %min3A_299, %select_n3A_310 : vector<16xi32>
    %shift_left3A_312 = arith.constant 8 : i32
    %shift_left3A_313 = vector.broadcast %shift_left3A_312 : i32 to vector<16xi32>
    %shift_left3A_314 = arith.shli %parallel_loop3A_106#28, %shift_left3A_313 : vector<16xi32>
    %add3A_315 = arith.constant 192 : i32
    %add3A_316 = vector.broadcast %add3A_315 : i32 to vector<16xi32>
    %add3A_317 = arith.addi %iota3A, %add3A_316 : vector<16xi32>
    %add3A_318 = arith.addi %shift_left3A_314, %add3A_317 : vector<16xi32>
    %eq3A_319 = arith.cmpf oeq, %parallel_loop3A_106#12, %max3A_172 : vector<16xf32>
    %jit3A_320 = arith.constant 2147483647 : i32
    %broadcast_in_dim3A_321 = vector.broadcast %jit3A_320 : i32 to vector<16xi32>
    %select_n3A_322 = arith.select %eq3A_319, %add3A_318, %broadcast_in_dim3A_321 : vector<16xi1>, vector<16xi32>
    %min3A_323 = arith.minsi %min3A_311, %select_n3A_322 : vector<16xi32>
    %shift_left3A_324 = arith.constant 8 : i32
    %shift_left3A_325 = vector.broadcast %shift_left3A_324 : i32 to vector<16xi32>
    %shift_left3A_326 = arith.shli %parallel_loop3A_106#29, %shift_left3A_325 : vector<16xi32>
    %add3A_327 = arith.constant 208 : i32
    %add3A_328 = vector.broadcast %add3A_327 : i32 to vector<16xi32>
    %add3A_329 = arith.addi %iota3A, %add3A_328 : vector<16xi32>
    %add3A_330 = arith.addi %shift_left3A_326, %add3A_329 : vector<16xi32>
    %eq3A_331 = arith.cmpf oeq, %parallel_loop3A_106#13, %max3A_172 : vector<16xf32>
    %jit3A_332 = arith.constant 2147483647 : i32
    %broadcast_in_dim3A_333 = vector.broadcast %jit3A_332 : i32 to vector<16xi32>
    %select_n3A_334 = arith.select %eq3A_331, %add3A_330, %broadcast_in_dim3A_333 : vector<16xi1>, vector<16xi32>
    %min3A_335 = arith.minsi %min3A_323, %select_n3A_334 : vector<16xi32>
    %shift_left3A_336 = arith.constant 8 : i32
    %shift_left3A_337 = vector.broadcast %shift_left3A_336 : i32 to vector<16xi32>
    %shift_left3A_338 = arith.shli %parallel_loop3A_106#30, %shift_left3A_337 : vector<16xi32>
    %add3A_339 = arith.constant 224 : i32
    %add3A_340 = vector.broadcast %add3A_339 : i32 to vector<16xi32>
    %add3A_341 = arith.addi %iota3A, %add3A_340 : vector<16xi32>
    %add3A_342 = arith.addi %shift_left3A_338, %add3A_341 : vector<16xi32>
    %eq3A_343 = arith.cmpf oeq, %parallel_loop3A_106#14, %max3A_172 : vector<16xf32>
    %jit3A_344 = arith.constant 2147483647 : i32
    %broadcast_in_dim3A_345 = vector.broadcast %jit3A_344 : i32 to vector<16xi32>
    %select_n3A_346 = arith.select %eq3A_343, %add3A_342, %broadcast_in_dim3A_345 : vector<16xi1>, vector<16xi32>
    %min3A_347 = arith.minsi %min3A_335, %select_n3A_346 : vector<16xi32>
    %shift_left3A_348 = arith.constant 8 : i32
    %shift_left3A_349 = vector.broadcast %shift_left3A_348 : i32 to vector<16xi32>
    %shift_left3A_350 = arith.shli %parallel_loop3A_106#31, %shift_left3A_349 : vector<16xi32>
    %add3A_351 = arith.constant 240 : i32
    %add3A_352 = vector.broadcast %add3A_351 : i32 to vector<16xi32>
    %add3A_353 = arith.addi %iota3A, %add3A_352 : vector<16xi32>
    %add3A_354 = arith.addi %shift_left3A_350, %add3A_353 : vector<16xi32>
    %eq3A_355 = arith.cmpf oeq, %parallel_loop3A_106#15, %max3A_172 : vector<16xf32>
    %jit3A_356 = arith.constant 2147483647 : i32
    %broadcast_in_dim3A_357 = vector.broadcast %jit3A_356 : i32 to vector<16xi32>
    %select_n3A_358 = arith.select %eq3A_355, %add3A_354, %broadcast_in_dim3A_357 : vector<16xi1>, vector<16xi32>
    %min3A_359 = arith.minsi %min3A_347, %select_n3A_358 : vector<16xi32>
    %xor3A_360 = arith.constant 1 : i32
    %xor3A_361 = vector.broadcast %xor3A_360 : i32 to vector<16xi32>
    %xor3A_362 = arith.xori %iota3A, %xor3A_361 : vector<16xi32>
    %lt3A_363 = arith.constant 0 : i32
    %lt3A_364 = vector.broadcast %lt3A_363 : i32 to vector<16xi32>
    %lt3A_365 = arith.cmpi slt, %xor3A_362, %lt3A_364 : vector<16xi32>
    %add3A_366 = arith.constant 16 : i32
    %add3A_367 = vector.broadcast %add3A_366 : i32 to vector<16xi32>
    %add3A_368 = arith.addi %xor3A_362, %add3A_367 : vector<16xi32>
    %select_n3A_369 = arith.select %lt3A_365, %add3A_368, %xor3A_362 : vector<16xi1>, vector<16xi32>
    %broadcast_in_dim3A_370 = vector.shape_cast %select_n3A_369 : vector<16xi32> to vector<16x1xi32>
    %gather3A_371 = vector.shape_cast %broadcast_in_dim3A_370 : vector<16x1xi32> to vector<16xi32>
    %gather3A_372 = tpu.dynamic_gather %min3A_359[%gather3A_371] in [0] : vector<16xi32>, vector<16xi32> -> vector<16xi32>
    %min3A_373 = arith.minsi %min3A_359, %gather3A_372 : vector<16xi32>
    %xor3A_374 = arith.constant 2 : i32
    %xor3A_375 = vector.broadcast %xor3A_374 : i32 to vector<16xi32>
    %xor3A_376 = arith.xori %iota3A, %xor3A_375 : vector<16xi32>
    %lt3A_377 = arith.constant 0 : i32
    %lt3A_378 = vector.broadcast %lt3A_377 : i32 to vector<16xi32>
    %lt3A_379 = arith.cmpi slt, %xor3A_376, %lt3A_378 : vector<16xi32>
    %add3A_380 = arith.constant 16 : i32
    %add3A_381 = vector.broadcast %add3A_380 : i32 to vector<16xi32>
    %add3A_382 = arith.addi %xor3A_376, %add3A_381 : vector<16xi32>
    %select_n3A_383 = arith.select %lt3A_379, %add3A_382, %xor3A_376 : vector<16xi1>, vector<16xi32>
    %broadcast_in_dim3A_384 = vector.shape_cast %select_n3A_383 : vector<16xi32> to vector<16x1xi32>
    %gather3A_385 = vector.shape_cast %broadcast_in_dim3A_384 : vector<16x1xi32> to vector<16xi32>
    %gather3A_386 = tpu.dynamic_gather %min3A_373[%gather3A_385] in [0] : vector<16xi32>, vector<16xi32> -> vector<16xi32>
    %min3A_387 = arith.minsi %min3A_373, %gather3A_386 : vector<16xi32>
    %xor3A_388 = arith.constant 4 : i32
    %xor3A_389 = vector.broadcast %xor3A_388 : i32 to vector<16xi32>
    %xor3A_390 = arith.xori %iota3A, %xor3A_389 : vector<16xi32>
    %lt3A_391 = arith.constant 0 : i32
    %lt3A_392 = vector.broadcast %lt3A_391 : i32 to vector<16xi32>
    %lt3A_393 = arith.cmpi slt, %xor3A_390, %lt3A_392 : vector<16xi32>
    %add3A_394 = arith.constant 16 : i32
    %add3A_395 = vector.broadcast %add3A_394 : i32 to vector<16xi32>
    %add3A_396 = arith.addi %xor3A_390, %add3A_395 : vector<16xi32>
    %select_n3A_397 = arith.select %lt3A_393, %add3A_396, %xor3A_390 : vector<16xi1>, vector<16xi32>
    %broadcast_in_dim3A_398 = vector.shape_cast %select_n3A_397 : vector<16xi32> to vector<16x1xi32>
    %gather3A_399 = vector.shape_cast %broadcast_in_dim3A_398 : vector<16x1xi32> to vector<16xi32>
    %gather3A_400 = tpu.dynamic_gather %min3A_387[%gather3A_399] in [0] : vector<16xi32>, vector<16xi32> -> vector<16xi32>
    %min3A_401 = arith.minsi %min3A_387, %gather3A_400 : vector<16xi32>
    %xor3A_402 = arith.constant 8 : i32
    %xor3A_403 = vector.broadcast %xor3A_402 : i32 to vector<16xi32>
    %xor3A_404 = arith.xori %iota3A, %xor3A_403 : vector<16xi32>
    %lt3A_405 = arith.constant 0 : i32
    %lt3A_406 = vector.broadcast %lt3A_405 : i32 to vector<16xi32>
    %lt3A_407 = arith.cmpi slt, %xor3A_404, %lt3A_406 : vector<16xi32>
    %add3A_408 = arith.constant 16 : i32
    %add3A_409 = vector.broadcast %add3A_408 : i32 to vector<16xi32>
    %add3A_410 = arith.addi %xor3A_404, %add3A_409 : vector<16xi32>
    %select_n3A_411 = arith.select %lt3A_407, %add3A_410, %xor3A_404 : vector<16xi1>, vector<16xi32>
    %broadcast_in_dim3A_412 = vector.shape_cast %select_n3A_411 : vector<16xi32> to vector<16x1xi32>
    %gather3A_413 = vector.shape_cast %broadcast_in_dim3A_412 : vector<16x1xi32> to vector<16xi32>
    %gather3A_414 = tpu.dynamic_gather %min3A_401[%gather3A_413] in [0] : vector<16xi32>, vector<16xi32> -> vector<16xi32>
    %min3A_415 = arith.minsi %min3A_401, %gather3A_414 : vector<16xi32>
    %dma_wait3A_416 = arith.constant 0 : i32
    %dma_wait3A_417 = tpu.memref_slice %arg2[%add3A_43, %dma_wait3A_416] : memref<64x8192xf32, #tpu.memory_space<hbm>> -> memref<1x8192xf32, #tpu.memory_space<hbm>>
    %dma_wait3A_418 = tpu.memref_squeeze %dma_wait3A_417 : memref<1x8192xf32, #tpu.memory_space<hbm>> -> memref<8192xf32, #tpu.memory_space<hbm>>
    %dma_wait3A_419 = arith.constant 0 : i32
    %dma_wait3A_420 = tpu.memref_slice %arg2[%add3A_43, %dma_wait3A_419] : memref<64x8192xf32, #tpu.memory_space<hbm>> -> memref<1x8192xf32, #tpu.memory_space<hbm>>
    %dma_wait3A_421 = tpu.memref_squeeze %dma_wait3A_420 : memref<1x8192xf32, #tpu.memory_space<hbm>> -> memref<8192xf32, #tpu.memory_space<hbm>>
    tpu.wait_dma2 semaphore(%arg14 : memref<!tpu.dma_semaphore, #tpu.memory_space<semaphore_mem>>) src(%dma_wait3A_421 : memref<8192xf32, #tpu.memory_space<hbm>>) dst(%arg5 : memref<8192xf32, #tpu.memory_space<vmem>>)
    %broadcast_in_dim3A_422 = arith.constant 0 : i32
    %broadcast_in_dim3A_423 = vector.broadcast %broadcast_in_dim3A_422 : i32 to vector<16xi32>
    %parallel_loop3A_424 = arith.constant 0 : i32
    %parallel_loop3A_425 = arith.constant 32 : i32
    %parallel_loop3A_426 = arith.constant 1 : i32
    %parallel_loop3A_427:32 = scf.for %parallel_loop3A_779 = %parallel_loop3A_424 to %parallel_loop3A_425 step %parallel_loop3A_426 iter_args(%parallel_loop3A_780 = %broadcast_in_dim3A_50, %parallel_loop3A_781 = %broadcast_in_dim3A_50, %parallel_loop3A_782 = %broadcast_in_dim3A_50, %parallel_loop3A_783 = %broadcast_in_dim3A_50, %parallel_loop3A_784 = %broadcast_in_dim3A_50, %parallel_loop3A_785 = %broadcast_in_dim3A_50, %parallel_loop3A_786 = %broadcast_in_dim3A_50, %parallel_loop3A_787 = %broadcast_in_dim3A_50, %parallel_loop3A_788 = %broadcast_in_dim3A_50, %parallel_loop3A_789 = %broadcast_in_dim3A_50, %parallel_loop3A_790 = %broadcast_in_dim3A_50, %parallel_loop3A_791 = %broadcast_in_dim3A_50, %parallel_loop3A_792 = %broadcast_in_dim3A_50, %parallel_loop3A_793 = %broadcast_in_dim3A_50, %parallel_loop3A_794 = %broadcast_in_dim3A_50, %parallel_loop3A_795 = %broadcast_in_dim3A_50, %parallel_loop3A_796 = %broadcast_in_dim3A_423, %parallel_loop3A_797 = %broadcast_in_dim3A_423, %parallel_loop3A_798 = %broadcast_in_dim3A_423, %parallel_loop3A_799 = %broadcast_in_dim3A_423, %parallel_loop3A_800 = %broadcast_in_dim3A_423, %parallel_loop3A_801 = %broadcast_in_dim3A_423, %parallel_loop3A_802 = %broadcast_in_dim3A_423, %parallel_loop3A_803 = %broadcast_in_dim3A_423, %parallel_loop3A_804 = %broadcast_in_dim3A_423, %parallel_loop3A_805 = %broadcast_in_dim3A_423, %parallel_loop3A_806 = %broadcast_in_dim3A_423, %parallel_loop3A_807 = %broadcast_in_dim3A_423, %parallel_loop3A_808 = %broadcast_in_dim3A_423, %parallel_loop3A_809 = %broadcast_in_dim3A_423, %parallel_loop3A_810 = %broadcast_in_dim3A_423, %parallel_loop3A_811 = %broadcast_in_dim3A_423) -> (vector<16xf32>, vector<16xf32>, vector<16xf32>, vector<16xf32>, vector<16xf32>, vector<16xf32>, vector<16xf32>, vector<16xf32>, vector<16xf32>, vector<16xf32>, vector<16xf32>, vector<16xf32>, vector<16xf32>, vector<16xf32>, vector<16xf32>, vector<16xf32>, vector<16xi32>, vector<16xi32>, vector<16xi32>, vector<16xi32>, vector<16xi32>, vector<16xi32>, vector<16xi32>, vector<16xi32>, vector<16xi32>, vector<16xi32>, vector<16xi32>, vector<16xi32>, vector<16xi32>, vector<16xi32>, vector<16xi32>, vector<16xi32>)  : i32 {
      %parallel_loop3A_812 = arith.constant 0 : i32
      %parallel_loop3A_813 = vector.broadcast %parallel_loop3A_812 : i32 to vector<16xi32>
      %parallel_loop3A_814 = vector.broadcast %parallel_loop3A_779 : i32 to vector<16xi32>
      %parallel_loop3A_815 = arith.addi %parallel_loop3A_813, %parallel_loop3A_814 : vector<16xi32>
      %parallel_loop3A_816 = arith.constant 16 : i32
      %parallel_loop3A_817 = arith.muli %parallel_loop3A_779, %parallel_loop3A_816 : i32
      %parallel_loop3A_818 = arith.constant 0 : i32
      %parallel_loop3A_819 = arith.addi %parallel_loop3A_817, %parallel_loop3A_818 : i32
      %parallel_loop3A_820 = arith.constant 16 : i32
      %parallel_loop3A_821 = arith.muli %parallel_loop3A_819, %parallel_loop3A_820 : i32
      %parallel_loop3A_822 = arith.index_cast %parallel_loop3A_821 : i32 to index
      %parallel_loop3A_823 = tpu.vector_load %arg5[%parallel_loop3A_822] {strides = array<i32>} : memref<8192xf32, #tpu.memory_space<vmem>>, vector<16xf32>,
      %parallel_loop3A_824 = vector.shape_cast %parallel_loop3A_823 : vector<16xf32> to vector<16xf32>
      %parallel_loop3A_825 = arith.cmpf ogt, %parallel_loop3A_824, %parallel_loop3A_780 : vector<16xf32>
      %parallel_loop3A_826 = arith.maximumf %parallel_loop3A_780, %parallel_loop3A_824 : vector<16xf32>
      %parallel_loop3A_827 = arith.select %parallel_loop3A_825, %parallel_loop3A_815, %parallel_loop3A_796 : vector<16xi1>, vector<16xi32>
      %parallel_loop3A_828 = arith.constant 1 : i32
      %parallel_loop3A_829 = arith.addi %parallel_loop3A_817, %parallel_loop3A_828 : i32
      %parallel_loop3A_830 = arith.constant 16 : i32
      %parallel_loop3A_831 = arith.muli %parallel_loop3A_829, %parallel_loop3A_830 : i32
      %parallel_loop3A_832 = arith.index_cast %parallel_loop3A_831 : i32 to index
      %parallel_loop3A_833 = tpu.vector_load %arg5[%parallel_loop3A_832] {strides = array<i32>} : memref<8192xf32, #tpu.memory_space<vmem>>, vector<16xf32>,
      %parallel_loop3A_834 = vector.shape_cast %parallel_loop3A_833 : vector<16xf32> to vector<16xf32>
      %parallel_loop3A_835 = arith.cmpf ogt, %parallel_loop3A_834, %parallel_loop3A_781 : vector<16xf32>
      %parallel_loop3A_836 = arith.maximumf %parallel_loop3A_781, %parallel_loop3A_834 : vector<16xf32>
      %parallel_loop3A_837 = arith.select %parallel_loop3A_835, %parallel_loop3A_815, %parallel_loop3A_797 : vector<16xi1>, vector<16xi32>
      %parallel_loop3A_838 = arith.constant 2 : i32
      %parallel_loop3A_839 = arith.addi %parallel_loop3A_817, %parallel_loop3A_838 : i32
      %parallel_loop3A_840 = arith.constant 16 : i32
      %parallel_loop3A_841 = arith.muli %parallel_loop3A_839, %parallel_loop3A_840 : i32
      %parallel_loop3A_842 = arith.index_cast %parallel_loop3A_841 : i32 to index
      %parallel_loop3A_843 = tpu.vector_load %arg5[%parallel_loop3A_842] {strides = array<i32>} : memref<8192xf32, #tpu.memory_space<vmem>>, vector<16xf32>,
      %parallel_loop3A_844 = vector.shape_cast %parallel_loop3A_843 : vector<16xf32> to vector<16xf32>
      %parallel_loop3A_845 = arith.cmpf ogt, %parallel_loop3A_844, %parallel_loop3A_782 : vector<16xf32>
      %parallel_loop3A_846 = arith.maximumf %parallel_loop3A_782, %parallel_loop3A_844 : vector<16xf32>
      %parallel_loop3A_847 = arith.select %parallel_loop3A_845, %parallel_loop3A_815, %parallel_loop3A_798 : vector<16xi1>, vector<16xi32>
      %parallel_loop3A_848 = arith.constant 3 : i32
      %parallel_loop3A_849 = arith.addi %parallel_loop3A_817, %parallel_loop3A_848 : i32
      %parallel_loop3A_850 = arith.constant 16 : i32
      %parallel_loop3A_851 = arith.muli %parallel_loop3A_849, %parallel_loop3A_850 : i32
      %parallel_loop3A_852 = arith.index_cast %parallel_loop3A_851 : i32 to index
      %parallel_loop3A_853 = tpu.vector_load %arg5[%parallel_loop3A_852] {strides = array<i32>} : memref<8192xf32, #tpu.memory_space<vmem>>, vector<16xf32>,
      %parallel_loop3A_854 = vector.shape_cast %parallel_loop3A_853 : vector<16xf32> to vector<16xf32>
      %parallel_loop3A_855 = arith.cmpf ogt, %parallel_loop3A_854, %parallel_loop3A_783 : vector<16xf32>
      %parallel_loop3A_856 = arith.maximumf %parallel_loop3A_783, %parallel_loop3A_854 : vector<16xf32>
      %parallel_loop3A_857 = arith.select %parallel_loop3A_855, %parallel_loop3A_815, %parallel_loop3A_799 : vector<16xi1>, vector<16xi32>
      %parallel_loop3A_858 = arith.constant 4 : i32
      %parallel_loop3A_859 = arith.addi %parallel_loop3A_817, %parallel_loop3A_858 : i32
      %parallel_loop3A_860 = arith.constant 16 : i32
      %parallel_loop3A_861 = arith.muli %parallel_loop3A_859, %parallel_loop3A_860 : i32
      %parallel_loop3A_862 = arith.index_cast %parallel_loop3A_861 : i32 to index
      %parallel_loop3A_863 = tpu.vector_load %arg5[%parallel_loop3A_862] {strides = array<i32>} : memref<8192xf32, #tpu.memory_space<vmem>>, vector<16xf32>,
      %parallel_loop3A_864 = vector.shape_cast %parallel_loop3A_863 : vector<16xf32> to vector<16xf32>
      %parallel_loop3A_865 = arith.cmpf ogt, %parallel_loop3A_864, %parallel_loop3A_784 : vector<16xf32>
      %parallel_loop3A_866 = arith.maximumf %parallel_loop3A_784, %parallel_loop3A_864 : vector<16xf32>
      %parallel_loop3A_867 = arith.select %parallel_loop3A_865, %parallel_loop3A_815, %parallel_loop3A_800 : vector<16xi1>, vector<16xi32>
      %parallel_loop3A_868 = arith.constant 5 : i32
      %parallel_loop3A_869 = arith.addi %parallel_loop3A_817, %parallel_loop3A_868 : i32
      %parallel_loop3A_870 = arith.constant 16 : i32
      %parallel_loop3A_871 = arith.muli %parallel_loop3A_869, %parallel_loop3A_870 : i32
      %parallel_loop3A_872 = arith.index_cast %parallel_loop3A_871 : i32 to index
      %parallel_loop3A_873 = tpu.vector_load %arg5[%parallel_loop3A_872] {strides = array<i32>} : memref<8192xf32, #tpu.memory_space<vmem>>, vector<16xf32>,
      %parallel_loop3A_874 = vector.shape_cast %parallel_loop3A_873 : vector<16xf32> to vector<16xf32>
      %parallel_loop3A_875 = arith.cmpf ogt, %parallel_loop3A_874, %parallel_loop3A_785 : vector<16xf32>
      %parallel_loop3A_876 = arith.maximumf %parallel_loop3A_785, %parallel_loop3A_874 : vector<16xf32>
      %parallel_loop3A_877 = arith.select %parallel_loop3A_875, %parallel_loop3A_815, %parallel_loop3A_801 : vector<16xi1>, vector<16xi32>
      %parallel_loop3A_878 = arith.constant 6 : i32
      %parallel_loop3A_879 = arith.addi %parallel_loop3A_817, %parallel_loop3A_878 : i32
      %parallel_loop3A_880 = arith.constant 16 : i32
      %parallel_loop3A_881 = arith.muli %parallel_loop3A_879, %parallel_loop3A_880 : i32
      %parallel_loop3A_882 = arith.index_cast %parallel_loop3A_881 : i32 to index
      %parallel_loop3A_883 = tpu.vector_load %arg5[%parallel_loop3A_882] {strides = array<i32>} : memref<8192xf32, #tpu.memory_space<vmem>>, vector<16xf32>,
      %parallel_loop3A_884 = vector.shape_cast %parallel_loop3A_883 : vector<16xf32> to vector<16xf32>
      %parallel_loop3A_885 = arith.cmpf ogt, %parallel_loop3A_884, %parallel_loop3A_786 : vector<16xf32>
      %parallel_loop3A_886 = arith.maximumf %parallel_loop3A_786, %parallel_loop3A_884 : vector<16xf32>
      %parallel_loop3A_887 = arith.select %parallel_loop3A_885, %parallel_loop3A_815, %parallel_loop3A_802 : vector<16xi1>, vector<16xi32>
      %parallel_loop3A_888 = arith.constant 7 : i32
      %parallel_loop3A_889 = arith.addi %parallel_loop3A_817, %parallel_loop3A_888 : i32
      %parallel_loop3A_890 = arith.constant 16 : i32
      %parallel_loop3A_891 = arith.muli %parallel_loop3A_889, %parallel_loop3A_890 : i32
      %parallel_loop3A_892 = arith.index_cast %parallel_loop3A_891 : i32 to index
      %parallel_loop3A_893 = tpu.vector_load %arg5[%parallel_loop3A_892] {strides = array<i32>} : memref<8192xf32, #tpu.memory_space<vmem>>, vector<16xf32>,
      %parallel_loop3A_894 = vector.shape_cast %parallel_loop3A_893 : vector<16xf32> to vector<16xf32>
      %parallel_loop3A_895 = arith.cmpf ogt, %parallel_loop3A_894, %parallel_loop3A_787 : vector<16xf32>
      %parallel_loop3A_896 = arith.maximumf %parallel_loop3A_787, %parallel_loop3A_894 : vector<16xf32>
      %parallel_loop3A_897 = arith.select %parallel_loop3A_895, %parallel_loop3A_815, %parallel_loop3A_803 : vector<16xi1>, vector<16xi32>
      %parallel_loop3A_898 = arith.constant 8 : i32
      %parallel_loop3A_899 = arith.addi %parallel_loop3A_817, %parallel_loop3A_898 : i32
      %parallel_loop3A_900 = arith.constant 16 : i32
      %parallel_loop3A_901 = arith.muli %parallel_loop3A_899, %parallel_loop3A_900 : i32
      %parallel_loop3A_902 = arith.index_cast %parallel_loop3A_901 : i32 to index
      %parallel_loop3A_903 = tpu.vector_load %arg5[%parallel_loop3A_902] {strides = array<i32>} : memref<8192xf32, #tpu.memory_space<vmem>>, vector<16xf32>,
      %parallel_loop3A_904 = vector.shape_cast %parallel_loop3A_903 : vector<16xf32> to vector<16xf32>
      %parallel_loop3A_905 = arith.cmpf ogt, %parallel_loop3A_904, %parallel_loop3A_788 : vector<16xf32>
      %parallel_loop3A_906 = arith.maximumf %parallel_loop3A_788, %parallel_loop3A_904 : vector<16xf32>
      %parallel_loop3A_907 = arith.select %parallel_loop3A_905, %parallel_loop3A_815, %parallel_loop3A_804 : vector<16xi1>, vector<16xi32>
      %parallel_loop3A_908 = arith.constant 9 : i32
      %parallel_loop3A_909 = arith.addi %parallel_loop3A_817, %parallel_loop3A_908 : i32
      %parallel_loop3A_910 = arith.constant 16 : i32
      %parallel_loop3A_911 = arith.muli %parallel_loop3A_909, %parallel_loop3A_910 : i32
      %parallel_loop3A_912 = arith.index_cast %parallel_loop3A_911 : i32 to index
      %parallel_loop3A_913 = tpu.vector_load %arg5[%parallel_loop3A_912] {strides = array<i32>} : memref<8192xf32, #tpu.memory_space<vmem>>, vector<16xf32>,
      %parallel_loop3A_914 = vector.shape_cast %parallel_loop3A_913 : vector<16xf32> to vector<16xf32>
      %parallel_loop3A_915 = arith.cmpf ogt, %parallel_loop3A_914, %parallel_loop3A_789 : vector<16xf32>
      %parallel_loop3A_916 = arith.maximumf %parallel_loop3A_789, %parallel_loop3A_914 : vector<16xf32>
      %parallel_loop3A_917 = arith.select %parallel_loop3A_915, %parallel_loop3A_815, %parallel_loop3A_805 : vector<16xi1>, vector<16xi32>
      %parallel_loop3A_918 = arith.constant 10 : i32
      %parallel_loop3A_919 = arith.addi %parallel_loop3A_817, %parallel_loop3A_918 : i32
      %parallel_loop3A_920 = arith.constant 16 : i32
      %parallel_loop3A_921 = arith.muli %parallel_loop3A_919, %parallel_loop3A_920 : i32
      %parallel_loop3A_922 = arith.index_cast %parallel_loop3A_921 : i32 to index
      %parallel_loop3A_923 = tpu.vector_load %arg5[%parallel_loop3A_922] {strides = array<i32>} : memref<8192xf32, #tpu.memory_space<vmem>>, vector<16xf32>,
      %parallel_loop3A_924 = vector.shape_cast %parallel_loop3A_923 : vector<16xf32> to vector<16xf32>
      %parallel_loop3A_925 = arith.cmpf ogt, %parallel_loop3A_924, %parallel_loop3A_790 : vector<16xf32>
      %parallel_loop3A_926 = arith.maximumf %parallel_loop3A_790, %parallel_loop3A_924 : vector<16xf32>
      %parallel_loop3A_927 = arith.select %parallel_loop3A_925, %parallel_loop3A_815, %parallel_loop3A_806 : vector<16xi1>, vector<16xi32>
      %parallel_loop3A_928 = arith.constant 11 : i32
      %parallel_loop3A_929 = arith.addi %parallel_loop3A_817, %parallel_loop3A_928 : i32
      %parallel_loop3A_930 = arith.constant 16 : i32
      %parallel_loop3A_931 = arith.muli %parallel_loop3A_929, %parallel_loop3A_930 : i32
      %parallel_loop3A_932 = arith.index_cast %parallel_loop3A_931 : i32 to index
      %parallel_loop3A_933 = tpu.vector_load %arg5[%parallel_loop3A_932] {strides = array<i32>} : memref<8192xf32, #tpu.memory_space<vmem>>, vector<16xf32>,
      %parallel_loop3A_934 = vector.shape_cast %parallel_loop3A_933 : vector<16xf32> to vector<16xf32>
      %parallel_loop3A_935 = arith.cmpf ogt, %parallel_loop3A_934, %parallel_loop3A_791 : vector<16xf32>
      %parallel_loop3A_936 = arith.maximumf %parallel_loop3A_791, %parallel_loop3A_934 : vector<16xf32>
      %parallel_loop3A_937 = arith.select %parallel_loop3A_935, %parallel_loop3A_815, %parallel_loop3A_807 : vector<16xi1>, vector<16xi32>
      %parallel_loop3A_938 = arith.constant 12 : i32
      %parallel_loop3A_939 = arith.addi %parallel_loop3A_817, %parallel_loop3A_938 : i32
      %parallel_loop3A_940 = arith.constant 16 : i32
      %parallel_loop3A_941 = arith.muli %parallel_loop3A_939, %parallel_loop3A_940 : i32
      %parallel_loop3A_942 = arith.index_cast %parallel_loop3A_941 : i32 to index
      %parallel_loop3A_943 = tpu.vector_load %arg5[%parallel_loop3A_942] {strides = array<i32>} : memref<8192xf32, #tpu.memory_space<vmem>>, vector<16xf32>,
      %parallel_loop3A_944 = vector.shape_cast %parallel_loop3A_943 : vector<16xf32> to vector<16xf32>
      %parallel_loop3A_945 = arith.cmpf ogt, %parallel_loop3A_944, %parallel_loop3A_792 : vector<16xf32>
      %parallel_loop3A_946 = arith.maximumf %parallel_loop3A_792, %parallel_loop3A_944 : vector<16xf32>
      %parallel_loop3A_947 = arith.select %parallel_loop3A_945, %parallel_loop3A_815, %parallel_loop3A_808 : vector<16xi1>, vector<16xi32>
      %parallel_loop3A_948 = arith.constant 13 : i32
      %parallel_loop3A_949 = arith.addi %parallel_loop3A_817, %parallel_loop3A_948 : i32
      %parallel_loop3A_950 = arith.constant 16 : i32
      %parallel_loop3A_951 = arith.muli %parallel_loop3A_949, %parallel_loop3A_950 : i32
      %parallel_loop3A_952 = arith.index_cast %parallel_loop3A_951 : i32 to index
      %parallel_loop3A_953 = tpu.vector_load %arg5[%parallel_loop3A_952] {strides = array<i32>} : memref<8192xf32, #tpu.memory_space<vmem>>, vector<16xf32>,
      %parallel_loop3A_954 = vector.shape_cast %parallel_loop3A_953 : vector<16xf32> to vector<16xf32>
      %parallel_loop3A_955 = arith.cmpf ogt, %parallel_loop3A_954, %parallel_loop3A_793 : vector<16xf32>
      %parallel_loop3A_956 = arith.maximumf %parallel_loop3A_793, %parallel_loop3A_954 : vector<16xf32>
      %parallel_loop3A_957 = arith.select %parallel_loop3A_955, %parallel_loop3A_815, %parallel_loop3A_809 : vector<16xi1>, vector<16xi32>
      %parallel_loop3A_958 = arith.constant 14 : i32
      %parallel_loop3A_959 = arith.addi %parallel_loop3A_817, %parallel_loop3A_958 : i32
      %parallel_loop3A_960 = arith.constant 16 : i32
      %parallel_loop3A_961 = arith.muli %parallel_loop3A_959, %parallel_loop3A_960 : i32
      %parallel_loop3A_962 = arith.index_cast %parallel_loop3A_961 : i32 to index
      %parallel_loop3A_963 = tpu.vector_load %arg5[%parallel_loop3A_962] {strides = array<i32>} : memref<8192xf32, #tpu.memory_space<vmem>>, vector<16xf32>,
      %parallel_loop3A_964 = vector.shape_cast %parallel_loop3A_963 : vector<16xf32> to vector<16xf32>
      %parallel_loop3A_965 = arith.cmpf ogt, %parallel_loop3A_964, %parallel_loop3A_794 : vector<16xf32>
      %parallel_loop3A_966 = arith.maximumf %parallel_loop3A_794, %parallel_loop3A_964 : vector<16xf32>
      %parallel_loop3A_967 = arith.select %parallel_loop3A_965, %parallel_loop3A_815, %parallel_loop3A_810 : vector<16xi1>, vector<16xi32>
      %parallel_loop3A_968 = arith.constant 15 : i32
      %parallel_loop3A_969 = arith.addi %parallel_loop3A_817, %parallel_loop3A_968 : i32
      %parallel_loop3A_970 = arith.constant 16 : i32
      %parallel_loop3A_971 = arith.muli %parallel_loop3A_969, %parallel_loop3A_970 : i32
      %parallel_loop3A_972 = arith.index_cast %parallel_loop3A_971 : i32 to index
      %parallel_loop3A_973 = tpu.vector_load %arg5[%parallel_loop3A_972] {strides = array<i32>} : memref<8192xf32, #tpu.memory_space<vmem>>, vector<16xf32>,
      %parallel_loop3A_974 = vector.shape_cast %parallel_loop3A_973 : vector<16xf32> to vector<16xf32>
      %parallel_loop3A_975 = arith.cmpf ogt, %parallel_loop3A_974, %parallel_loop3A_795 : vector<16xf32>
      %parallel_loop3A_976 = arith.maximumf %parallel_loop3A_795, %parallel_loop3A_974 : vector<16xf32>
      %parallel_loop3A_977 = arith.select %parallel_loop3A_975, %parallel_loop3A_815, %parallel_loop3A_811 : vector<16xi1>, vector<16xi32>
      scf.yield %parallel_loop3A_826, %parallel_loop3A_836, %parallel_loop3A_846, %parallel_loop3A_856, %parallel_loop3A_866, %parallel_loop3A_876, %parallel_loop3A_886, %parallel_loop3A_896, %parallel_loop3A_906, %parallel_loop3A_916, %parallel_loop3A_926, %parallel_loop3A_936, %parallel_loop3A_946, %parallel_loop3A_956, %parallel_loop3A_966, %parallel_loop3A_976, %parallel_loop3A_827, %parallel_loop3A_837, %parallel_loop3A_847, %parallel_loop3A_857, %parallel_loop3A_867, %parallel_loop3A_877, %parallel_loop3A_887, %parallel_loop3A_897, %parallel_loop3A_907, %parallel_loop3A_917, %parallel_loop3A_927, %parallel_loop3A_937, %parallel_loop3A_947, %parallel_loop3A_957, %parallel_loop3A_967, %parallel_loop3A_977 : vector<16xf32>, vector<16xf32>, vector<16xf32>, vector<16xf32>, vector<16xf32>, vector<16xf32>, vector<16xf32>, vector<16xf32>, vector<16xf32>, vector<16xf32>, vector<16xf32>, vector<16xf32>, vector<16xf32>, vector<16xf32>, vector<16xf32>, vector<16xf32>, vector<16xi32>, vector<16xi32>, vector<16xi32>, vector<16xi32>, vector<16xi32>, vector<16xi32>, vector<16xi32>, vector<16xi32>, vector<16xi32>, vector<16xi32>, vector<16xi32>, vector<16xi32>, vector<16xi32>, vector<16xi32>, vector<16xi32>, vector<16xi32>
    } {sc.loop_unroll_factor = 1 : i64, sc.parallel_access}
    %max3A_428 = arith.maximumf %parallel_loop3A_427#0, %parallel_loop3A_427#1 : vector<16xf32>
    %max3A_429 = arith.maximumf %max3A_428, %parallel_loop3A_427#2 : vector<16xf32>
    %max3A_430 = arith.maximumf %max3A_429, %parallel_loop3A_427#3 : vector<16xf32>
    %max3A_431 = arith.maximumf %max3A_430, %parallel_loop3A_427#4 : vector<16xf32>
    %max3A_432 = arith.maximumf %max3A_431, %parallel_loop3A_427#5 : vector<16xf32>
    %max3A_433 = arith.maximumf %max3A_432, %parallel_loop3A_427#6 : vector<16xf32>
    %max3A_434 = arith.maximumf %max3A_433, %parallel_loop3A_427#7 : vector<16xf32>
    %max3A_435 = arith.maximumf %max3A_434, %parallel_loop3A_427#8 : vector<16xf32>
    %max3A_436 = arith.maximumf %max3A_435, %parallel_loop3A_427#9 : vector<16xf32>
    %max3A_437 = arith.maximumf %max3A_436, %parallel_loop3A_427#10 : vector<16xf32>
    %max3A_438 = arith.maximumf %max3A_437, %parallel_loop3A_427#11 : vector<16xf32>
    %max3A_439 = arith.maximumf %max3A_438, %parallel_loop3A_427#12 : vector<16xf32>
    %max3A_440 = arith.maximumf %max3A_439, %parallel_loop3A_427#13 : vector<16xf32>
    %max3A_441 = arith.maximumf %max3A_440, %parallel_loop3A_427#14 : vector<16xf32>
    %max3A_442 = arith.maximumf %max3A_441, %parallel_loop3A_427#15 : vector<16xf32>
    %xor3A_443 = arith.constant 1 : i32
    %xor3A_444 = vector.broadcast %xor3A_443 : i32 to vector<16xi32>
    %xor3A_445 = arith.xori %iota3A, %xor3A_444 : vector<16xi32>
    %lt3A_446 = arith.constant 0 : i32
    %lt3A_447 = vector.broadcast %lt3A_446 : i32 to vector<16xi32>
    %lt3A_448 = arith.cmpi slt, %xor3A_445, %lt3A_447 : vector<16xi32>
    %add3A_449 = arith.constant 16 : i32
    %add3A_450 = vector.broadcast %add3A_449 : i32 to vector<16xi32>
    %add3A_451 = arith.addi %xor3A_445, %add3A_450 : vector<16xi32>
    %select_n3A_452 = arith.select %lt3A_448, %add3A_451, %xor3A_445 : vector<16xi1>, vector<16xi32>
    %broadcast_in_dim3A_453 = vector.shape_cast %select_n3A_452 : vector<16xi32> to vector<16x1xi32>
    %gather3A_454 = vector.shape_cast %broadcast_in_dim3A_453 : vector<16x1xi32> to vector<16xi32>
    %gather3A_455 = tpu.dynamic_gather %max3A_442[%gather3A_454] in [0] : vector<16xf32>, vector<16xi32> -> vector<16xf32>
    %max3A_456 = arith.maximumf %max3A_442, %gather3A_455 : vector<16xf32>
    %xor3A_457 = arith.constant 2 : i32
    %xor3A_458 = vector.broadcast %xor3A_457 : i32 to vector<16xi32>
    %xor3A_459 = arith.xori %iota3A, %xor3A_458 : vector<16xi32>
    %lt3A_460 = arith.constant 0 : i32
    %lt3A_461 = vector.broadcast %lt3A_460 : i32 to vector<16xi32>
    %lt3A_462 = arith.cmpi slt, %xor3A_459, %lt3A_461 : vector<16xi32>
    %add3A_463 = arith.constant 16 : i32
    %add3A_464 = vector.broadcast %add3A_463 : i32 to vector<16xi32>
    %add3A_465 = arith.addi %xor3A_459, %add3A_464 : vector<16xi32>
    %select_n3A_466 = arith.select %lt3A_462, %add3A_465, %xor3A_459 : vector<16xi1>, vector<16xi32>
    %broadcast_in_dim3A_467 = vector.shape_cast %select_n3A_466 : vector<16xi32> to vector<16x1xi32>
    %gather3A_468 = vector.shape_cast %broadcast_in_dim3A_467 : vector<16x1xi32> to vector<16xi32>
    %gather3A_469 = tpu.dynamic_gather %max3A_456[%gather3A_468] in [0] : vector<16xf32>, vector<16xi32> -> vector<16xf32>
    %max3A_470 = arith.maximumf %max3A_456, %gather3A_469 : vector<16xf32>
    %xor3A_471 = arith.constant 4 : i32
    %xor3A_472 = vector.broadcast %xor3A_471 : i32 to vector<16xi32>
    %xor3A_473 = arith.xori %iota3A, %xor3A_472 : vector<16xi32>
    %lt3A_474 = arith.constant 0 : i32
    %lt3A_475 = vector.broadcast %lt3A_474 : i32 to vector<16xi32>
    %lt3A_476 = arith.cmpi slt, %xor3A_473, %lt3A_475 : vector<16xi32>
    %add3A_477 = arith.constant 16 : i32
    %add3A_478 = vector.broadcast %add3A_477 : i32 to vector<16xi32>
    %add3A_479 = arith.addi %xor3A_473, %add3A_478 : vector<16xi32>
    %select_n3A_480 = arith.select %lt3A_476, %add3A_479, %xor3A_473 : vector<16xi1>, vector<16xi32>
    %broadcast_in_dim3A_481 = vector.shape_cast %select_n3A_480 : vector<16xi32> to vector<16x1xi32>
    %gather3A_482 = vector.shape_cast %broadcast_in_dim3A_481 : vector<16x1xi32> to vector<16xi32>
    %gather3A_483 = tpu.dynamic_gather %max3A_470[%gather3A_482] in [0] : vector<16xf32>, vector<16xi32> -> vector<16xf32>
    %max3A_484 = arith.maximumf %max3A_470, %gather3A_483 : vector<16xf32>
    %xor3A_485 = arith.constant 8 : i32
    %xor3A_486 = vector.broadcast %xor3A_485 : i32 to vector<16xi32>
    %xor3A_487 = arith.xori %iota3A, %xor3A_486 : vector<16xi32>
    %lt3A_488 = arith.constant 0 : i32
    %lt3A_489 = vector.broadcast %lt3A_488 : i32 to vector<16xi32>
    %lt3A_490 = arith.cmpi slt, %xor3A_487, %lt3A_489 : vector<16xi32>
    %add3A_491 = arith.constant 16 : i32
    %add3A_492 = vector.broadcast %add3A_491 : i32 to vector<16xi32>
    %add3A_493 = arith.addi %xor3A_487, %add3A_492 : vector<16xi32>
    %select_n3A_494 = arith.select %lt3A_490, %add3A_493, %xor3A_487 : vector<16xi1>, vector<16xi32>
    %broadcast_in_dim3A_495 = vector.shape_cast %select_n3A_494 : vector<16xi32> to vector<16x1xi32>
    %gather3A_496 = vector.shape_cast %broadcast_in_dim3A_495 : vector<16x1xi32> to vector<16xi32>
    %gather3A_497 = tpu.dynamic_gather %max3A_484[%gather3A_496] in [0] : vector<16xf32>, vector<16xi32> -> vector<16xf32>
    %max3A_498 = arith.maximumf %max3A_484, %gather3A_497 : vector<16xf32>
    %shift_left3A_499 = arith.constant 8 : i32
    %shift_left3A_500 = vector.broadcast %shift_left3A_499 : i32 to vector<16xi32>
    %shift_left3A_501 = arith.shli %parallel_loop3A_427#16, %shift_left3A_500 : vector<16xi32>
    %add3A_502 = arith.constant 0 : i32
    %add3A_503 = vector.broadcast %add3A_502 : i32 to vector<16xi32>
    %add3A_504 = arith.addi %iota3A, %add3A_503 : vector<16xi32>
    %add3A_505 = arith.addi %shift_left3A_501, %add3A_504 : vector<16xi32>
    %eq3A_506 = arith.cmpf oeq, %parallel_loop3A_427#0, %max3A_498 : vector<16xf32>
    %jit3A_507 = arith.constant 2147483647 : i32
    %broadcast_in_dim3A_508 = vector.broadcast %jit3A_507 : i32 to vector<16xi32>
    %select_n3A_509 = arith.select %eq3A_506, %add3A_505, %broadcast_in_dim3A_508 : vector<16xi1>, vector<16xi32>
    %shift_left3A_510 = arith.constant 8 : i32
    %shift_left3A_511 = vector.broadcast %shift_left3A_510 : i32 to vector<16xi32>
    %shift_left3A_512 = arith.shli %parallel_loop3A_427#17, %shift_left3A_511 : vector<16xi32>
    %add3A_513 = arith.constant 16 : i32
    %add3A_514 = vector.broadcast %add3A_513 : i32 to vector<16xi32>
    %add3A_515 = arith.addi %iota3A, %add3A_514 : vector<16xi32>
    %add3A_516 = arith.addi %shift_left3A_512, %add3A_515 : vector<16xi32>
    %eq3A_517 = arith.cmpf oeq, %parallel_loop3A_427#1, %max3A_498 : vector<16xf32>
    %jit3A_518 = arith.constant 2147483647 : i32
    %broadcast_in_dim3A_519 = vector.broadcast %jit3A_518 : i32 to vector<16xi32>
    %select_n3A_520 = arith.select %eq3A_517, %add3A_516, %broadcast_in_dim3A_519 : vector<16xi1>, vector<16xi32>
    %min3A_521 = arith.minsi %select_n3A_509, %select_n3A_520 : vector<16xi32>
    %shift_left3A_522 = arith.constant 8 : i32
    %shift_left3A_523 = vector.broadcast %shift_left3A_522 : i32 to vector<16xi32>
    %shift_left3A_524 = arith.shli %parallel_loop3A_427#18, %shift_left3A_523 : vector<16xi32>
    %add3A_525 = arith.constant 32 : i32
    %add3A_526 = vector.broadcast %add3A_525 : i32 to vector<16xi32>
    %add3A_527 = arith.addi %iota3A, %add3A_526 : vector<16xi32>
    %add3A_528 = arith.addi %shift_left3A_524, %add3A_527 : vector<16xi32>
    %eq3A_529 = arith.cmpf oeq, %parallel_loop3A_427#2, %max3A_498 : vector<16xf32>
    %jit3A_530 = arith.constant 2147483647 : i32
    %broadcast_in_dim3A_531 = vector.broadcast %jit3A_530 : i32 to vector<16xi32>
    %select_n3A_532 = arith.select %eq3A_529, %add3A_528, %broadcast_in_dim3A_531 : vector<16xi1>, vector<16xi32>
    %min3A_533 = arith.minsi %min3A_521, %select_n3A_532 : vector<16xi32>
    %shift_left3A_534 = arith.constant 8 : i32
    %shift_left3A_535 = vector.broadcast %shift_left3A_534 : i32 to vector<16xi32>
    %shift_left3A_536 = arith.shli %parallel_loop3A_427#19, %shift_left3A_535 : vector<16xi32>
    %add3A_537 = arith.constant 48 : i32
    %add3A_538 = vector.broadcast %add3A_537 : i32 to vector<16xi32>
    %add3A_539 = arith.addi %iota3A, %add3A_538 : vector<16xi32>
    %add3A_540 = arith.addi %shift_left3A_536, %add3A_539 : vector<16xi32>
    %eq3A_541 = arith.cmpf oeq, %parallel_loop3A_427#3, %max3A_498 : vector<16xf32>
    %jit3A_542 = arith.constant 2147483647 : i32
    %broadcast_in_dim3A_543 = vector.broadcast %jit3A_542 : i32 to vector<16xi32>
    %select_n3A_544 = arith.select %eq3A_541, %add3A_540, %broadcast_in_dim3A_543 : vector<16xi1>, vector<16xi32>
    %min3A_545 = arith.minsi %min3A_533, %select_n3A_544 : vector<16xi32>
    %shift_left3A_546 = arith.constant 8 : i32
    %shift_left3A_547 = vector.broadcast %shift_left3A_546 : i32 to vector<16xi32>
    %shift_left3A_548 = arith.shli %parallel_loop3A_427#20, %shift_left3A_547 : vector<16xi32>
    %add3A_549 = arith.constant 64 : i32
    %add3A_550 = vector.broadcast %add3A_549 : i32 to vector<16xi32>
    %add3A_551 = arith.addi %iota3A, %add3A_550 : vector<16xi32>
    %add3A_552 = arith.addi %shift_left3A_548, %add3A_551 : vector<16xi32>
    %eq3A_553 = arith.cmpf oeq, %parallel_loop3A_427#4, %max3A_498 : vector<16xf32>
    %jit3A_554 = arith.constant 2147483647 : i32
    %broadcast_in_dim3A_555 = vector.broadcast %jit3A_554 : i32 to vector<16xi32>
    %select_n3A_556 = arith.select %eq3A_553, %add3A_552, %broadcast_in_dim3A_555 : vector<16xi1>, vector<16xi32>
    %min3A_557 = arith.minsi %min3A_545, %select_n3A_556 : vector<16xi32>
    %shift_left3A_558 = arith.constant 8 : i32
    %shift_left3A_559 = vector.broadcast %shift_left3A_558 : i32 to vector<16xi32>
    %shift_left3A_560 = arith.shli %parallel_loop3A_427#21, %shift_left3A_559 : vector<16xi32>
    %add3A_561 = arith.constant 80 : i32
    %add3A_562 = vector.broadcast %add3A_561 : i32 to vector<16xi32>
    %add3A_563 = arith.addi %iota3A, %add3A_562 : vector<16xi32>
    %add3A_564 = arith.addi %shift_left3A_560, %add3A_563 : vector<16xi32>
    %eq3A_565 = arith.cmpf oeq, %parallel_loop3A_427#5, %max3A_498 : vector<16xf32>
    %jit3A_566 = arith.constant 2147483647 : i32
    %broadcast_in_dim3A_567 = vector.broadcast %jit3A_566 : i32 to vector<16xi32>
    %select_n3A_568 = arith.select %eq3A_565, %add3A_564, %broadcast_in_dim3A_567 : vector<16xi1>, vector<16xi32>
    %min3A_569 = arith.minsi %min3A_557, %select_n3A_568 : vector<16xi32>
    %shift_left3A_570 = arith.constant 8 : i32
    %shift_left3A_571 = vector.broadcast %shift_left3A_570 : i32 to vector<16xi32>
    %shift_left3A_572 = arith.shli %parallel_loop3A_427#22, %shift_left3A_571 : vector<16xi32>
    %add3A_573 = arith.constant 96 : i32
    %add3A_574 = vector.broadcast %add3A_573 : i32 to vector<16xi32>
    %add3A_575 = arith.addi %iota3A, %add3A_574 : vector<16xi32>
    %add3A_576 = arith.addi %shift_left3A_572, %add3A_575 : vector<16xi32>
    %eq3A_577 = arith.cmpf oeq, %parallel_loop3A_427#6, %max3A_498 : vector<16xf32>
    %jit3A_578 = arith.constant 2147483647 : i32
    %broadcast_in_dim3A_579 = vector.broadcast %jit3A_578 : i32 to vector<16xi32>
    %select_n3A_580 = arith.select %eq3A_577, %add3A_576, %broadcast_in_dim3A_579 : vector<16xi1>, vector<16xi32>
    %min3A_581 = arith.minsi %min3A_569, %select_n3A_580 : vector<16xi32>
    %shift_left3A_582 = arith.constant 8 : i32
    %shift_left3A_583 = vector.broadcast %shift_left3A_582 : i32 to vector<16xi32>
    %shift_left3A_584 = arith.shli %parallel_loop3A_427#23, %shift_left3A_583 : vector<16xi32>
    %add3A_585 = arith.constant 112 : i32
    %add3A_586 = vector.broadcast %add3A_585 : i32 to vector<16xi32>
    %add3A_587 = arith.addi %iota3A, %add3A_586 : vector<16xi32>
    %add3A_588 = arith.addi %shift_left3A_584, %add3A_587 : vector<16xi32>
    %eq3A_589 = arith.cmpf oeq, %parallel_loop3A_427#7, %max3A_498 : vector<16xf32>
    %jit3A_590 = arith.constant 2147483647 : i32
    %broadcast_in_dim3A_591 = vector.broadcast %jit3A_590 : i32 to vector<16xi32>
    %select_n3A_592 = arith.select %eq3A_589, %add3A_588, %broadcast_in_dim3A_591 : vector<16xi1>, vector<16xi32>
    %min3A_593 = arith.minsi %min3A_581, %select_n3A_592 : vector<16xi32>
    %shift_left3A_594 = arith.constant 8 : i32
    %shift_left3A_595 = vector.broadcast %shift_left3A_594 : i32 to vector<16xi32>
    %shift_left3A_596 = arith.shli %parallel_loop3A_427#24, %shift_left3A_595 : vector<16xi32>
    %add3A_597 = arith.constant 128 : i32
    %add3A_598 = vector.broadcast %add3A_597 : i32 to vector<16xi32>
    %add3A_599 = arith.addi %iota3A, %add3A_598 : vector<16xi32>
    %add3A_600 = arith.addi %shift_left3A_596, %add3A_599 : vector<16xi32>
    %eq3A_601 = arith.cmpf oeq, %parallel_loop3A_427#8, %max3A_498 : vector<16xf32>
    %jit3A_602 = arith.constant 2147483647 : i32
    %broadcast_in_dim3A_603 = vector.broadcast %jit3A_602 : i32 to vector<16xi32>
    %select_n3A_604 = arith.select %eq3A_601, %add3A_600, %broadcast_in_dim3A_603 : vector<16xi1>, vector<16xi32>
    %min3A_605 = arith.minsi %min3A_593, %select_n3A_604 : vector<16xi32>
    %shift_left3A_606 = arith.constant 8 : i32
    %shift_left3A_607 = vector.broadcast %shift_left3A_606 : i32 to vector<16xi32>
    %shift_left3A_608 = arith.shli %parallel_loop3A_427#25, %shift_left3A_607 : vector<16xi32>
    %add3A_609 = arith.constant 144 : i32
    %add3A_610 = vector.broadcast %add3A_609 : i32 to vector<16xi32>
    %add3A_611 = arith.addi %iota3A, %add3A_610 : vector<16xi32>
    %add3A_612 = arith.addi %shift_left3A_608, %add3A_611 : vector<16xi32>
    %eq3A_613 = arith.cmpf oeq, %parallel_loop3A_427#9, %max3A_498 : vector<16xf32>
    %jit3A_614 = arith.constant 2147483647 : i32
    %broadcast_in_dim3A_615 = vector.broadcast %jit3A_614 : i32 to vector<16xi32>
    %select_n3A_616 = arith.select %eq3A_613, %add3A_612, %broadcast_in_dim3A_615 : vector<16xi1>, vector<16xi32>
    %min3A_617 = arith.minsi %min3A_605, %select_n3A_616 : vector<16xi32>
    %shift_left3A_618 = arith.constant 8 : i32
    %shift_left3A_619 = vector.broadcast %shift_left3A_618 : i32 to vector<16xi32>
    %shift_left3A_620 = arith.shli %parallel_loop3A_427#26, %shift_left3A_619 : vector<16xi32>
    %add3A_621 = arith.constant 160 : i32
    %add3A_622 = vector.broadcast %add3A_621 : i32 to vector<16xi32>
    %add3A_623 = arith.addi %iota3A, %add3A_622 : vector<16xi32>
    %add3A_624 = arith.addi %shift_left3A_620, %add3A_623 : vector<16xi32>
    %eq3A_625 = arith.cmpf oeq, %parallel_loop3A_427#10, %max3A_498 : vector<16xf32>
    %jit3A_626 = arith.constant 2147483647 : i32
    %broadcast_in_dim3A_627 = vector.broadcast %jit3A_626 : i32 to vector<16xi32>
    %select_n3A_628 = arith.select %eq3A_625, %add3A_624, %broadcast_in_dim3A_627 : vector<16xi1>, vector<16xi32>
    %min3A_629 = arith.minsi %min3A_617, %select_n3A_628 : vector<16xi32>
    %shift_left3A_630 = arith.constant 8 : i32
    %shift_left3A_631 = vector.broadcast %shift_left3A_630 : i32 to vector<16xi32>
    %shift_left3A_632 = arith.shli %parallel_loop3A_427#27, %shift_left3A_631 : vector<16xi32>
    %add3A_633 = arith.constant 176 : i32
    %add3A_634 = vector.broadcast %add3A_633 : i32 to vector<16xi32>
    %add3A_635 = arith.addi %iota3A, %add3A_634 : vector<16xi32>
    %add3A_636 = arith.addi %shift_left3A_632, %add3A_635 : vector<16xi32>
    %eq3A_637 = arith.cmpf oeq, %parallel_loop3A_427#11, %max3A_498 : vector<16xf32>
    %jit3A_638 = arith.constant 2147483647 : i32
    %broadcast_in_dim3A_639 = vector.broadcast %jit3A_638 : i32 to vector<16xi32>
    %select_n3A_640 = arith.select %eq3A_637, %add3A_636, %broadcast_in_dim3A_639 : vector<16xi1>, vector<16xi32>
    %min3A_641 = arith.minsi %min3A_629, %select_n3A_640 : vector<16xi32>
    %shift_left3A_642 = arith.constant 8 : i32
    %shift_left3A_643 = vector.broadcast %shift_left3A_642 : i32 to vector<16xi32>
    %shift_left3A_644 = arith.shli %parallel_loop3A_427#28, %shift_left3A_643 : vector<16xi32>
    %add3A_645 = arith.constant 192 : i32
    %add3A_646 = vector.broadcast %add3A_645 : i32 to vector<16xi32>
    %add3A_647 = arith.addi %iota3A, %add3A_646 : vector<16xi32>
    %add3A_648 = arith.addi %shift_left3A_644, %add3A_647 : vector<16xi32>
    %eq3A_649 = arith.cmpf oeq, %parallel_loop3A_427#12, %max3A_498 : vector<16xf32>
    %jit3A_650 = arith.constant 2147483647 : i32
    %broadcast_in_dim3A_651 = vector.broadcast %jit3A_650 : i32 to vector<16xi32>
    %select_n3A_652 = arith.select %eq3A_649, %add3A_648, %broadcast_in_dim3A_651 : vector<16xi1>, vector<16xi32>
    %min3A_653 = arith.minsi %min3A_641, %select_n3A_652 : vector<16xi32>
    %shift_left3A_654 = arith.constant 8 : i32
    %shift_left3A_655 = vector.broadcast %shift_left3A_654 : i32 to vector<16xi32>
    %shift_left3A_656 = arith.shli %parallel_loop3A_427#29, %shift_left3A_655 : vector<16xi32>
    %add3A_657 = arith.constant 208 : i32
    %add3A_658 = vector.broadcast %add3A_657 : i32 to vector<16xi32>
    %add3A_659 = arith.addi %iota3A, %add3A_658 : vector<16xi32>
    %add3A_660 = arith.addi %shift_left3A_656, %add3A_659 : vector<16xi32>
    %eq3A_661 = arith.cmpf oeq, %parallel_loop3A_427#13, %max3A_498 : vector<16xf32>
    %jit3A_662 = arith.constant 2147483647 : i32
    %broadcast_in_dim3A_663 = vector.broadcast %jit3A_662 : i32 to vector<16xi32>
    %select_n3A_664 = arith.select %eq3A_661, %add3A_660, %broadcast_in_dim3A_663 : vector<16xi1>, vector<16xi32>
    %min3A_665 = arith.minsi %min3A_653, %select_n3A_664 : vector<16xi32>
    %shift_left3A_666 = arith.constant 8 : i32
    %shift_left3A_667 = vector.broadcast %shift_left3A_666 : i32 to vector<16xi32>
    %shift_left3A_668 = arith.shli %parallel_loop3A_427#30, %shift_left3A_667 : vector<16xi32>
    %add3A_669 = arith.constant 224 : i32
    %add3A_670 = vector.broadcast %add3A_669 : i32 to vector<16xi32>
    %add3A_671 = arith.addi %iota3A, %add3A_670 : vector<16xi32>
    %add3A_672 = arith.addi %shift_left3A_668, %add3A_671 : vector<16xi32>
    %eq3A_673 = arith.cmpf oeq, %parallel_loop3A_427#14, %max3A_498 : vector<16xf32>
    %jit3A_674 = arith.constant 2147483647 : i32
    %broadcast_in_dim3A_675 = vector.broadcast %jit3A_674 : i32 to vector<16xi32>
    %select_n3A_676 = arith.select %eq3A_673, %add3A_672, %broadcast_in_dim3A_675 : vector<16xi1>, vector<16xi32>
    %min3A_677 = arith.minsi %min3A_665, %select_n3A_676 : vector<16xi32>
    %shift_left3A_678 = arith.constant 8 : i32
    %shift_left3A_679 = vector.broadcast %shift_left3A_678 : i32 to vector<16xi32>
    %shift_left3A_680 = arith.shli %parallel_loop3A_427#31, %shift_left3A_679 : vector<16xi32>
    %add3A_681 = arith.constant 240 : i32
    %add3A_682 = vector.broadcast %add3A_681 : i32 to vector<16xi32>
    %add3A_683 = arith.addi %iota3A, %add3A_682 : vector<16xi32>
    %add3A_684 = arith.addi %shift_left3A_680, %add3A_683 : vector<16xi32>
    %eq3A_685 = arith.cmpf oeq, %parallel_loop3A_427#15, %max3A_498 : vector<16xf32>
    %jit3A_686 = arith.constant 2147483647 : i32
    %broadcast_in_dim3A_687 = vector.broadcast %jit3A_686 : i32 to vector<16xi32>
    %select_n3A_688 = arith.select %eq3A_685, %add3A_684, %broadcast_in_dim3A_687 : vector<16xi1>, vector<16xi32>
    %min3A_689 = arith.minsi %min3A_677, %select_n3A_688 : vector<16xi32>
    %xor3A_690 = arith.constant 1 : i32
    %xor3A_691 = vector.broadcast %xor3A_690 : i32 to vector<16xi32>
    %xor3A_692 = arith.xori %iota3A, %xor3A_691 : vector<16xi32>
    %lt3A_693 = arith.constant 0 : i32
    %lt3A_694 = vector.broadcast %lt3A_693 : i32 to vector<16xi32>
    %lt3A_695 = arith.cmpi slt, %xor3A_692, %lt3A_694 : vector<16xi32>
    %add3A_696 = arith.constant 16 : i32
    %add3A_697 = vector.broadcast %add3A_696 : i32 to vector<16xi32>
    %add3A_698 = arith.addi %xor3A_692, %add3A_697 : vector<16xi32>
    %select_n3A_699 = arith.select %lt3A_695, %add3A_698, %xor3A_692 : vector<16xi1>, vector<16xi32>
    %broadcast_in_dim3A_700 = vector.shape_cast %select_n3A_699 : vector<16xi32> to vector<16x1xi32>
    %gather3A_701 = vector.shape_cast %broadcast_in_dim3A_700 : vector<16x1xi32> to vector<16xi32>
    %gather3A_702 = tpu.dynamic_gather %min3A_689[%gather3A_701] in [0] : vector<16xi32>, vector<16xi32> -> vector<16xi32>
    %min3A_703 = arith.minsi %min3A_689, %gather3A_702 : vector<16xi32>
    %xor3A_704 = arith.constant 2 : i32
    %xor3A_705 = vector.broadcast %xor3A_704 : i32 to vector<16xi32>
    %xor3A_706 = arith.xori %iota3A, %xor3A_705 : vector<16xi32>
    %lt3A_707 = arith.constant 0 : i32
    %lt3A_708 = vector.broadcast %lt3A_707 : i32 to vector<16xi32>
    %lt3A_709 = arith.cmpi slt, %xor3A_706, %lt3A_708 : vector<16xi32>
    %add3A_710 = arith.constant 16 : i32
    %add3A_711 = vector.broadcast %add3A_710 : i32 to vector<16xi32>
    %add3A_712 = arith.addi %xor3A_706, %add3A_711 : vector<16xi32>
    %select_n3A_713 = arith.select %lt3A_709, %add3A_712, %xor3A_706 : vector<16xi1>, vector<16xi32>
    %broadcast_in_dim3A_714 = vector.shape_cast %select_n3A_713 : vector<16xi32> to vector<16x1xi32>
    %gather3A_715 = vector.shape_cast %broadcast_in_dim3A_714 : vector<16x1xi32> to vector<16xi32>
    %gather3A_716 = tpu.dynamic_gather %min3A_703[%gather3A_715] in [0] : vector<16xi32>, vector<16xi32> -> vector<16xi32>
    %min3A_717 = arith.minsi %min3A_703, %gather3A_716 : vector<16xi32>
    %xor3A_718 = arith.constant 4 : i32
    %xor3A_719 = vector.broadcast %xor3A_718 : i32 to vector<16xi32>
    %xor3A_720 = arith.xori %iota3A, %xor3A_719 : vector<16xi32>
    %lt3A_721 = arith.constant 0 : i32
    %lt3A_722 = vector.broadcast %lt3A_721 : i32 to vector<16xi32>
    %lt3A_723 = arith.cmpi slt, %xor3A_720, %lt3A_722 : vector<16xi32>
    %add3A_724 = arith.constant 16 : i32
    %add3A_725 = vector.broadcast %add3A_724 : i32 to vector<16xi32>
    %add3A_726 = arith.addi %xor3A_720, %add3A_725 : vector<16xi32>
    %select_n3A_727 = arith.select %lt3A_723, %add3A_726, %xor3A_720 : vector<16xi1>, vector<16xi32>
    %broadcast_in_dim3A_728 = vector.shape_cast %select_n3A_727 : vector<16xi32> to vector<16x1xi32>
    %gather3A_729 = vector.shape_cast %broadcast_in_dim3A_728 : vector<16x1xi32> to vector<16xi32>
    %gather3A_730 = tpu.dynamic_gather %min3A_717[%gather3A_729] in [0] : vector<16xi32>, vector<16xi32> -> vector<16xi32>
    %min3A_731 = arith.minsi %min3A_717, %gather3A_730 : vector<16xi32>
    %xor3A_732 = arith.constant 8 : i32
    %xor3A_733 = vector.broadcast %xor3A_732 : i32 to vector<16xi32>
    %xor3A_734 = arith.xori %iota3A, %xor3A_733 : vector<16xi32>
    %lt3A_735 = arith.constant 0 : i32
    %lt3A_736 = vector.broadcast %lt3A_735 : i32 to vector<16xi32>
    %lt3A_737 = arith.cmpi slt, %xor3A_734, %lt3A_736 : vector<16xi32>
    %add3A_738 = arith.constant 16 : i32
    %add3A_739 = vector.broadcast %add3A_738 : i32 to vector<16xi32>
    %add3A_740 = arith.addi %xor3A_734, %add3A_739 : vector<16xi32>
    %select_n3A_741 = arith.select %lt3A_737, %add3A_740, %xor3A_734 : vector<16xi1>, vector<16xi32>
    %broadcast_in_dim3A_742 = vector.shape_cast %select_n3A_741 : vector<16xi32> to vector<16x1xi32>
    %gather3A_743 = vector.shape_cast %broadcast_in_dim3A_742 : vector<16x1xi32> to vector<16xi32>
    %gather3A_744 = tpu.dynamic_gather %min3A_731[%gather3A_743] in [0] : vector<16xi32>, vector<16xi32> -> vector<16xi32>
    %min3A_745 = arith.minsi %min3A_731, %gather3A_744 : vector<16xi32>
    %mul3A_746 = arith.constant 2 : i32
    %mul3A_747 = arith.muli %mul3A_746, %arg1 : i32
    %jit3A_748 = arith.constant 16 : i32
    %eq3A_749 = arith.constant 0 : i32
    %eq3A_750 = arith.cmpi eq, %jit3A_748, %eq3A_749 : i32
    %jit3A_751 = arith.constant 1 : i32
    %select_n3A_752 = arith.select %eq3A_750, %jit3A_751, %jit3A_748 : i32
    %rem3A = arith.remsi %mul3A_747, %select_n3A_752 : i32
    %ne3A = arith.constant 0 : i32
    %ne3A_753 = arith.cmpi ne, %rem3A, %ne3A : i32
    %lt3A_754 = arith.constant 0 : i32
    %lt3A_755 = arith.cmpi slt, %rem3A, %lt3A_754 : i32
    %lt3A_756 = arith.constant 0 : i32
    %lt3A_757 = arith.cmpi slt, %select_n3A_752, %lt3A_756 : i32
    %ne3A_758 = arith.xori %lt3A_755, %lt3A_757 : i1
    %and3A = arith.andi %ne3A_758, %ne3A_753 : i1
    %add3A_759 = arith.addi %rem3A, %select_n3A_752 : i32
    %select_n3A_760 = arith.select %and3A, %add3A_759, %rem3A : i32
    %eq3A_761 = vector.broadcast %select_n3A_760 : i32 to vector<16xi32>
    %eq3A_762 = arith.cmpi eq, %iota3A, %eq3A_761 : vector<16xi32>
    %add3A_763 = arith.constant 1 : i32
    %add3A_764 = arith.addi %select_n3A_760, %add3A_763 : i32
    %eq3A_765 = vector.broadcast %add3A_764 : i32 to vector<16xi32>
    %eq3A_766 = arith.cmpi eq, %iota3A, %eq3A_765 : vector<16xi32>
    %jit3A_767 = arith.constant 0 : i32
    %broadcast_in_dim3A_768 = vector.broadcast %jit3A_767 : i32 to vector<16xi32>
    %select_n3A_769 = arith.select %eq3A_766, %min3A_745, %broadcast_in_dim3A_768 : vector<16xi1>, vector<16xi32>
    %select_n3A_770 = arith.select %eq3A_762, %min3A_415, %select_n3A_769 : vector<16xi1>, vector<16xi32>
    %swap3A = arith.constant 0 : index
    %swap3A_771 = tpu.vector_load %arg6[%swap3A] {strides = array<i32>} : memref<16xi32, #tpu.memory_space<vmem>>, vector<16xi32>,
    %swap3A_772 = vector.shape_cast %swap3A_771 : vector<16xi32> to vector<16xi32>
    %swap3A_773 = vector.shape_cast %select_n3A_770 : vector<16xi32> to vector<16xi32>
    tpu.vector_store %arg6[%swap3A], %swap3A_773 {strides = array<i32>} : memref<16xi32, #tpu.memory_space<vmem>>, vector<16xi32>,
    %mul3A_774 = arith.constant 16 : i32
    %mul3A_775 = arith.muli %arg1, %mul3A_774 : i32
    "tpu.region"() ({
      %run_scoped3A = tpu.sem_alloc : memref<!tpu.dma_semaphore, #tpu.memory_space<semaphore_mem>>
      %dma_start3A_779 = tpu.memref_slice %arg9[%mul3A_775] : memref<256xi32, #tpu.memory_space<vmem_shared>> -> memref<16xi32, #tpu.memory_space<vmem_shared>>
      %dma_start3A_780 = tpu.memref_slice %arg9[%mul3A_775] : memref<256xi32, #tpu.memory_space<vmem_shared>> -> memref<16xi32, #tpu.memory_space<vmem_shared>>
      tpu.enqueue_dma source(%arg6 : memref<16xi32, #tpu.memory_space<vmem>>) target(%dma_start3A_780 : memref<16xi32, #tpu.memory_space<vmem_shared>>) target_semaphore(%run_scoped3A : memref<!tpu.dma_semaphore, #tpu.memory_space<semaphore_mem>>)
      %dma_wait3A_781 = tpu.memref_slice %arg9[%mul3A_775] : memref<256xi32, #tpu.memory_space<vmem_shared>> -> memref<16xi32, #tpu.memory_space<vmem_shared>>
      %dma_wait3A_782 = tpu.memref_slice %arg9[%mul3A_775] : memref<256xi32, #tpu.memory_space<vmem_shared>> -> memref<16xi32, #tpu.memory_space<vmem_shared>>
      tpu.wait_dma2 semaphore(%run_scoped3A : memref<!tpu.dma_semaphore, #tpu.memory_space<semaphore_mem>>) src(%arg6 : memref<16xi32, #tpu.memory_space<vmem>>) dst(%dma_wait3A_782 : memref<16xi32, #tpu.memory_space<vmem_shared>>)
      tpu.yield
    }) : () -> ()
    %barrier3A = arith.constant 0 : index
    tpu.barrier barrier_id(%barrier3A)
    %eq3A_776 = arith.constant 0 : i32
    %eq3A_777 = arith.cmpi eq, %arg1, %eq3A_776 : i32
    %convert_element_type3A = arith.extui %eq3A_777 : i1 to i32
    %cond3A = arith.constant 0 : i32
    %cond3A_778 = arith.cmpi ne, %convert_element_type3A, %cond3A : i32
    scf.if %cond3A_778 {
      "tpu.region"() ({
        %run_scoped3A = tpu.sem_alloc : memref<!tpu.dma_semaphore, #tpu.memory_space<semaphore_mem>>
        tpu.enqueue_dma source(%arg9 : memref<256xi32, #tpu.memory_space<vmem_shared>>) target(%arg7 : memref<256xi32, #tpu.memory_space<vmem>>) target_semaphore(%run_scoped3A : memref<!tpu.dma_semaphore, #tpu.memory_space<semaphore_mem>>)
        tpu.wait_dma2 semaphore(%run_scoped3A : memref<!tpu.dma_semaphore, #tpu.memory_space<semaphore_mem>>) src(%arg9 : memref<256xi32, #tpu.memory_space<vmem_shared>>) dst(%arg7 : memref<256xi32, #tpu.memory_space<vmem>>)
        tpu.yield
      }) : () -> ()
      %get3A = arith.constant 0 : index
      %get3A_779 = tpu.vector_load %arg7[%get3A] {strides = array<i32>} : memref<256xi32, #tpu.memory_space<vmem>>, vector<16xi32>,
      %get3A_780 = vector.shape_cast %get3A_779 : vector<16xi32> to vector<16xi32>
      %get3A_781 = arith.constant 16 : index
      %get3A_782 = tpu.vector_load %arg7[%get3A_781] {strides = array<i32>} : memref<256xi32, #tpu.memory_space<vmem>>, vector<16xi32>,
      %get3A_783 = vector.shape_cast %get3A_782 : vector<16xi32> to vector<16xi32>
      %add3A_784 = arith.addi %get3A_780, %get3A_783 : vector<16xi32>
      %get3A_785 = arith.constant 32 : index
      %get3A_786 = tpu.vector_load %arg7[%get3A_785] {strides = array<i32>} : memref<256xi32, #tpu.memory_space<vmem>>, vector<16xi32>,
      %get3A_787 = vector.shape_cast %get3A_786 : vector<16xi32> to vector<16xi32>
      %add3A_788 = arith.addi %add3A_784, %get3A_787 : vector<16xi32>
      %get3A_789 = arith.constant 48 : index
      %get3A_790 = tpu.vector_load %arg7[%get3A_789] {strides = array<i32>} : memref<256xi32, #tpu.memory_space<vmem>>, vector<16xi32>,
      %get3A_791 = vector.shape_cast %get3A_790 : vector<16xi32> to vector<16xi32>
      %add3A_792 = arith.addi %add3A_788, %get3A_791 : vector<16xi32>
      %get3A_793 = arith.constant 64 : index
      %get3A_794 = tpu.vector_load %arg7[%get3A_793] {strides = array<i32>} : memref<256xi32, #tpu.memory_space<vmem>>, vector<16xi32>,
      %get3A_795 = vector.shape_cast %get3A_794 : vector<16xi32> to vector<16xi32>
      %add3A_796 = arith.addi %add3A_792, %get3A_795 : vector<16xi32>
      %get3A_797 = arith.constant 80 : index
      %get3A_798 = tpu.vector_load %arg7[%get3A_797] {strides = array<i32>} : memref<256xi32, #tpu.memory_space<vmem>>, vector<16xi32>,
      %get3A_799 = vector.shape_cast %get3A_798 : vector<16xi32> to vector<16xi32>
      %add3A_800 = arith.addi %add3A_796, %get3A_799 : vector<16xi32>
      %get3A_801 = arith.constant 96 : index
      %get3A_802 = tpu.vector_load %arg7[%get3A_801] {strides = array<i32>} : memref<256xi32, #tpu.memory_space<vmem>>, vector<16xi32>,
      %get3A_803 = vector.shape_cast %get3A_802 : vector<16xi32> to vector<16xi32>
      %add3A_804 = arith.addi %add3A_800, %get3A_803 : vector<16xi32>
      %get3A_805 = arith.constant 112 : index
      %get3A_806 = tpu.vector_load %arg7[%get3A_805] {strides = array<i32>} : memref<256xi32, #tpu.memory_space<vmem>>, vector<16xi32>,
      %get3A_807 = vector.shape_cast %get3A_806 : vector<16xi32> to vector<16xi32>
      %add3A_808 = arith.addi %add3A_804, %get3A_807 : vector<16xi32>
      %swap3A_809 = arith.constant 0 : index
      %swap3A_810 = tpu.vector_load %arg8[%swap3A_809] {strides = array<i32>} : memref<32xi32, #tpu.memory_space<vmem>>, vector<16xi32>,
      %swap3A_811 = vector.shape_cast %swap3A_810 : vector<16xi32> to vector<16xi32>
      %swap3A_812 = vector.shape_cast %add3A_808 : vector<16xi32> to vector<16xi32>
      tpu.vector_store %arg8[%swap3A_809], %swap3A_812 {strides = array<i32>} : memref<32xi32, #tpu.memory_space<vmem>>, vector<16xi32>,
      %get3A_813 = arith.constant 128 : index
      %get3A_814 = tpu.vector_load %arg7[%get3A_813] {strides = array<i32>} : memref<256xi32, #tpu.memory_space<vmem>>, vector<16xi32>,
      %get3A_815 = vector.shape_cast %get3A_814 : vector<16xi32> to vector<16xi32>
      %get3A_816 = arith.constant 144 : index
      %get3A_817 = tpu.vector_load %arg7[%get3A_816] {strides = array<i32>} : memref<256xi32, #tpu.memory_space<vmem>>, vector<16xi32>,
      %get3A_818 = vector.shape_cast %get3A_817 : vector<16xi32> to vector<16xi32>
      %add3A_819 = arith.addi %get3A_815, %get3A_818 : vector<16xi32>
      %get3A_820 = arith.constant 160 : index
      %get3A_821 = tpu.vector_load %arg7[%get3A_820] {strides = array<i32>} : memref<256xi32, #tpu.memory_space<vmem>>, vector<16xi32>,
      %get3A_822 = vector.shape_cast %get3A_821 : vector<16xi32> to vector<16xi32>
      %add3A_823 = arith.addi %add3A_819, %get3A_822 : vector<16xi32>
      %get3A_824 = arith.constant 176 : index
      %get3A_825 = tpu.vector_load %arg7[%get3A_824] {strides = array<i32>} : memref<256xi32, #tpu.memory_space<vmem>>, vector<16xi32>,
      %get3A_826 = vector.shape_cast %get3A_825 : vector<16xi32> to vector<16xi32>
      %add3A_827 = arith.addi %add3A_823, %get3A_826 : vector<16xi32>
      %get3A_828 = arith.constant 192 : index
      %get3A_829 = tpu.vector_load %arg7[%get3A_828] {strides = array<i32>} : memref<256xi32, #tpu.memory_space<vmem>>, vector<16xi32>,
      %get3A_830 = vector.shape_cast %get3A_829 : vector<16xi32> to vector<16xi32>
      %add3A_831 = arith.addi %add3A_827, %get3A_830 : vector<16xi32>
      %get3A_832 = arith.constant 208 : index
      %get3A_833 = tpu.vector_load %arg7[%get3A_832] {strides = array<i32>} : memref<256xi32, #tpu.memory_space<vmem>>, vector<16xi32>,
      %get3A_834 = vector.shape_cast %get3A_833 : vector<16xi32> to vector<16xi32>
      %add3A_835 = arith.addi %add3A_831, %get3A_834 : vector<16xi32>
      %get3A_836 = arith.constant 224 : index
      %get3A_837 = tpu.vector_load %arg7[%get3A_836] {strides = array<i32>} : memref<256xi32, #tpu.memory_space<vmem>>, vector<16xi32>,
      %get3A_838 = vector.shape_cast %get3A_837 : vector<16xi32> to vector<16xi32>
      %add3A_839 = arith.addi %add3A_835, %get3A_838 : vector<16xi32>
      %get3A_840 = arith.constant 240 : index
      %get3A_841 = tpu.vector_load %arg7[%get3A_840] {strides = array<i32>} : memref<256xi32, #tpu.memory_space<vmem>>, vector<16xi32>,
      %get3A_842 = vector.shape_cast %get3A_841 : vector<16xi32> to vector<16xi32>
      %add3A_843 = arith.addi %add3A_839, %get3A_842 : vector<16xi32>
      %swap3A_844 = arith.constant 16 : index
      %swap3A_845 = tpu.vector_load %arg8[%swap3A_844] {strides = array<i32>} : memref<32xi32, #tpu.memory_space<vmem>>, vector<16xi32>,
      %swap3A_846 = vector.shape_cast %swap3A_845 : vector<16xi32> to vector<16xi32>
      %swap3A_847 = vector.shape_cast %add3A_843 : vector<16xi32> to vector<16xi32>
      tpu.vector_store %arg8[%swap3A_844], %swap3A_847 {strides = array<i32>} : memref<32xi32, #tpu.memory_space<vmem>>, vector<16xi32>,
      %mul3A_848 = arith.constant 32 : i32
      %mul3A_849 = arith.muli %arg0, %mul3A_848 : i32
      "tpu.region"() ({
        %run_scoped3A = tpu.sem_alloc : memref<!tpu.dma_semaphore, #tpu.memory_space<semaphore_mem>>
        %dma_start3A_850 = tpu.memref_slice %arg3[%mul3A_849] : memref<64xi32, #tpu.memory_space<hbm>> -> memref<32xi32, #tpu.memory_space<hbm>>
        %dma_start3A_851 = tpu.memref_slice %arg3[%mul3A_849] : memref<64xi32, #tpu.memory_space<hbm>> -> memref<32xi32, #tpu.memory_space<hbm>>
        tpu.enqueue_dma source(%arg8 : memref<32xi32, #tpu.memory_space<vmem>>) target(%dma_start3A_851 : memref<32xi32, #tpu.memory_space<hbm>>) target_semaphore(%run_scoped3A : memref<!tpu.dma_semaphore, #tpu.memory_space<semaphore_mem>>)
        %dma_wait3A_852 = tpu.memref_slice %arg3[%mul3A_849] : memref<64xi32, #tpu.memory_space<hbm>> -> memref<32xi32, #tpu.memory_space<hbm>>
        %dma_wait3A_853 = tpu.memref_slice %arg3[%mul3A_849] : memref<64xi32, #tpu.memory_space<hbm>> -> memref<32xi32, #tpu.memory_space<hbm>>
        tpu.wait_dma2 semaphore(%run_scoped3A : memref<!tpu.dma_semaphore, #tpu.memory_space<semaphore_mem>>) src(%arg8 : memref<32xi32, #tpu.memory_space<vmem>>) dst(%dma_wait3A_853 : memref<32xi32, #tpu.memory_space<hbm>>)
        tpu.yield
      }) : () -> ()
    } else {
    }
    return
  }
}

</mosaic_0001>

<sc_bundles>
// kernel: kernel.3.cloned.1.call-start
scs
__scs_entry_jumppad:
0x0: {  	(pc) =	sbr.rel $0x88, $3  }
0x1: {  	(tag) =	ssettag $0x0;
	lr =	simm.s32 $0x1  }
0x2: {  	[smem:$0x3FA0] =	sst lr;
	_ =	strace $0xD0000000  }
0x3: {  	_ = 	snop  }
0x4: {  	_ = 	snop  }
0x5: {  	_ = 	snop  }
0x6: {  	_ = 	snop  }
0x7: {  	_ = 	snop  }
__scs_overlays_trampoline_lowered:
0x8: {  	[smem:$0x3FAF] =	sst s0  }
0x9: {  	[smem:$0x3FB0] =	sst s1  }
0xa: {  	[smem:$0x3FB1] =	sst s2  }
0xb: {  	[smem:$0x3FB2] =	sst s3  }
0xc: {  	[smem:$0x3FB3] =	sst s4  }
0xd: {  	[smem:$0x3FB4] =	sst s5  }
0xe: {  	[smem:$0x3FB5] =	sst s6  }
0xf: {  	[smem:$0x3FB6] =	sst s7  }
0x10: {  	[smem:$0x3FB7] =	sst s8  }
0x11: {  	[smem:$0x3FB8] =	sst s9;
	s0 =	simm.s32 @!p0 $0x0  }
0x12: {  	s1 =	sld [smem:$0x3F9E];
	s0 =	simm.s32 @p0 $0x1  }
0x13: {  	[smem:$0x3FB9] =	sst s0;
	s0 =	simm.s32 @!p1 $0x0  }
0x14: {  	s2 =	sld [smem:$0x3F9D];
	s0 =	simm.s32 @p1 $0x1  }
0x15: {  	[smem:$0x3FBA] =	sst s0;
	s0 =	simm.s32 @!p2 $0x0  }
0x16: {  	s3 =	sld [smem:$0x3FDB];
	s0 =	simm.s32 @p2 $0x1  }
0x17: {  	s4 =	simm.s32 $0x1BF5;
	[smem:$0x3FBC] =	sst s0  }
0x18: {  	s0 =	sld [smem:$0x3F9F];
	_ =	swait.ge [sflag:s4], $0x0  }
0x19: {  	s7 =	sld [smem:$0x3FA0]  }
0x1a: {  	s8 =	sadd.s32 $0xFFFFE003, lr  }
0x1b: {  	s9 =	sadd.s32 $0xFFFFFEF7, lr;
	s5 =	simm.s32 $0xFFFFFFFF;
	p2 =	slt.u32 s8, $0xFFFFF086  }
0x1c: {  	p1 =	slt.u32 s9, $0xF7A;
	s5 =	simm.s32 @!p2 $0x0  }
0x1d: {  	s5 =	simm.s32 @p1 $0x1;
	p0 =	seq.s32 s7, s2  }
0x1e: {  	s7 =	smul.u32 @!p0 $0xF7A, s2;
	p2 =	seq.s32 @!p0 s5, $0x0  }
0x1f: {  	s9 =	smul.u32 $0xF7A, s1;
	s8 =	simm.s32 @!p0 $0x1BF5;
	p2 =	por !p2, p0  }
0x20: {  	[sflag:s8] =	ssyncset.s32 @!p0 $0xFFFFF086;
	s6 =	sadd.s32 @!p0 s3, s7;
	s7 =	simm.s32 @!p0 $0x108  }
0x21: {  	s3 =	sadd.s32 s3, s9;
	s6 =	sadd.s32 @!p0 $0x88, s6;
	s7 =	simm.s32 @p2 $0x1082  }
0x22: {  	[simem:s7], [sflag:s8] =	dma.local @!p0 [hbm:s6], $0xF7A  }
0x23: {  	s9 =	sor.u32 $0xD0000000, s2;
	s6 =	simm.s32 $0x108;
	_ =	swait.ge @!p0 [sflag:s8], $0x0  }
0x24: {  	s3 =	sadd.s32 $0x88, s3;
	s6 =	simm.s32 @!p1 $0x1082;
	[sflag:s4] =	ssyncset.s32 $0xFFFFF086  }
0x25: {  	[simem:s6], [sflag:s4] =	dma.local [hbm:s3], $0xF7A  }
0x26: {  	[smem:$0x3FA0] =	sst s1;
	(tag) =	ssettag s2;
	_ =	strace s9  }
0x27: {  	s1 =	sld [smem:$0x3FB0]  }
0x28: {  	s2 =	sld [smem:$0x3FB1]  }
0x29: {  	s4 =	sld [smem:$0x3FB3]  }
0x2a: {  	p0 =	seq.s32 s5, $0x0;
	s5 =	sld [smem:$0x3FB4]  }
0x2b: {  	s6 =	sld [smem:$0x3FB5]  }
0x2c: {  	s7 =	sld [smem:$0x3FB6]  }
0x2d: {  	s3 =	simm.s32 $0x108;
	s8 =	sld [smem:$0x3FB7]  }
0x2e: {  	s3 =	simm.s32 @!p0 $0x1082;
	s9 =	sld [smem:$0x3FB8]  }
0x2f: {  	lr =	sadd.s32 s0, s3;
	s0 =	sld [smem:$0x3FAF]  }
0x30: {  	s3 =	sld [smem:$0x3FB2]  }
0x31: {  	[smem:$0x3FBB] =	sst s10  }
0x32: {  	s10 =	sld [smem:$0x3FB9];
	_ =	sdelay $0x3  }
0x33: {  	p0 =	seq.s32 s10, $0x1;
	s10 =	sld [smem:$0x3FBB];
	_ =	sdelay $0x3  }
0x34: {  	[smem:$0x3FBB] =	sst s10  }
0x35: {  	s10 =	sld [smem:$0x3FBA];
	_ =	sdelay $0x3  }
0x36: {  	p1 =	seq.s32 s10, $0x1;
	s10 =	sld [smem:$0x3FBB];
	_ =	sdelay $0x3  }
0x37: {  	[smem:$0x3FBB] =	sst s10  }
0x38: {  	s10 =	sld [smem:$0x3FBC]  }
0x39: {  	_ = 	snop;
	(pc) =	sbr.ind lr, $3  }
0x3a: {  	_ = 	snop  }
0x3b: {  	_ = 	snop  }
0x3c: {  	p2 =	seq.s32 s10, $0x1;
	s10 =	sld [smem:$0x3FBB]  }
0x3d: {  	_ =	shalt  }
0x3e: {  	_ =	shalt  }
0x3f: {  	_ =	shalt  }
0x40: {  	_ =	shalt  }
0x41: {  	_ =	shalt  }
0x42: {  	_ =	shalt  }
0x43: {  	_ =	shalt  }
0x44: {  	_ =	shalt  }
0x45: {  	_ =	shalt  }
0x46: {  	_ =	shalt  }
0x47: {  	_ =	shalt  }
0x48: {  	_ =	shalt  }
0x49: {  	_ =	shalt  }
0x4a: {  	_ =	shalt  }
0x4b: {  	_ =	shalt  }
0x4c: {  	_ =	shalt  }
0x4d: {  	_ =	shalt  }
0x4e: {  	_ =	shalt  }
0x4f: {  	_ =	shalt  }
0x50: {  	_ =	shalt  }
0x51: {  	_ =	shalt  }
0x52: {  	_ =	shalt  }
0x53: {  	_ =	shalt  }
0x54: {  	_ =	shalt  }
0x55: {  	_ =	shalt  }
0x56: {  	_ =	shalt  }
0x57: {  	_ =	shalt  }
0x58: {  	_ =	shalt  }
0x59: {  	_ =	shalt  }
0x5a: {  	_ =	shalt  }
0x5b: {  	_ =	shalt  }
0x5c: {  	_ =	shalt  }
0x5d: {  	_ =	shalt  }
0x5e: {  	_ =	shalt  }
0x5f: {  	_ =	shalt  }
0x60: {  	_ =	shalt  }
0x61: {  	_ =	shalt  }
0x62: {  	_ =	shalt  }
0x63: {  	_ =	shalt  }
0x64: {  	_ =	shalt  }
0x65: {  	_ =	shalt  }
0x66: {  	_ =	shalt  }
0x67: {  	_ =	shalt  }
0x68: {  	_ =	shalt  }
0x69: {  	_ =	shalt  }
0x6a: {  	_ =	shalt  }
0x6b: {  	_ =	shalt  }
0x6c: {  	_ =	shalt  }
0x6d: {  	_ =	shalt  }
0x6e: {  	_ =	shalt  }
0x6f: {  	_ =	shalt  }
0x70: {  	_ =	shalt  }
0x71: {  	_ =	shalt  }
0x72: {  	_ =	shalt  }
0x73: {  	_ =	shalt  }
0x74: {  	_ =	shalt  }
0x75: {  	_ =	shalt  }
0x76: {  	_ =	shalt  }
0x77: {  	_ =	shalt  }
0x78: {  	_ =	shalt  }
0x79: {  	_ =	shalt  }
0x7a: {  	_ =	shalt  }
0x7b: {  	_ =	shalt  }
0x7c: {  	_ =	shalt  }
0x7d: {  	_ =	shalt  }
0x7e: {  	_ =	shalt  }
0x7f: {  	_ =	shalt  }
0x80: {  	_ =	shalt  }
0x81: {  	_ =	shalt  }
0x82: {  	_ =	shalt  }
0x83: {  	_ =	shalt  }
0x84: {  	_ =	shalt  }
0x85: {  	_ =	shalt  }
0x86: {  	_ =	shalt  }
0x87: {  	_ =	shalt  }
.Lfunc_end0:
.L_simem_size_0:
called_computation_lowered:
.L_overlay_start_0:
0x88: {  	s2 =	sld [smem:$0x3FD9]  }
0x89: {  	s3 =	sld [smem:$0x3FFE];
	_ =	sdelay $0x1  }
0x8a: {  	s1 =	srdreg.scid  }
0x8b: {  	s0 =	sand.u32 $0x1, s1  }
0x8c: {  	s18 =	sshll.u32 s0, $0xA;
	s2 =	sadd.s32 s3, s2  }
0x8d: {  	s2 =	sadd.s32 s2, s18  }
0x8e: {  	[smem:$0x3FC7] =	sst s2  }
0x8f: {  	_ = 	snop  }
0x90: {  	s2 =	sld [smem:$0x3FC9]  }
0x91: {  	s19 =	sld [smem:$0x3FD0];
	(tm) =	ssettm $0x1  }
0x92: {  	s4 =	sld [smem:$0x3FFB];
	_ =	sdelay $0x3  }
0x93: {  	_ =	strace s4  }
0x94: {  	s4 =	sld [smem:$0x3FFC];
	_ =	sdelay $0x3  }
0x95: {  	_ =	strace s4  }
0x96: {  	s4 =	sld [smem:$0x3FFD];
	_ =	sdelay $0x3  }
0x97: {  	_ =	strace s4  }
0x98: {  	_ =	strace $0x8FFFFFFF  }
0x99: {  	s20 =	sld [smem:$0x3FDB];
	_ =	sdelay $0x1  }
0x9a: {  	s5 =	simm.s32 $_scs_section_size  }
0x9b: {  	s6 =	simm.s32 $_size__tile_overlayer_lowered;
	s7 =	simm.s32 $_tile_overlayer_lowered  }
0x9c: {  	s23 =	simm.s32 $0x1BFF;
	s22 =	sshll.u32 s7, $0x1;
	s4 =	sadd.s32 s5, s20  }
0x9d: {  	s8 =	simm.s32 $0x0;
	s21 =	sshll.u32 s6, $0x1;
	s6 =	sadd.s32 s22, s4  }
0x9e: {  	[timem:s8], [sflag:s23] =	dma.local [hbm:s6], s21  }
0x9f: {  	_ =	swait.ge [sflag:s23], s21  }
0xa0: {  	s5 =	ssub.s32 $0x0, s21;
	[sflag:s23] =	ssyncset.done $0x0  }
0xa1: {  	[sflag:s23] =	ssyncadd.s32 s5;
	_ =	sdelay $0x1  }
0xa2: {  	s24 =	simm.s32 $0x1B8B  }
0xa3: {  	_ =	swait.ge [sflag:s24], $0x1  }
0xa4: {  	[sflag:s24] =	ssyncset.done $0x0  }
0xa5: {  	s25 =	simm.s32 $0x1B8E;
	[sflag:s24] =	ssyncadd.s32 $0xFFFFFFFF  }
0xa6: {  	s26 =	simm.s32 $execute0_lowered;
	[smem:$0x3FD2] =	sst s25  }
0xa7: {  	s5 =	sshll.u32 s26, $0x1;
	_ =	strace $0x80000046;
	[dreg:$0x1] =	wrdreg $0xFFFFFFFF  }
0xa8: {  	s28 =	simm.s32 $_size_execute0_lowered;
	s4 =	sadd.s32 s4, s5;
	[dreg:$0x0] =	wrdreg $0x0  }
0xa9: {  	s5 =	sshll.u32 s28, $0x1;
	[dreg:$0x2] =	wrdreg s4  }
0xaa: {  	[dreg:$0x3] =	wrdreg s5  }
0xab: {  	[dreg:$0x4] =	wrdreg $0xC0  }
0xac: {  	_ =	task [dreg:s8], $0x5FFFF  }
0xad: {  	[dreg:$0x1] =	wrdreg $0xFFFFFFFF  }
0xae: {  	[dreg:$0x0] =	wrdreg $0x60  }
0xaf: {  	[dreg:$0x2] =	wrdreg s2  }
0xb0: {  	[dreg:$0x3] =	wrdreg s19  }
0xb1: {  	[dreg:$0x4] =	wrdreg $0x42000  }
0xb2: {  	[dreg:$0x5] =	wrdreg $0x9  }
0xb3: {  	_ =	task.clear_ibuf [dreg:s8], $0x6FFFF;
	_ =	strace $0x90000046  }
0xb4: {  	s29 =	simm.s32 $0x9;
	_ =	strace $0x80000048  }
0xb5: {  	_ =	swait.ge [sflag:s29], $0x1  }
0xb6: {  	[sflag:s29] =	ssyncadd.s32 $0xFFFFFFFF  }
0xb7: {  	_ =	strace $0x90000048  }
0xb8: {  	_ =	sfence  }
0xb9: {  	s30 =	sld [smem:$0x0];
	_ =	sdelay $0x2  }
0xba: {  	s31 =	sshll.u32 s1, $0xD;
	s1 =	sshrl.u32 s1, $0x2  }
0xbb: {  	s3 =	sand.u32 $0x4000, s31;
	s1 =	sadd.s32 s1, s30  }
0xbc: {  	s0 =	sor.u32 s3, s0;
	s1 =	sshll.u32 s1, $0x11  }
0xbd: {  	s0 =	sor.u32 s1, s0  }
0xbe: {  	s0 =	sadd.s32 $0x8F2B, s0  }
0xbf: {  	[sflag:s0] =	ssyncadd.remote.s32 $0x1  }
0xc0: {  	_ =	sfence.sel $0xFFFF  }
0xc1: {  	[dreg:$0x0] =	wrdreg $0xFFFFFFFF;
	(pc) =	sbr.abs _section_cstart, $3  }
0xc2: {  	[dreg:$0x1] =	wrdreg $0xFFFFFFFF  }
0xc3: {  	_ =	task.clear_ibuf [dreg:s8], $0x2FFFF;
	_ =	strace $0x9FFFFFFF  }
0xc4: {  	(tm) =	ssettm $0x7FFFFFFF  }
0xc5: {  	_ =	shalt  }
tec
execute0_lowered:
.L_overlay_start_1:
0x0: {  	(tag) =	ssettag $0x1  }
0x1: {  	s6 =	rddreg [dreg:$0x0]  }
0x2: {  	s9 =	rddreg [dreg:$0x1]  }
0x3: {  	s1 =	rddreg [dreg:$0x2];
	s2 =	srdreg.scid  }
0x4: {  	s0 =	rddreg [dreg:$0x3];
	s21 =	stileid.u32  }
0x5: {  	s14 =	simm.s32 $0x1800;
	s15 =	simm.s32 $0x2000;
	s17 =	simm.s32 $0x2  }
0x6: {  	s18 =	simm.s32 $0x3;
	s19 =	simm.s32 $0x4;
	s20 =	simm.s32 $0x5  }
0x7: {  	v0 =	vimm.s32 $0xEFCDAB89;
	v1 =	vimm.s32 $0x67452301;
	s22 =	simm.s32 $0x6;
	s23 =	simm.s32 $0x0;
	s8 =	sand.u32 $0x1, s2  }
0x8: {  	v2 =	vimm.s32 $0xDCFE98BA;
	v3 =	vimm.s32 $0x54761032;
	s2 =	simm.s32 $0x0;
	s4 =	sshll.u32 s21, $0xE;
	s28 =	sshll.u32 s21, $0x8  }
0x9: {  	v4 =	vimm.s32 $0xBA98FEDC;
	v5 =	vimm.s32 $0x32107654;
	v6 =	vimm.s32 $0xFEDCBA98;
	s11 =	sshll.u32 s21, $0x1;
	s31 =	sshll.u32 s21, $0x4;
	p0 =	sne.s32 s21, $0x0  }
0xa: {  	v7 =	vimm.s32 $0x76543210;
	v57 =	vlaneseq.u32;
	v0 =	vunpack.c.l.s4.s8 v0;
	s21 =	simm.s32 $0x4000;
	s3 =	sshll.u32 s8, $0x12;
	[smem:$0x7FF] =	sst s2  }
0xb: {  	v1 =	vunpack.c.l.s4.s8 v1;
	v2 =	vunpack.c.l.s4.s8 v2;
	v3 =	vunpack.c.l.s4.s8 v3;
	s7 =	ssub.s32 $0x2, s8;
	s13 =	sand.u32 $0xE, s11;
	s12 =	sshll.u32 s8, $0x2  }
0xc: {  	v4 =	vunpack.c.l.s4.s8 v4;
	v5 =	vunpack.c.l.s4.s8 v5;
	v6 =	vunpack.c.l.s4.s8 v6;
	s8 =	sadd.s32 s31, s1;
	s11 =	simm.s32 $0x400;
	s3 =	sor.u32 s4, s3  }
0xd: {  	v7 =	vunpack.c.l.s4.s8 v7;
	_ =	strace $0x80000047;
	s4 =	sand.u32 $0x300, s28;
	s10 =	sshrl.u32 s7, $0x1;
	v0 =	vunpack.c.0.s8.s32 v0;
	v1 =	vunpack.c.0.s8.s32 v1  }
0xe: {  	v2 =	vunpack.c.0.s8.s32 v2;
	s16 =	sor.u32 $0x1, s13;
	s9 =	sadd.s32 s9, s12;
	v4 =	vunpack.c.0.s8.s32 v4;
	v5 =	vunpack.c.0.s8.s32 v5;
	s12 =	simm.s32 $0x800  }
0xf: {  	v3 =	vunpack.c.0.s8.s32 v3;
	v50 =	vunpack.c.0.s8.s32 v6;
	v51 =	vmov s13;
	s13 =	simm.s32 $0x1000;
	s5 =	sor.u32 s28, s3;
	s4 =	sor.u32 s4, s3  }
0x10: {  	v52 =	vunpack.c.0.s8.s32 v7;
	s10 =	ssub.s32 s7, s10;
	v53 =	vmov s16;
	s5 =	sand.u32 $0x70300, s5;
	s29 =	sshrl.u32 s4, $0x3;
	v4 =	vcombine.low v5, v4  }
0x11: {  	s16 =	simm.s32 $0x1;
	vm1 =	veq.s32 v51, v57;
	v0 =	vcombine.low v1, v0;
	v49 =	vcombine.low v3, v2;
	s5 =	sshrl.u32 s5, $0x3;
	s30 =	sor.u32 $0x1800, s29  }
0x12: {  	s10 =	smax.u32 s10, $0x1;
	v59 =	vand.u32 $0xF, v50;
	vm0 =	veq.s32 v53, v57;
	s3 =	sadd.s32 s6, s5;
	s6 =	sadd.s32 s6, s30;
	v62 =	vand.u32 $0xF, v4  }
0x13: {  	v56 =	vcombine.low v59, v52;
	v61 =	vand.u32 $0xF, v0;
	v63 =	vand.u32 $0xF, v49;
	s4 =	sadd.s32 $0x800, s3;
	s5 =	sadd.s32 $0x1000, s3;
	s7 =	sadd.s32 $0x10, s3;
	[tilespmem:$0x1FFF0] =	vst v62  }
.LBB2_1:
0x14: {  	s24 =	simm.s32 $0x80  }
0x15: {  	[tilespmem:s2], [sflag:$0x1] =	stream.strided.gather [hbm4b:s3+s24], $0x800, s11, s24, $0x38;
	[tilespmem:$0x4210] =	vst v63  }
0x16: {  	_ = 	snop  }
0x17: {  	[tilespmem:s12], [sflag:$0x2] =	stream.strided.gather [hbm4b:s4+s24], $0x800, s11, s24, $0x38;
	[tilespmem:$0x4210] =	vst v63  }
0x18: {  	_ = 	snop  }
0x19: {  	[tilespmem:s13], [sflag:$0x3] =	stream.strided.gather [hbm4b:s5+s24], $0x800, s11, s24, $0x38;
	[tilespmem:$0x4210] =	vst v63  }
0x1a: {  	_ = 	snop  }
0x1b: {  	[tilespmem:s14], [sflag:$0x4] =	stream.strided.gather [hbm4b:s6+s24], $0x800, s11, s24, $0x38;
	[tilespmem:$0x4210] =	vst v63  }
0x1c: {  	_ = 	snop  }
0x1d: {  	[tilespmem:s15], [sflag:$0x5] =	stream.strided.gather [hbm4b:s7+s24], $0x2000, s11, s24, $0x38;
	[tilespmem:$0x4210] =	vst v63  }
0x1e: {  	_ =	swait.ge [sflag:s16], $0x800  }
0x1f: {  	[sflag:s16] =	ssyncset.done $0x0  }
0x20: {  	[sflag:s16] =	ssyncadd.s32 $0xFFFFF800  }
0x21: {  	v0 =	vld [tilespmem:s24+$0x30]  }
0x22: {  	v5 =	vld [tilespmem:s24+$0xFFFFFFA0]  }
0x23: {  	v19 =	vimm.f32 $-Inf;
	v18 =	vimm.s32 $0x0;
	v21 =	vimm.s32 $0x0;
	v6 =	vld [tilespmem:s24+$0xFFFFFFB0]  }
0x24: {  	v24 =	vimm.f32 $-Inf;
	v22 =	vimm.s32 $0x0;
	v33 =	vimm.f32 $-Inf;
	v7 =	vld [tilespmem:s24+$0x60]  }
0x25: {  	v38 =	vimm.f32 $-Inf;
	v25 =	vimm.s32 $0x0;
	v26 =	vimm.s32 $0x0;
	v8 =	vld [tilespmem:s24+$0x70]  }
0x26: {  	v27 =	vimm.f32 $-Inf;
	v28 =	vimm.f32 $-Inf;
	v35 =	vimm.f32 $-Inf;
	v10 =	vld [tilespmem:s24+$0xFFFFFFD0]  }
0x27: {  	v29 =	vimm.f32 $-Inf;
	v30 =	vimm.s32 $0x0;
	v31 =	vimm.s32 $0x0;
	v9 =	vld [tilespmem:s24+$0xFFFFFFC0]  }
0x28: {  	v32 =	vimm.s32 $0x0;
	v34 =	vimm.s32 $0x0;
	v37 =	vimm.f32 $-Inf;
	v41 =	vld [tilespmem:s24+$0x50]  }
0x29: {  	v39 =	vimm.s32 $0x0;
	v40 =	vimm.s32 $0x0;
	v36 =	vimm.s32 $0x0;
	v20 =	vld [tilespmem:s24+$0x40]  }
0x2a: {  	vm2 =	vgt.f32 v0, v19;
	v17 =	vmax.f32 v19, v0;
	v14 =	vmax.f32 v19, v8  }
0x2b: {  	v23 =	vld [tilespmem:s24+$0xFFFFFFE0];
	vm3 =	vgt.f32 v10, v19;
	v16 =	vmax.f32 v19, v10;
	v10 =	vmax.f32 v19, v7  }
0x2c: {  	v0 =	vld [tilespmem:s24+$0xFFFFFF90];
	vm5 =	vgt.f32 v9, v19;
	v12 =	vmax.f32 v19, v9;
	vm6 =	vgt.f32 v6, v19  }
0x2d: {  	v46 =	vld [tilespmem:s24+$0x20];
	v9 =	vmax.f32 v19, v6;
	vm4 =	vgt.f32 v41, v19;
	vm8 =	vgt.f32 v5, v19  }
0x2e: {  	v42 =	vld [tilespmem:s24+$0x0];
	v6 =	vmax.f32 v19, v5;
	vm7 =	vgt.f32 v20, v19;
	v13 =	vsel vm2, s2, v18  }
0x2f: {  	v44 =	vld [tilespmem:s24+$0x10];
	vm2 =	vgt.f32 v7, v19;
	v7 =	vmax.f32 v19, v20;
	v20 =	vimm.f32 $-Inf  }
0x30: {  	v45 =	vld [tilespmem:s24+$0xFFFFFFF0];
	v11 =	vsel vm2, s2, v18;
	vm2 =	vgt.f32 v8, v19;
	v8 =	vsel vm8, s2, v18  }
0x31: {  	s25 =	simm.s32 $0x1;
	s26 =	simm.s32 $0x180;
	v43 =	vld [tilespmem:s24+$0xFFFFFF80];
	s24 =	simm.s32 $0x0;
	v15 =	vsel vm2, s2, v18;
	vm2 =	vgt.f32 v23, v19;
	v5 =	vmax.f32 v19, v0  }
.LBB2_2:
0x32: {  	v47 =	vld [tilespmem:s26+$0x30];
	p1 =	sne.s32 s25, $0x7;
	vm8 =	vgt.f32 v0, v19;
	vm9 =	vgt.f32 v46, v20;
	v18 =	vsel vm7, s24, v18;
	v19 =	vmovc v5;
	s28 =	smov.u32 s25;
	s25 =	sadd.s32 $0x1, s25  }
0x33: {  	v20 =	vmax.f32 v20, v46;
	v24 =	vmax.f32 v24, v41;
	v48 =	vld [tilespmem:s26+$0xFFFFFFA0];
	v21 =	vsel vm9, s24, v21  }
0x34: {  	v22 =	vsel vm8, s24, v22;
	vm7 =	vgt.f32 v42, v33;
	v49 =	vld [tilespmem:s26+$0xFFFFFFB0];
	v38 =	vmax.f32 v38, v44  }
0x35: {  	v25 =	vsel vm6, s24, v25;
	v26 =	vsel vm5, s24, v26;
	v50 =	vld [tilespmem:s26+$0x60];
	vm5 =	vgt.f32 v45, v27  }
0x36: {  	v28 =	vmax.f32 v28, v23;
	vm6 =	vgt.f32 v44, v35;
	v27 =	vmax.f32 v27, v45;
	v35 =	vmovc v38;
	v46 =	vld [tilespmem:s26+$0x70]  }
0x37: {  	v29 =	vmax.f32 v29, v43;
	v44 =	vld [tilespmem:s26+$0xFFFFFFC0];
	vm8 =	vgt.f32 v47, v17;
	v17 =	vmax.f32 v17, v47  }
0x38: {  	v30 =	vsel vm3, s24, v30;
	v31 =	vsel vm4, s24, v31;
	v45 =	vld [tilespmem:s26+$0xFFFFFFD0];
	v13 =	vsel vm8, s28, v13  }
0x39: {  	v33 =	vmax.f32 v33, v42;
	v34 =	vsel vm7, s24, v34;
	v32 =	vsel vm5, s24, v32;
	v23 =	vld [tilespmem:s26+$0xFFFFFFE0]  }
0x3a: {  	v39 =	vsel vm6, s24, v39;
	vm4 =	vgt.f32 v43, v37;
	v37 =	vmovc v29;
	v41 =	vld [tilespmem:s26+$0x50];
	vm3 =	vgt.f32 v50, v10  }
0x3b: {  	v40 =	vsel vm4, s24, v40;
	v47 =	vld [tilespmem:s26+$0x40];
	v11 =	vsel vm3, s28, v11;
	vm3 =	vgt.f32 v46, v14  }
0x3c: {  	v36 =	vsel vm2, s24, v36;
	s24 =	smov.u32 s28;
	v14 =	vmax.f32 v14, v46;
	v0 =	vld [tilespmem:s26+$0xFFFFFF90];
	v15 =	vsel vm3, s28, v15  }
.Ltmp0:
0x3d: {  	v10 =	vmax.f32 v10, v50;
	vm3 =	vgt.f32 v45, v16;
	v16 =	vmax.f32 v16, v45;
	v46 =	vld [tilespmem:s26+$0x20];
	(pc) =	sbr.rel @p1 .LBB2_2-.Ltmp0, $4  }
0x3e: {  	vm5 =	vgt.f32 v44, v12;
	v12 =	vmax.f32 v12, v44;
	vm2 =	vgt.f32 v23, v28;
	v42 =	vld [tilespmem:s26+$0x0]  }
0x3f: {  	vm6 =	vgt.f32 v49, v9;
	v9 =	vmax.f32 v9, v49;
	v44 =	vld [tilespmem:s26+$0x10];
	vm4 =	vgt.f32 v41, v24  }
0x40: {  	vm8 =	vgt.f32 v48, v6;
	v6 =	vmax.f32 v6, v48;
	v45 =	vld [tilespmem:s26+$0xFFFFFFF0];
	vm7 =	vgt.f32 v47, v7  }
0x41: {  	v8 =	vsel vm8, s24, v8;
	v7 =	vmax.f32 v7, v47;
	v43 =	vld [tilespmem:s26+$0xFFFFFF80];
	v5 =	vmax.f32 v5, v0;
	s26 =	sadd.s32 $0x100, s26  }
0x42: {  	_ =	swait.ge [sflag:s17], $0x800  }
0x43: {  	[sflag:s17] =	ssyncset.done $0x0  }
0x44: {  	s26 =	simm.s32 $0x8F0;
	[sflag:s17] =	ssyncadd.s32 $0xFFFFF800  }
0x45: {  	vm8 =	vgt.f32 v0, v19;
	vm9 =	vgt.f32 v46, v20;
	v19 =	vsel vm7, s24, v18;
	v0 =	vld [tilespmem:s26+$0xFFFFFFC0]  }
0x46: {  	v18 =	vmax.f32 v20, v46;
	v25 =	vsel vm6, s24, v25;
	v26 =	vsel vm5, s24, v26;
	v58 =	vld [tilespmem:s26+$0xFFFFFF30]  }
0x47: {  	v28 =	vmax.f32 v28, v23;
	v30 =	vsel vm3, s24, v30;
	v31 =	vsel vm4, s24, v31;
	v47 =	vld [tilespmem:s26+$0xFFFFFF40]  }
0x48: {  	v36 =	vsel vm2, s24, v36;
	v20 =	vsel vm9, s24, v21;
	v21 =	vmax.f32 v24, v41;
	v59 =	vld [tilespmem:s26+$0x0]  }
0x49: {  	v22 =	vsel vm8, s24, v22;
	vm7 =	vgt.f32 v42, v33;
	v23 =	vmax.f32 v33, v42;
	v49 =	vld [tilespmem:s26+$0xFFFFFF50]  }
0x4a: {  	v24 =	vmax.f32 v38, v44;
	vm6 =	vgt.f32 v44, v35;
	v33 =	vsel vm7, s24, v34;
	v48 =	vld [tilespmem:s26+$0xFFFFFFF0]  }
0x4b: {  	vm5 =	vgt.f32 v45, v27;
	v27 =	vmax.f32 v27, v45;
	v34 =	vsel vm6, s24, v39;
	v62 =	vld [tilespmem:s26+$0xFFFFFFD0]  }
0x4c: {  	v45 =	vld [tilespmem:s26+$0xFFFFFF20];
	v29 =	vmax.f32 v29, v43;
	v32 =	vsel vm5, s24, v32;
	vm3 =	vgt.f32 v43, v37  }
0x4d: {  	v60 =	vld [tilespmem:s26+$0xFFFFFF60];
	v35 =	vsel vm3, s24, v40;
	vm2 =	vgt.f32 v0, v17;
	v17 =	vmax.f32 v17, v0  }
0x4e: {  	v38 =	vld [tilespmem:s26+$0xFFFFFF70];
	vm3 =	vgt.f32 v59, v14;
	v14 =	vmax.f32 v14, v59;
	vm5 =	vgt.f32 v49, v12  }
0x4f: {  	v40 =	vld [tilespmem:s26+$0xFFFFFFE0];
	v12 =	vmax.f32 v12, v49;
	vm6 =	vgt.f32 v47, v9;
	v9 =	vmax.f32 v9, v47  }
0x50: {  	v46 =	vld [tilespmem:s26+$0xFFFFFFB0];
	s24 =	simm.s32 $0x8;
	vm8 =	vgt.f32 v58, v6;
	v37 =	vmax.f32 v6, v58;
	vm7 =	vgt.f32 v62, v7  }
0x51: {  	v42 =	vld [tilespmem:s26+$0xFFFFFF90];
	v6 =	vmax.f32 v5, v45;
	v7 =	vmax.f32 v7, v62;
	v13 =	vsel vm2, s24, v13  }
0x52: {  	v0 =	vld [tilespmem:s26+$0xFFFFFFA0];
	vm2 =	vgt.f32 v48, v10;
	v15 =	vsel vm3, s24, v15;
	vm3 =	vgt.f32 v60, v16  }
0x53: {  	v44 =	vld [tilespmem:s26+$0xFFFFFF80];
	v16 =	vmax.f32 v16, v60;
	v10 =	vmax.f32 v10, v48;
	v8 =	vsel vm8, s24, v8  }
0x54: {  	s25 =	simm.s32 $0x9;
	v39 =	vmovc v24;
	v43 =	vld [tilespmem:s26+$0xFFFFFF10];
	v41 =	vmovc v29;
	s26 =	simm.s32 $0x9F0;
	v11 =	vsel vm2, s24, v11;
	vm2 =	vgt.f32 v38, v28;
	vm4 =	vgt.f32 v40, v21  }
.LBB2_4:
0x55: {  	v47 =	vld [tilespmem:s26+$0xFFFFFFC0];
	p1 =	sne.s32 s25, $0xF;
	vm8 =	vgt.f32 v45, v5;
	vm9 =	vgt.f32 v46, v18;
	v19 =	vsel vm7, s24, v19;
	v5 =	vmovc v6;
	s28 =	smov.u32 s25;
	s25 =	sadd.s32 $0x1, s25  }
0x56: {  	v18 =	vmax.f32 v18, v46;
	v21 =	vmax.f32 v21, v40;
	v48 =	vld [tilespmem:s26+$0xFFFFFF30];
	v20 =	vsel vm9, s24, v20  }
0x57: {  	v22 =	vsel vm8, s24, v22;
	vm7 =	vgt.f32 v42, v23;
	v49 =	vld [tilespmem:s26+$0xFFFFFF40];
	v24 =	vmax.f32 v24, v0  }
0x58: {  	v25 =	vsel vm6, s24, v25;
	v26 =	vsel vm5, s24, v26;
	v50 =	vld [tilespmem:s26+$0xFFFFFFF0];
	vm5 =	vgt.f32 v44, v27  }
0x59: {  	v28 =	vmax.f32 v28, v38;
	vm6 =	vgt.f32 v0, v39;
	v27 =	vmax.f32 v27, v44;
	v39 =	vmovc v24;
	v46 =	vld [tilespmem:s26+$0x0]  }
0x5a: {  	v29 =	vmax.f32 v29, v43;
	v0 =	vld [tilespmem:s26+$0xFFFFFF50];
	vm8 =	vgt.f32 v47, v17;
	v17 =	vmax.f32 v17, v47  }
0x5b: {  	v30 =	vsel vm3, s24, v30;
	v31 =	vsel vm4, s24, v31;
	v44 =	vld [tilespmem:s26+$0xFFFFFF60];
	v13 =	vsel vm8, s28, v13  }
0x5c: {  	v23 =	vmax.f32 v23, v42;
	v33 =	vsel vm7, s24, v33;
	v32 =	vsel vm5, s24, v32;
	v38 =	vld [tilespmem:s26+$0xFFFFFF70]  }
0x5d: {  	v34 =	vsel vm6, s24, v34;
	vm4 =	vgt.f32 v43, v41;
	v41 =	vmovc v29;
	v40 =	vld [tilespmem:s26+$0xFFFFFFE0];
	vm3 =	vgt.f32 v50, v10  }
0x5e: {  	v35 =	vsel vm4, s24, v35;
	v47 =	vld [tilespmem:s26+$0xFFFFFFD0];
	v11 =	vsel vm3, s28, v11;
	vm3 =	vgt.f32 v46, v14  }
0x5f: {  	v36 =	vsel vm2, s24, v36;
	s24 =	smov.u32 s28;
	v14 =	vmax.f32 v14, v46;
	v45 =	vld [tilespmem:s26+$0xFFFFFF20];
	v15 =	vsel vm3, s28, v15  }
.Ltmp1:
0x60: {  	v10 =	vmax.f32 v10, v50;
	vm3 =	vgt.f32 v44, v16;
	v16 =	vmax.f32 v16, v44;
	v46 =	vld [tilespmem:s26+$0xFFFFFFB0];
	(pc) =	sbr.rel @p1 .LBB2_4-.Ltmp1, $4  }
0x61: {  	vm5 =	vgt.f32 v0, v12;
	v12 =	vmax.f32 v12, v0;
	vm2 =	vgt.f32 v38, v28;
	v42 =	vld [tilespmem:s26+$0xFFFFFF90]  }
0x62: {  	vm6 =	vgt.f32 v49, v9;
	v9 =	vmax.f32 v9, v49;
	v0 =	vld [tilespmem:s26+$0xFFFFFFA0];
	vm4 =	vgt.f32 v40, v21  }
0x63: {  	vm8 =	vgt.f32 v48, v37;
	v37 =	vmax.f32 v37, v48;
	v44 =	vld [tilespmem:s26+$0xFFFFFF80];
	vm7 =	vgt.f32 v47, v7  }
0x64: {  	v8 =	vsel vm8, s24, v8;
	v7 =	vmax.f32 v7, v47;
	v43 =	vld [tilespmem:s26+$0xFFFFFF10];
	v6 =	vmax.f32 v6, v45;
	s26 =	sadd.s32 $0x100, s26  }
0x65: {  	_ =	swait.ge [sflag:s18], $0x800  }
0x66: {  	[sflag:s18] =	ssyncset.done $0x0  }
0x67: {  	s26 =	simm.s32 $0x10F0;
	[sflag:s18] =	ssyncadd.s32 $0xFFFFF800  }
0x68: {  	vm8 =	vgt.f32 v45, v5;
	v5 =	vld [tilespmem:s26+$0xFFFFFFC0]  }
0x69: {  	vm9 =	vgt.f32 v46, v18;
	v19 =	vsel vm7, s24, v19;
	v48 =	vld [tilespmem:s26+$0xFFFFFF30]  }
0x6a: {  	v18 =	vmax.f32 v18, v46;
	v21 =	vmax.f32 v21, v40;
	v25 =	vsel vm6, s24, v25;
	v47 =	vld [tilespmem:s26+$0xFFFFFF40]  }
0x6b: {  	v26 =	vsel vm5, s24, v26;
	v28 =	vmax.f32 v28, v38;
	v40 =	vsel vm4, s24, v31;
	v60 =	vld [tilespmem:s26+$0xFFFFFFF0]  }
0x6c: {  	v20 =	vsel vm9, s24, v20;
	v24 =	vmax.f32 v24, v0;
	vm6 =	vgt.f32 v0, v39;
	v0 =	vld [tilespmem:s26+$0x0]  }
0x6d: {  	v22 =	vsel vm8, s24, v22;
	vm7 =	vgt.f32 v42, v23;
	v23 =	vmax.f32 v23, v42;
	v62 =	vld [tilespmem:s26+$0xFFFFFF60]  }
0x6e: {  	v39 =	vsel vm3, s24, v30;
	v33 =	vsel vm7, s24, v33;
	vm5 =	vgt.f32 v44, v27;
	v49 =	vld [tilespmem:s26+$0xFFFFFF50]  }
0x6f: {  	v27 =	vmax.f32 v27, v44;
	v44 =	vsel vm2, s24, v36;
	v50 =	vld [tilespmem:s26+$0xFFFFFFD0];
	v38 =	vmax.f32 v29, v43  }
0x70: {  	v30 =	vld [tilespmem:s26+$0xFFFFFF20];
	v32 =	vsel vm5, s24, v32;
	vm3 =	vgt.f32 v43, v41;
	v41 =	vsel vm6, s24, v34  }
0x71: {  	v42 =	vsel vm3, s24, v35;
	vm2 =	vgt.f32 v5, v17;
	v29 =	vmax.f32 v17, v5  }
0x72: {  	v51 =	vld [tilespmem:s26+$0xFFFFFF70];
	vm3 =	vgt.f32 v0, v14;
	v36 =	vmax.f32 v14, v0;
	v45 =	vmax.f32 v16, v62  }
0x73: {  	v17 =	vld [tilespmem:s26+$0xFFFFFFE0];
	v34 =	vmax.f32 v10, v60;
	vm5 =	vgt.f32 v49, v12;
	v46 =	vmax.f32 v12, v49  }
0x74: {  	v14 =	vld [tilespmem:s26+$0xFFFFFFB0];
	vm6 =	vgt.f32 v47, v9;
	v47 =	vmax.f32 v9, v47;
	vm8 =	vgt.f32 v48, v37  }
0x75: {  	s24 =	simm.s32 $0x10;
	v12 =	vld [tilespmem:s26+$0xFFFFFF90];
	v37 =	vmax.f32 v37, v48;
	vm7 =	vgt.f32 v50, v7;
	v5 =	vmax.f32 v6, v30  }
0x76: {  	v0 =	vld [tilespmem:s26+$0xFFFFFFA0];
	v48 =	vmax.f32 v7, v50;
	v31 =	vsel vm2, s24, v13;
	vm2 =	vgt.f32 v60, v10  }
0x77: {  	v43 =	vsel vm3, s24, v15;
	vm3 =	vgt.f32 v62, v16;
	v35 =	vsel vm2, s24, v11;
	v11 =	vld [tilespmem:s26+$0xFFFFFF80]  }
0x78: {  	s25 =	simm.s32 $0x11;
	v9 =	vmovc v24;
	v13 =	vld [tilespmem:s26+$0xFFFFFF10];
	v49 =	vsel vm8, s24, v8;
	v10 =	vmovc v38;
	vm2 =	vgt.f32 v51, v28;
	s26 =	simm.s32 $0x11F0;
	vm4 =	vgt.f32 v17, v21  }
.LBB2_6:
0x79: {  	v7 =	vld [tilespmem:s26+$0xFFFFFFC0];
	p1 =	sne.s32 s25, $0x17;
	vm8 =	vgt.f32 v30, v6;
	vm9 =	vgt.f32 v14, v18;
	v19 =	vsel vm7, s24, v19;
	v6 =	vmovc v5;
	s28 =	smov.u32 s25;
	s25 =	sadd.s32 $0x1, s25  }
0x7a: {  	v18 =	vmax.f32 v18, v14;
	v21 =	vmax.f32 v21, v17;
	v8 =	vld [tilespmem:s26+$0xFFFFFF30];
	v20 =	vsel vm9, s24, v20  }
0x7b: {  	v22 =	vsel vm8, s24, v22;
	vm7 =	vgt.f32 v12, v23;
	v15 =	vld [tilespmem:s26+$0xFFFFFF40];
	v24 =	vmax.f32 v24, v0  }
0x7c: {  	v25 =	vsel vm6, s24, v25;
	v26 =	vsel vm5, s24, v26;
	v16 =	vld [tilespmem:s26+$0xFFFFFFF0];
	vm5 =	vgt.f32 v11, v27  }
0x7d: {  	v28 =	vmax.f32 v28, v51;
	vm6 =	vgt.f32 v0, v9;
	v27 =	vmax.f32 v27, v11;
	v9 =	vmovc v24;
	v14 =	vld [tilespmem:s26+$0x0]  }
0x7e: {  	v38 =	vmax.f32 v38, v13;
	v0 =	vld [tilespmem:s26+$0xFFFFFF50];
	vm8 =	vgt.f32 v7, v29;
	v29 =	vmax.f32 v29, v7  }
0x7f: {  	v39 =	vsel vm3, s24, v39;
	v40 =	vsel vm4, s24, v40;
	v7 =	vld [tilespmem:s26+$0xFFFFFF60];
	v31 =	vsel vm8, s28, v31  }
0x80: {  	v23 =	vmax.f32 v23, v12;
	v33 =	vsel vm7, s24, v33;
	v32 =	vsel vm5, s24, v32;
	v51 =	vld [tilespmem:s26+$0xFFFFFF70]  }
0x81: {  	v41 =	vsel vm6, s24, v41;
	vm4 =	vgt.f32 v13, v10;
	v10 =	vmovc v38;
	v17 =	vld [tilespmem:s26+$0xFFFFFFE0];
	vm3 =	vgt.f32 v16, v34  }
0x82: {  	v42 =	vsel vm4, s24, v42;
	v50 =	vld [tilespmem:s26+$0xFFFFFFD0];
	v35 =	vsel vm3, s28, v35;
	vm3 =	vgt.f32 v14, v36  }
0x83: {  	v44 =	vsel vm2, s24, v44;
	s24 =	smov.u32 s28;
	v36 =	vmax.f32 v36, v14;
	v30 =	vld [tilespmem:s26+$0xFFFFFF20];
	v43 =	vsel vm3, s28, v43  }
.Ltmp2:
0x84: {  	v34 =	vmax.f32 v34, v16;
	vm3 =	vgt.f32 v7, v45;
	v45 =	vmax.f32 v45, v7;
	v14 =	vld [tilespmem:s26+$0xFFFFFFB0];
	(pc) =	sbr.rel @p1 .LBB2_6-.Ltmp2, $4  }
0x85: {  	vm5 =	vgt.f32 v0, v46;
	v46 =	vmax.f32 v46, v0;
	vm2 =	vgt.f32 v51, v28;
	v12 =	vld [tilespmem:s26+$0xFFFFFF90]  }
0x86: {  	vm6 =	vgt.f32 v15, v47;
	v47 =	vmax.f32 v47, v15;
	v0 =	vld [tilespmem:s26+$0xFFFFFFA0];
	vm4 =	vgt.f32 v17, v21  }
0x87: {  	vm8 =	vgt.f32 v8, v37;
	v37 =	vmax.f32 v37, v8;
	v11 =	vld [tilespmem:s26+$0xFFFFFF80];
	vm7 =	vgt.f32 v50, v48  }
0x88: {  	v49 =	vsel vm8, s24, v49;
	v48 =	vmax.f32 v48, v50;
	v13 =	vld [tilespmem:s26+$0xFFFFFF10];
	v5 =	vmax.f32 v5, v30;
	s26 =	sadd.s32 $0x100, s26  }
0x89: {  	_ =	swait.ge [sflag:s19], $0x800  }
0x8a: {  	[sflag:s19] =	ssyncset.done $0x0  }
0x8b: {  	s26 =	simm.s32 $0x18F0;
	[sflag:s19] =	ssyncadd.s32 $0xFFFFF800  }
0x8c: {  	vm8 =	vgt.f32 v30, v6;
	vm9 =	vgt.f32 v14, v18;
	v16 =	vsel vm7, s24, v19;
	v19 =	vld [tilespmem:s26+$0xFFFFFFC0]  }
0x8d: {  	v15 =	vmax.f32 v18, v14;
	v30 =	vmax.f32 v21, v17;
	v7 =	vsel vm6, s24, v25;
	v53 =	vld [tilespmem:s26+$0xFFFFFF30]  }
0x8e: {  	v8 =	vsel vm5, s24, v26;
	v51 =	vmax.f32 v28, v51;
	v50 =	vmax.f32 v24, v0;
	v24 =	vld [tilespmem:s26+$0xFFFFFF40]  }
0x8f: {  	v17 =	vsel vm4, s24, v40;
	v14 =	vsel vm9, s24, v20;
	v6 =	vsel vm8, s24, v22;
	v60 =	vld [tilespmem:s26+$0x0]  }
0x90: {  	vm7 =	vgt.f32 v12, v23;
	v12 =	vmax.f32 v23, v12;
	vm6 =	vgt.f32 v0, v9;
	v28 =	vld [tilespmem:s26+$0xFFFFFF60]  }
0x91: {  	v9 =	vsel vm3, s24, v39;
	vm5 =	vgt.f32 v11, v27;
	v11 =	vmax.f32 v27, v11;
	v27 =	vld [tilespmem:s26+$0xFFFFFF50]  }
0x92: {  	v25 =	vsel vm7, s24, v33;
	v21 =	vld [tilespmem:s26+$0xFFFFFFF0];
	v52 =	vmax.f32 v38, v13;
	v26 =	vsel vm5, s24, v32  }
0x93: {  	v62 =	vld [tilespmem:s26+$0xFFFFFFD0];
	vm3 =	vgt.f32 v13, v10;
	v13 =	vsel vm6, s24, v41;
	v10 =	vsel vm2, s24, v44  }
0x94: {  	v41 =	vld [tilespmem:s26+$0xFFFFFF70];
	v38 =	vsel vm3, s24, v42;
	vm2 =	vgt.f32 v19, v29;
	v22 =	vmax.f32 v29, v19  }
0x95: {  	v44 =	vld [tilespmem:s26+$0xFFFFFF20];
	vm3 =	vgt.f32 v60, v36;
	v20 =	vmax.f32 v36, v60;
	vm4 =	vgt.f32 v28, v45  }
0x96: {  	v42 =	vld [tilespmem:s26+$0xFFFFFFE0];
	v28 =	vmax.f32 v45, v28;
	vm6 =	vgt.f32 v27, v46;
	v29 =	vmax.f32 v46, v27  }
0x97: {  	v32 =	vld [tilespmem:s26+$0xFFFFFFB0];
	s24 =	simm.s32 $0x18;
	vm7 =	vgt.f32 v24, v47;
	v33 =	vmax.f32 v47, v24;
	vm8 =	vgt.f32 v53, v37  }
0x98: {  	vm5 =	vgt.f32 v62, v48;
	v24 =	vmax.f32 v48, v62;
	v23 =	vsel vm2, s24, v31;
	v31 =	vld [tilespmem:s26+$0xFFFFFF90]  }
0x99: {  	vm2 =	vgt.f32 v21, v34;
	v19 =	vsel vm3, s24, v43;
	v21 =	vmax.f32 v34, v21;
	v34 =	vld [tilespmem:s26+$0xFFFFFFA0]  }
0x9a: {  	v39 =	vld [tilespmem:s26+$0xFFFFFF80];
	v40 =	vmovc v52;
	vm3 =	vgt.f32 v41, v51;
	v36 =	vsel vm8, s24, v49;
	v18 =	vsel vm2, s24, v35  }
0x9b: {  	s25 =	simm.s32 $0x19;
	v27 =	vmovc v50;
	v43 =	vld [tilespmem:s26+$0xFFFFFF10];
	s26 =	simm.s32 $0x19F0;
	vm2 =	vgt.f32 v42, v30;
	v35 =	vmax.f32 v37, v53;
	v37 =	vmax.f32 v5, v44  }
.LBB2_8:
0x9c: {  	v0 =	vld [tilespmem:s26+$0xFFFFFFC0];
	p1 =	sne.s32 s25, $0x1F;
	vm8 =	vgt.f32 v44, v5;
	vm9 =	vgt.f32 v32, v15;
	v16 =	vsel vm5, s24, v16;
	v5 =	vmovc v37;
	s28 =	smov.u32 s25;
	s25 =	sadd.s32 $0x1, s25  }
0x9d: {  	v15 =	vmax.f32 v15, v32;
	v30 =	vmax.f32 v30, v42;
	v45 =	vld [tilespmem:s26+$0xFFFFFF30];
	v14 =	vsel vm9, s24, v14  }
0x9e: {  	v6 =	vsel vm8, s24, v6;
	vm5 =	vgt.f32 v31, v12;
	v46 =	vld [tilespmem:s26+$0xFFFFFF40];
	v50 =	vmax.f32 v50, v34  }
0x9f: {  	v7 =	vsel vm7, s24, v7;
	v8 =	vsel vm6, s24, v8;
	v47 =	vld [tilespmem:s26+$0xFFFFFFF0];
	vm6 =	vgt.f32 v39, v11  }
0xa0: {  	v51 =	vmax.f32 v51, v41;
	vm7 =	vgt.f32 v34, v27;
	v11 =	vmax.f32 v11, v39;
	v27 =	vmovc v50;
	v32 =	vld [tilespmem:s26+$0x0]  }
0xa1: {  	v52 =	vmax.f32 v52, v43;
	v34 =	vld [tilespmem:s26+$0xFFFFFF50];
	vm8 =	vgt.f32 v0, v22;
	v22 =	vmax.f32 v22, v0  }
0xa2: {  	v9 =	vsel vm4, s24, v9;
	v17 =	vsel vm2, s24, v17;
	v0 =	vld [tilespmem:s26+$0xFFFFFF60];
	v23 =	vsel vm8, s28, v23  }
0xa3: {  	v12 =	vmax.f32 v12, v31;
	v25 =	vsel vm5, s24, v25;
	v26 =	vsel vm6, s24, v26;
	v41 =	vld [tilespmem:s26+$0xFFFFFF70]  }
0xa4: {  	v13 =	vsel vm7, s24, v13;
	vm4 =	vgt.f32 v43, v40;
	v40 =	vmovc v52;
	v42 =	vld [tilespmem:s26+$0xFFFFFFE0];
	vm2 =	vgt.f32 v47, v21  }
0xa5: {  	v38 =	vsel vm4, s24, v38;
	v48 =	vld [tilespmem:s26+$0xFFFFFFD0];
	v18 =	vsel vm2, s28, v18;
	vm2 =	vgt.f32 v32, v20  }
0xa6: {  	v10 =	vsel vm3, s24, v10;
	s24 =	smov.u32 s28;
	v20 =	vmax.f32 v20, v32;
	v44 =	vld [tilespmem:s26+$0xFFFFFF20];
	v19 =	vsel vm2, s28, v19  }
.Ltmp3:
0xa7: {  	v21 =	vmax.f32 v21, v47;
	vm4 =	vgt.f32 v0, v28;
	v28 =	vmax.f32 v28, v0;
	v32 =	vld [tilespmem:s26+$0xFFFFFFB0];
	(pc) =	sbr.rel @p1 .LBB2_8-.Ltmp3, $4  }
0xa8: {  	vm6 =	vgt.f32 v34, v29;
	v29 =	vmax.f32 v29, v34;
	vm3 =	vgt.f32 v41, v51;
	v31 =	vld [tilespmem:s26+$0xFFFFFF90]  }
0xa9: {  	vm7 =	vgt.f32 v46, v33;
	v33 =	vmax.f32 v33, v46;
	v34 =	vld [tilespmem:s26+$0xFFFFFFA0];
	vm2 =	vgt.f32 v42, v30  }
0xaa: {  	vm8 =	vgt.f32 v45, v35;
	v35 =	vmax.f32 v35, v45;
	v39 =	vld [tilespmem:s26+$0xFFFFFF80];
	vm5 =	vgt.f32 v48, v24  }
0xab: {  	v36 =	vsel vm8, s24, v36;
	v24 =	vmax.f32 v24, v48;
	v43 =	vld [tilespmem:s26+$0xFFFFFF10];
	v37 =	vmax.f32 v37, v44;
	s26 =	sadd.s32 $0x100, s26  }
0xac: {  	_ =	sdelay $0x3  }
0xad: {  	v0 =	vmax.f32 v52, v43  }
0xae: {  	v45 =	vmax.f32 v0, v37  }
0xaf: {  	v45 =	vmax.f32 v45, v35  }
0xb0: {  	v45 =	vmax.f32 v45, v33  }
0xb1: {  	v45 =	vmax.f32 v45, v29  }
0xb2: {  	v41 =	vmax.f32 v51, v41;
	v45 =	vmax.f32 v45, v28  }
0xb3: {  	v46 =	vmax.f32 v11, v39;
	v45 =	vmax.f32 v45, v41  }
0xb4: {  	v47 =	vmax.f32 v12, v31;
	v45 =	vmax.f32 v45, v46  }
0xb5: {  	v48 =	vmax.f32 v50, v34;
	v45 =	vmax.f32 v45, v47  }
0xb6: {  	v49 =	vmax.f32 v15, v32;
	v45 =	vmax.f32 v45, v48  }
0xb7: {  	v45 =	vmax.f32 v45, v49  }
0xb8: {  	v45 =	vmax.f32 v45, v22  }
0xb9: {  	v30 =	vmax.f32 v30, v42;
	v53 =	vmax.f32 v45, v24  }
0xba: {  	v42 =	vmax.f32 v53, v30  }
0xbb: {  	v42 =	vmax.f32 v42, v21  }
0xbc: {  	v42 =	vmax.f32 v42, v20  }
0xbd: {  	v54 =	vperm.xlane v42, v61  }
0xbe: {  	v1 =	vld [tilespmem:$0x1FFF0]  }
0xbf: {  	v42 =	vmax.f32 v42, v54  }
0xc0: {  	v45 =	vperm.xlane v42, v63;
	_ =	sdelay $0x1  }
0xc1: {  	v42 =	vmax.f32 v42, v45  }
0xc2: {  	v45 =	vperm.xlane v42, v1;
	_ =	sdelay $0x1  }
0xc3: {  	v42 =	vmax.f32 v42, v45  }
0xc4: {  	vm8 =	vgt.f32 v44, v5;
	v5 =	vperm.xlane v42, v56  }
0xc5: {  	v2 =	vor.u32 $0x10, v57;
	v6 =	vsel vm8, s24, v6;
	vm9 =	vgt.f32 v43, v40  }
0xc6: {  	v6 =	vshll.u32 v6, $0x8;
	v38 =	vsel vm9, s24, v38;
	v55 =	vmax.f32 v42, v5  }
0xc7: {  	v6 =	vor.u32 v2, v6;
	v38 =	vshll.u32 v38, $0x8;
	vm8 =	veq.f32 v37, v55  }
0xc8: {  	v58 =	vor.u32 v57, v38;
	v59 =	vnsel vm8, $0x7FFFFFFF, v6  }
0xc9: {  	v36 =	vshll.u32 v36, $0x8;
	vm15 =	vlt.s32 v58, v59  }
0xca: {  	[tilespmem:$0x1FFB0] =	vst v2;
	v2 =	vor.u32 $0x20, v57;
	vm8 =	veq.f32 v0, v55;
	v0 =	vsel vm15, v58, v59  }
0xcb: {  	v7 =	vsel vm7, s24, v7;
	v36 =	vor.u32 v2, v36;
	v0 =	vsel vm8, v0, v59  }
0xcc: {  	v62 =	vshll.u32 v7, $0x8;
	vm8 =	vlt.s32 v0, v36  }
0xcd: {  	[tilespmem:$0x1FFC0] =	vst v2;
	v2 =	vor.u32 $0x30, v57;
	vm7 =	veq.f32 v35, v55;
	v60 =	vsel vm8, v0, v36  }
0xce: {  	v8 =	vsel vm6, s24, v8;
	v42 =	vor.u32 v2, v62;
	v0 =	vsel vm7, v60, v0  }
0xcf: {  	v44 =	vshll.u32 v8, $0x8;
	vm7 =	vlt.s32 v0, v42  }
0xd0: {  	[tilespmem:$0x1FFD0] =	vst v2;
	v2 =	vor.u32 $0x40, v57;
	vm6 =	veq.f32 v33, v55;
	v43 =	vsel vm7, v0, v42  }
0xd1: {  	v9 =	vsel vm4, s24, v9;
	v45 =	vor.u32 v2, v44;
	v0 =	vsel vm6, v43, v0  }
0xd2: {  	v50 =	vshll.u32 v9, $0x8;
	vm6 =	vlt.s32 v0, v45  }
0xd3: {  	v9 =	vor.u32 $0x50, v57;
	vm4 =	veq.f32 v29, v55;
	v29 =	vsel vm6, v0, v45  }
0xd4: {  	v0 =	vsel vm4, v29, v0;
	v29 =	vor.u32 v9, v50  }
0xd5: {  	v10 =	vsel vm3, s24, v10;
	vm3 =	veq.f32 v28, v55;
	vm4 =	vlt.s32 v0, v29  }
0xd6: {  	v28 =	vsel vm4, v0, v29;
	v29 =	vshll.u32 v10, $0x8;
	v10 =	vor.u32 $0x60, v57  }
0xd7: {  	vm4 =	vgt.f32 v39, v11;
	v0 =	vsel vm3, v28, v0;
	v11 =	vor.u32 v10, v29  }
0xd8: {  	v26 =	vsel vm4, s24, v26;
	vm3 =	veq.f32 v41, v55;
	vm4 =	vlt.s32 v0, v11  }
0xd9: {  	v26 =	vshll.u32 v26, $0x8;
	v28 =	vsel vm4, v0, v11;
	v11 =	vor.u32 $0x70, v57  }
0xda: {  	vm4 =	vgt.f32 v31, v12;
	v0 =	vsel vm3, v28, v0;
	v12 =	vor.u32 v11, v26  }
0xdb: {  	v25 =	vsel vm4, s24, v25;
	vm3 =	veq.f32 v46, v55;
	vm4 =	vlt.s32 v0, v12  }
0xdc: {  	v25 =	vshll.u32 v25, $0x8;
	v26 =	vsel vm4, v0, v12;
	v12 =	vor.u32 $0x80, v57  }
0xdd: {  	vm4 =	vgt.f32 v34, v27;
	v0 =	vsel vm3, v26, v0;
	v25 =	vor.u32 v12, v25  }
0xde: {  	v13 =	vsel vm4, s24, v13;
	vm3 =	veq.f32 v47, v55;
	vm4 =	vlt.s32 v0, v25  }
0xdf: {  	v26 =	vshll.u32 v13, $0x8;
	v13 =	vor.u32 $0x90, v57;
	v25 =	vsel vm4, v0, v25  }
0xe0: {  	vm4 =	vgt.f32 v32, v15;
	v15 =	vor.u32 v13, v26;
	v0 =	vsel vm3, v25, v0  }
0xe1: {  	v14 =	vsel vm4, s24, v14;
	vm3 =	veq.f32 v48, v55;
	vm4 =	vlt.s32 v0, v15  }
0xe2: {  	v25 =	vshll.u32 v14, $0x8;
	v14 =	vor.u32 $0xA0, v57;
	v15 =	vsel vm4, v0, v15  }
0xe3: {  	v0 =	vsel vm3, v15, v0;
	v15 =	vor.u32 v14, v25  }
0xe4: {  	v23 =	vshll.u32 v23, $0x8;
	vm4 =	vlt.s32 v0, v15  }
0xe5: {  	vm3 =	veq.f32 v49, v55;
	v25 =	vsel vm4, v0, v15;
	v15 =	vor.u32 $0xB0, v57  }
0xe6: {  	v0 =	vsel vm3, v25, v0;
	v23 =	vor.u32 v15, v23  }
0xe7: {  	v16 =	vsel vm5, s24, v16;
	vm3 =	veq.f32 v22, v55;
	vm4 =	vlt.s32 v0, v23  }
0xe8: {  	v22 =	vsel vm4, v0, v23;
	v23 =	vshll.u32 v16, $0x8;
	v16 =	vor.u32 $0xC0, v57  }
0xe9: {  	v0 =	vsel vm3, v22, v0;
	v22 =	vor.u32 v16, v23  }
0xea: {  	v17 =	vsel vm2, s24, v17;
	vm2 =	veq.f32 v24, v55;
	vm3 =	vlt.s32 v0, v22  }
0xeb: {  	v23 =	vshll.u32 v17, $0x8;
	v17 =	vor.u32 $0xD0, v57;
	v22 =	vsel vm3, v0, v22  }
0xec: {  	v0 =	vsel vm2, v22, v0;
	v22 =	vor.u32 v17, v23  }
0xed: {  	vm2 =	veq.f32 v30, v55;
	vm3 =	vlt.s32 v0, v22  }
0xee: {  	v23 =	vshll.u32 v18, $0x8;
	v18 =	vor.u32 $0xE0, v57;
	v22 =	vsel vm3, v0, v22  }
0xef: {  	v0 =	vsel vm2, v22, v0;
	v22 =	vor.u32 v18, v23  }
0xf0: {  	[tilespmem:$0x1FFE0] =	vst v2;
	vm2 =	veq.f32 v21, v55;
	vm3 =	vlt.s32 v0, v22  }
0xf1: {  	_ =	swait.ge [sflag:s20], $0x2000;
	v21 =	vsel vm3, v0, v22;
	v22 =	vshll.u32 v19, $0x8;
	v19 =	vor.u32 $0xF0, v57  }
0xf2: {  	[sflag:s20] =	ssyncset.done $0x0;
	v0 =	vsel vm2, v21, v0;
	v21 =	vor.u32 v19, v22  }
0xf3: {  	s26 =	simm.s32 $0x2080;
	[sflag:s20] =	ssyncadd.s32 $0xFFFFE000;
	vm2 =	vlt.s32 v0, v21  }
0xf4: {  	v51 =	vld [tilespmem:s26+$0xFFFFFFD0];
	vm3 =	veq.f32 v20, v55;
	v20 =	vsel vm2, v0, v21  }
0xf5: {  	v52 =	vimm.s32 $0x0;
	v0 =	vsel vm3, v20, v0  }
0xf6: {  	v40 =	vimm.f32 $-Inf;
	v38 =	vimm.s32 $0x0;
	v29 =	vld [tilespmem:s26+$0xFFFFFFA0];
	v20 =	vperm.xlane v0, v61  }
0xf7: {  	v44 =	vimm.s32 $0x0;
	v35 =	vimm.f32 $-Inf;
	v37 =	vimm.s32 $0x0;
	v31 =	vld [tilespmem:s26+$0xFFFFFFC0]  }
0xf8: {  	v58 =	vimm.s32 $0x0;
	v42 =	vimm.f32 $-Inf;
	vm2 =	vlt.s32 v0, v20  }
0xf9: {  	v59 =	vimm.f32 $-Inf;
	v33 =	vmax.f32 v42, v51;
	v0 =	vsel vm2, v0, v20  }
0xfa: {  	v62 =	vld [tilespmem:s26+$0xFFFFFF90];
	v45 =	vimm.s32 $0x0;
	v50 =	vimm.s32 $0x0;
	v20 =	vperm.xlane v0, v63  }
0xfb: {  	v41 =	vimm.s32 $0x0;
	vm8 =	vgt.f32 v29, v42;
	v43 =	vmax.f32 v42, v29;
	v30 =	vld [tilespmem:s26+$0xFFFFFFB0]  }
0xfc: {  	v34 =	vimm.f32 $-Inf;
	vm6 =	vgt.f32 v31, v42;
	vm2 =	vlt.s32 v0, v20  }
0xfd: {  	v54 =	vld [tilespmem:s26+$0xFFFFFFE0];
	v36 =	vmax.f32 v42, v31;
	v31 =	vimm.s32 $0x0;
	v0 =	vsel vm2, v0, v20  }
0xfe: {  	v26 =	vimm.s32 $0x0;
	v32 =	vimm.f32 $-Inf;
	s24 =	simm.s32 $0x0;
	v22 =	vld [tilespmem:s26+$0x30];
	v20 =	vperm.xlane v0, v1  }
0xff: {  	v48 =	vimm.s32 $0x0;
	v46 =	vsel vm8, s24, v26;
	v49 =	vmax.f32 v42, v62;
	v25 =	vld [tilespmem:s26+$0x60]  }
0x100: {  	vm4 =	vgt.f32 v51, v42;
	v23 =	vld [tilespmem:s26+$0x70];
	vm7 =	vgt.f32 v30, v42;
	vm2 =	vlt.s32 v0, v20  }
0x101: {  	v39 =	vmax.f32 v42, v30;
	v55 =	vimm.f32 $-Inf;
	v20 =	vsel vm2, v0, v20;
	v0 =	vld [tilespmem:s26+$0x40]  }
0x102: {  	v8 =	vmovc v56;
	v30 =	vimm.s32 $0x0;
	v57 =	vimm.f32 $-Inf;
	v21 =	vperm.xlane v20, v56;
	v56 =	vld [tilespmem:s26+$0x50]  }
0x103: {  	v6 =	vmovc v61;
	v51 =	vld [tilespmem:s26+$0x20];
	vm3 =	vgt.f32 v54, v42;
	v61 =	vimm.f32 $-Inf;
	vm2 =	vgt.f32 v22, v42  }
0x104: {  	v53 =	vld [tilespmem:s26+$0x10];
	v27 =	vmax.f32 v42, v22;
	v28 =	vsel vm2, s24, v26;
	vm2 =	vgt.f32 v25, v42  }
0x105: {  	v7 =	vmovc v63;
	v47 =	vld [tilespmem:s26+$0x0];
	v63 =	vimm.f32 $-Inf;
	v24 =	vsel vm2, s24, v26;
	vm2 =	vgt.f32 v23, v42  }
0x106: {  	v60 =	vld [tilespmem:s26+$0xFFFFFFF0];
	v22 =	vmax.f32 v42, v23;
	v25 =	vmax.f32 v42, v25;
	v23 =	vsel vm2, s24, v26  }
0x107: {  	s25 =	simm.s32 $0x1;
	vm5 =	vgt.f32 v0, v42;
	v29 =	vmax.f32 v42, v0;
	v0 =	vld [tilespmem:s26+$0xFFFFFF80];
	s26 =	simm.s32 $0x2180;
	vm2 =	vgt.f32 v56, v42  }
.LBB2_10:
0x108: {  	v1 =	vld [tilespmem:s26+$0x30];
	p1 =	sne.s32 s25, $0x1F;
	vm8 =	vgt.f32 v62, v42;
	vm9 =	vgt.f32 v51, v32;
	v26 =	vsel vm5, s24, v26;
	v42 =	vmovc v49;
	s28 =	smov.u32 s25;
	s25 =	sadd.s32 $0x1, s25  }
0x109: {  	v32 =	vmax.f32 v32, v51;
	v55 =	vmax.f32 v55, v56;
	v2 =	vld [tilespmem:s26+$0xFFFFFFA0];
	v31 =	vsel vm9, s24, v31  }
0x10a: {  	v52 =	vsel vm8, s24, v52;
	vm5 =	vgt.f32 v47, v34;
	v4 =	vld [tilespmem:s26+$0xFFFFFFB0];
	v59 =	vmax.f32 v59, v53  }
0x10b: {  	v50 =	vsel vm7, s24, v50;
	v44 =	vsel vm6, s24, v44;
	v3 =	vld [tilespmem:s26+$0x60];
	vm6 =	vgt.f32 v60, v40  }
0x10c: {  	v61 =	vmax.f32 v61, v54;
	vm7 =	vgt.f32 v53, v35;
	v40 =	vmax.f32 v40, v60;
	v35 =	vmovc v59;
	v51 =	vld [tilespmem:s26+$0x70]  }
0x10d: {  	v63 =	vmax.f32 v63, v0;
	v53 =	vld [tilespmem:s26+$0xFFFFFFC0];
	vm8 =	vgt.f32 v1, v27;
	v27 =	vmax.f32 v27, v1  }
0x10e: {  	v45 =	vsel vm4, s24, v45;
	v30 =	vsel vm2, s24, v30;
	v1 =	vld [tilespmem:s26+$0xFFFFFFD0];
	v28 =	vsel vm8, s28, v28  }
0x10f: {  	v34 =	vmax.f32 v34, v47;
	v38 =	vsel vm5, s24, v38;
	v41 =	vsel vm6, s24, v41;
	v54 =	vld [tilespmem:s26+$0xFFFFFFE0]  }
0x110: {  	v37 =	vsel vm7, s24, v37;
	vm4 =	vgt.f32 v0, v57;
	v57 =	vmovc v63;
	v56 =	vld [tilespmem:s26+$0x50];
	vm2 =	vgt.f32 v3, v25  }
0x111: {  	v58 =	vsel vm4, s24, v58;
	v5 =	vld [tilespmem:s26+$0x40];
	v24 =	vsel vm2, s28, v24;
	vm2 =	vgt.f32 v51, v22  }
0x112: {  	v48 =	vsel vm3, s24, v48;
	s24 =	smov.u32 s28;
	v22 =	vmax.f32 v22, v51;
	v62 =	vld [tilespmem:s26+$0xFFFFFF90];
	v23 =	vsel vm2, s28, v23  }
.Ltmp4:
0x113: {  	v25 =	vmax.f32 v25, v3;
	vm4 =	vgt.f32 v1, v33;
	v33 =	vmax.f32 v33, v1;
	v51 =	vld [tilespmem:s26+$0x20];
	(pc) =	sbr.rel @p1 .LBB2_10-.Ltmp4, $4  }
0x114: {  	vm6 =	vgt.f32 v53, v36;
	v36 =	vmax.f32 v36, v53;
	vm3 =	vgt.f32 v54, v61;
	v47 =	vld [tilespmem:s26+$0x0]  }
0x115: {  	vm7 =	vgt.f32 v4, v39;
	v39 =	vmax.f32 v39, v4;
	v53 =	vld [tilespmem:s26+$0x10];
	vm2 =	vgt.f32 v56, v55  }
0x116: {  	vm8 =	vgt.f32 v2, v43;
	v43 =	vmax.f32 v43, v2;
	v60 =	vld [tilespmem:s26+$0xFFFFFFF0];
	vm5 =	vgt.f32 v5, v29  }
0x117: {  	v46 =	vsel vm8, s24, v46;
	v29 =	vmax.f32 v29, v5;
	v0 =	vld [tilespmem:s26+$0xFFFFFF80];
	v49 =	vmax.f32 v49, v62;
	s26 =	sadd.s32 $0x100, s26  }
0x118: {  	_ =	sdelay $0x3  }
0x119: {  	v1 =	vmax.f32 v63, v0  }
0x11a: {  	v2 =	vmax.f32 v1, v49  }
0x11b: {  	v2 =	vmax.f32 v2, v43  }
0x11c: {  	v2 =	vmax.f32 v2, v39  }
0x11d: {  	v2 =	vmax.f32 v2, v36  }
0x11e: {  	v3 =	vmax.f32 v61, v54;
	v2 =	vmax.f32 v2, v33  }
0x11f: {  	v4 =	vmax.f32 v40, v60;
	v2 =	vmax.f32 v2, v3  }
0x120: {  	v5 =	vmax.f32 v34, v47;
	v2 =	vmax.f32 v2, v4  }
0x121: {  	v54 =	vmax.f32 v59, v53;
	v2 =	vmax.f32 v2, v5  }
0x122: {  	v59 =	vmax.f32 v32, v51;
	v2 =	vmax.f32 v2, v54  }
0x123: {  	v2 =	vmax.f32 v2, v59  }
0x124: {  	v2 =	vmax.f32 v2, v27  }
0x125: {  	v55 =	vmax.f32 v55, v56;
	v2 =	vmax.f32 v2, v29  }
0x126: {  	v2 =	vmax.f32 v2, v55  }
0x127: {  	v2 =	vmax.f32 v2, v25  }
0x128: {  	v2 =	vmax.f32 v2, v22  }
0x129: {  	v63 =	vperm.xlane v2, v6;
	_ =	sdelay $0x2  }
0x12a: {  	v2 =	vmax.f32 v2, v63  }
0x12b: {  	v56 =	vperm.xlane v2, v7;
	v63 =	vmov v7;
	v7 =	vld [tilespmem:$0x1FFF0];
	_ =	sdelay $0x3  }
0x12c: {  	v2 =	vmax.f32 v2, v56  }
0x12d: {  	vm9 =	vgt.f32 v0, v57;
	v56 =	vperm.xlane v2, v7  }
0x12e: {  	v57 =	vsel vm9, s24, v58;
	v58 =	vld [tilespmem:$0x1FFB0]  }
0x12f: {  	vm8 =	vgt.f32 v62, v42;
	v2 =	vmax.f32 v2, v56  }
0x130: {  	v61 =	vmov v6;
	v52 =	vsel vm8, s24, v52;
	v6 =	vperm.xlane v2, v8  }
0x131: {  	v0 =	vshll.u32 v52, $0x8  }
0x132: {  	v42 =	vshll.u32 v57, $0x8;
	v2 =	vmax.f32 v2, v6;
	v6 =	vshll.u32 v46, $0x8;
	v46 =	vld [tilespmem:$0x1FFC0]  }
0x133: {  	v57 =	vlaneseq.u32;
	v0 =	vor.u32 v58, v0;
	vm12 =	veq.f32 v49, v2  }
0x134: {  	v42 =	vor.u32 v57, v42;
	v0 =	vnsel vm12, $0x7FFFFFFF, v0  }
0x135: {  	v49 =	vsel vm7, s24, v50;
	v50 =	vld [tilespmem:$0x1FFD0];
	vm8 =	vlt.s32 v42, v0  }
0x136: {  	vm13 =	veq.f32 v1, v2;
	v62 =	vsel vm8, v42, v0  }
0x137: {  	v0 =	vsel vm13, v62, v0;
	v1 =	vor.u32 v46, v6  }
0x138: {  	v58 =	vld [tilespmem:$0x1FFE0];
	vm14 =	vlt.s32 v0, v1  }
0x139: {  	vm15 =	veq.f32 v43, v2;
	v6 =	vshll.u32 v49, $0x8;
	v1 =	vsel vm14, v0, v1  }
0x13a: {  	v0 =	vsel vm15, v1, v0;
	v1 =	vor.u32 v50, v6  }
0x13b: {  	v52 =	vsel vm6, s24, v44;
	vm12 =	vlt.s32 v0, v1  }
0x13c: {  	vm13 =	veq.f32 v39, v2;
	v6 =	vshll.u32 v52, $0x8;
	v1 =	vsel vm12, v0, v1  }
0x13d: {  	v0 =	vsel vm13, v1, v0;
	v1 =	vor.u32 v58, v6  }
0x13e: {  	v62 =	vsel vm4, s24, v45;
	vm14 =	vlt.s32 v0, v1  }
0x13f: {  	vm15 =	veq.f32 v36, v2;
	v6 =	vshll.u32 v62, $0x8;
	v1 =	vsel vm14, v0, v1  }
0x140: {  	v9 =	vor.u32 v9, v6;
	v0 =	vsel vm15, v1, v0  }
0x141: {  	v36 =	vsel vm3, s24, v48;
	vm3 =	vlt.s32 v0, v9  }
0x142: {  	vm9 =	veq.f32 v33, v2;
	v6 =	vshll.u32 v36, $0x8;
	v1 =	vsel vm3, v0, v9  }
0x143: {  	v39 =	vor.u32 v10, v6;
	vm3 =	vgt.f32 v60, v40;
	v0 =	vsel vm9, v1, v0  }
0x144: {  	v40 =	vsel vm3, s24, v41;
	vm3 =	vlt.s32 v0, v39  }
0x145: {  	vm10 =	veq.f32 v3, v2;
	v41 =	vshll.u32 v40, $0x8;
	v1 =	vsel vm3, v0, v39  }
0x146: {  	vm3 =	vgt.f32 v47, v34;
	v42 =	vor.u32 v11, v41;
	v0 =	vsel vm10, v1, v0  }
0x147: {  	v43 =	vsel vm3, s24, v38;
	vm3 =	vlt.s32 v0, v42  }
0x148: {  	vm11 =	veq.f32 v4, v2;
	v3 =	vshll.u32 v43, $0x8;
	v1 =	vsel vm3, v0, v42  }
0x149: {  	vm3 =	vgt.f32 v53, v35;
	v44 =	vor.u32 v12, v3;
	v0 =	vsel vm11, v1, v0  }
0x14a: {  	v45 =	vsel vm3, s24, v37;
	vm3 =	vlt.s32 v0, v44  }
0x14b: {  	vm12 =	veq.f32 v5, v2;
	v3 =	vshll.u32 v45, $0x8;
	v1 =	vsel vm3, v0, v44  }
0x14c: {  	vm3 =	vgt.f32 v51, v32;
	v46 =	vor.u32 v13, v3;
	v0 =	vsel vm12, v1, v0  }
0x14d: {  	v47 =	vsel vm3, s24, v31;
	vm3 =	vlt.s32 v0, v46  }
0x14e: {  	vm13 =	veq.f32 v54, v2;
	v3 =	vshll.u32 v47, $0x8;
	v1 =	vsel vm3, v0, v46  }
0x14f: {  	v48 =	vor.u32 v14, v3;
	v0 =	vsel vm13, v1, v0  }
0x150: {  	vm3 =	vlt.s32 v0, v48  }
0x151: {  	v49 =	vshll.u32 v28, $0x8;
	vm14 =	veq.f32 v59, v2;
	v1 =	vsel vm3, v0, v48  }
0x152: {  	v50 =	vor.u32 v15, v49;
	v0 =	vsel vm14, v1, v0  }
0x153: {  	v51 =	vsel vm5, s24, v26;
	vm3 =	vlt.s32 v0, v50  }
0x154: {  	vm15 =	veq.f32 v27, v2;
	v3 =	vshll.u32 v51, $0x8;
	v1 =	vsel vm3, v0, v50  }
0x155: {  	v52 =	vor.u32 v16, v3;
	v0 =	vsel vm15, v1, v0  }
0x156: {  	v53 =	vsel vm2, s24, v30;
	vm2 =	vlt.s32 v0, v52  }
0x157: {  	v3 =	vshll.u32 v53, $0x8;
	vm3 =	veq.f32 v29, v2;
	v1 =	vsel vm2, v0, v52  }
0x158: {  	v54 =	vor.u32 v17, v3;
	v0 =	vsel vm3, v1, v0  }
0x159: {  	vm2 =	vlt.s32 v0, v54  }
0x15a: {  	vm3 =	veq.f32 v55, v2;
	v55 =	vshll.u32 v24, $0x8;
	v1 =	vsel vm2, v0, v54  }
0x15b: {  	v58 =	vor.u32 v18, v55;
	v0 =	vsel vm3, v1, v0  }
0x15c: {  	vm2 =	vlt.s32 v0, v58  }
0x15d: {  	v59 =	vshll.u32 v23, $0x8;
	vm3 =	veq.f32 v25, v2;
	v1 =	vsel vm2, v0, v58  }
0x15e: {  	v60 =	vor.u32 v19, v59;
	v0 =	vsel vm3, v1, v0  }
0x15f: {  	vm2 =	vlt.s32 v0, v60  }
0x160: {  	vm3 =	veq.f32 v22, v2;
	v1 =	vsel vm2, v0, v60  }
0x161: {  	v0 =	vsel vm3, v1, v0  }
0x162: {  	v1 =	vperm.xlane v0, v61;
	_ =	sdelay $0x1  }
0x163: {  	vm2 =	vlt.s32 v0, v1  }
0x164: {  	v0 =	vsel vm2, v0, v1  }
0x165: {  	v1 =	vperm.xlane v0, v63;
	_ =	sdelay $0x1  }
0x166: {  	vm2 =	vlt.s32 v0, v1  }
0x167: {  	v0 =	vsel vm2, v0, v1  }
0x168: {  	v1 =	vperm.xlane v0, v7;
	_ =	sdelay $0x1  }
0x169: {  	vm2 =	vlt.s32 v0, v1  }
0x16a: {  	v0 =	vsel vm2, v0, v1  }
0x16b: {  	v1 =	vperm.xlane v0, v8;
	_ =	sdelay $0x1  }
0x16c: {  	vm2 =	vlt.s32 v0, v1  }
0x16d: {  	vm3 =	vlt.s32 v20, v21;
	v0 =	vsel vm2, v0, v1  }
0x16e: {  	v62 =	vsel vm3, v20, v21;
	v0 =	vnsel vm0, $0x0, v0  }
0x16f: {  	v0 =	vsel vm1, v62, v0  }
0x170: {  	[tilespmem:$0x4000] =	vst v0  }
0x171: {  	[spmem:s8] =	stream.linear.scatter [tilespmem:s21], [sflag:$0x6], $0x10, $0x38;
	[tilespmem:$0x4210] =	vst v63  }
0x172: {  	_ =	swait.ge [sflag:s22], $0x10  }
0x173: {  	[sflag:s22] =	ssyncset.done $0x0  }
0x174: {  	[sflag:s22] =	ssyncadd.s32 $0xFFFFFFF0  }
0x175: {  	s24 =	simm.s32 @!p0 $0x4080;
	[bflag:$0x0] =	sbarrier.arrive $0xFFFF  }
0x176: {  	[tilespmem:s24], [sflag:$0x6] =	stream.linear.gather @!p0 [spmem:s1], $0x100, $0x38;
	[tilespmem:$0x4210] =	vst v63  }
0x177: {  	s24 =	simm.s32 @!p0 $0x6  }
0x178: {  	_ =	swait.ge @!p0 [sflag:s24], $0x100  }
0x179: {  	[sflag:s24] =	ssyncset.done @!p0 $0x0  }
0x17a: {  	[sflag:s24] =	ssyncadd.s32 @!p0 $0xFFFFFF00  }
0x17b: {  	v0 =	vld @!p0 [tilespmem:$0x4080]  }
0x17c: {  	v1 =	vld @!p0 [tilespmem:$0x4090]  }
0x17d: {  	v2 =	vld @!p0 [tilespmem:$0x40A0]  }
0x17e: {  	v3 =	vld @!p0 [tilespmem:$0x40B0]  }
0x17f: {  	v4 =	vld @!p0 [tilespmem:$0x40C0]  }
0x180: {  	v5 =	vld @!p0 [tilespmem:$0x40D0]  }
0x181: {  	v6 =	vld @!p0 [tilespmem:$0x40E0]  }
0x182: {  	v7 =	vld @!p0 [tilespmem:$0x40F0]  }
0x183: {  	v56 =	vmov v8;
	v8 =	vld @!p0 [tilespmem:$0x4100]  }
0x184: {  	v9 =	vld @!p0 [tilespmem:$0x4110]  }
0x185: {  	v10 =	vld @!p0 [tilespmem:$0x4120]  }
0x186: {  	v11 =	vld @!p0 [tilespmem:$0x4130]  }
0x187: {  	v12 =	vld @!p0 [tilespmem:$0x4140]  }
0x188: {  	v0 =	vadd.s32 @!p0 v0, v1;
	v1 =	vld @!p0 [tilespmem:$0x4150]  }
0x189: {  	v0 =	vadd.s32 @!p0 v2, v0;
	v2 =	vadd.s32 @!p0 v8, v9;
	v8 =	vld @!p0 [tilespmem:$0x4160]  }
0x18a: {  	v0 =	vadd.s32 @!p0 v3, v0;
	v2 =	vadd.s32 @!p0 v10, v2;
	v3 =	vld @!p0 [tilespmem:$0x4170]  }
0x18b: {  	v0 =	vadd.s32 @!p0 v4, v0;
	v2 =	vadd.s32 @!p0 v11, v2  }
0x18c: {  	v0 =	vadd.s32 @!p0 v5, v0;
	v2 =	vadd.s32 @!p0 v12, v2  }
0x18d: {  	v0 =	vadd.s32 @!p0 v6, v0;
	v1 =	vadd.s32 @!p0 v1, v2  }
0x18e: {  	s23 =	sadd.s32 $0x1, s23;
	v0 =	vadd.s32 @!p0 v7, v0;
	v1 =	vadd.s32 @!p0 v8, v1  }
0x18f: {  	p1 =	sne.s32 s23, s10;
	[tilespmem:$0x4180] =	vst @!p0 v0;
	v0 =	vadd.s32 @!p0 v3, v1  }
.Ltmp5:
0x190: {  	s25 =	simm.s32 @!p0 $0x0;
	s26 =	simm.s32 @!p0 $0x4180;
	[tilespmem:$0x4190] =	vst @!p0 v0;
	(pc) =	sbr.rel @p1 .LBB2_1-.Ltmp5, $4  }
0x191: {  	[hbm4b:s9+s25] =	stream.linear.scatter @!p0 [tilespmem:s26], [sflag:$0x6], $0x20, $0x38;
	[tilespmem:$0x4210] =	vst v63  }
0x192: {  	_ =	swait.ge @!p0 [sflag:s24], $0x20  }
0x193: {  	[sflag:s24] =	ssyncset.done @!p0 $0x0  }
0x194: {  	[sflag:s24] =	ssyncadd.s32 @!p0 $0xFFFFFFE0  }
0x195: {  	_ =	sfence.sel $0x180000  }
0x196: {  	[bflag:$0x0] =	sbarrier.arrive $0xFFFF  }
0x197: {  	_ =	strace $0x90000047  }
0x198: {  	s0 =	sadd.s32 @!p0 $0x100000, s0;
	[bflag:$0x2] =	sbarrier.arrive $0xFFFF  }
0x199: {  	[sflag:s0] =	ssyncadd.tile.s32 @!p0 $0x1;
	_ =	shalt  }
.Lfunc_end2:
_tile_overlayer_lowered:
.L_overlay_start_2:
0x19a: {  	(tag) =	ssettag $0x2  }
0x19b: {  	s0 =	rddreg [dreg:$0x0];
	s2 =	stileid.u32  }
0x19c: {  	s1 =	rddreg [dreg:$0x1];
	p0 =	sne.s32 s2, $0x0  }
0x19d: {  	s3 =	rddreg [dreg:$0x2];
	[bflag:$0x3] =	sbarrier.arrive $0xFFFF;
	s2 =	simm.s32 @!p0 $0x1C06  }
0x19e: {  	[timem:s3], [sflag:s2] =	dma.local @!p0 [hbm:s0], s1  }
0x19f: {  	s0 =	simm.s32 @!p0 $0x6  }
0x1a0: {  	_ =	swait.ge @!p0 [sflag:s0], s1  }
0x1a1: {  	s1 =	ssub.s32 @!p0 $0x0, s1;
	[sflag:s0] =	ssyncset.done @!p0 $0x0  }
0x1a2: {  	[sflag:s0] =	ssyncadd.s32 @!p0 s1  }
0x1a3: {  	[bflag:$0x3] =	sbarrier.arrive $0xFFFF  }
0x1a4: {  	_ =	shalt  }

</sc_bundles>
